<compile_context>
chip_gen: v7x
topology: tpu7x:2x2x1
jax: 0.10.2.dev20260603
libtpu: 0.0.44.dev20260713+nightly
codegen_flags: <defaults>
</compile_context>

<pallas_src>
import functools

import jax
import jax.numpy as jnp
from jax import lax
from jax.experimental import pallas as pl
from jax.experimental.pallas import tpu as pltpu
from jax.experimental.pallas import tpu_sc as plsc

V = 10000
E = 160000
DIN = 128
DOUT = 32
DE = 16
DH = 128
STEPS = 3

VP = 10240
NC = 2
NS = 16
NW = NC * NS
CHUNK = 1000
EPW = E // NW
NCHUNK = EPW // CHUNK

TE = 4000
TEM = 4000
BV = 2048

@functools.lru_cache(maxsize=None)
def _sc_mesh():
    return plsc.VectorSubcoreMesh(
        core_axis_name="c", subcore_axis_name="s", num_cores=NC, num_subcores=NS
    )


def _pack4(y, q):
    return jnp.concatenate([y[k * q:(k + 1) * q, :] for k in range(4)], axis=1)


def _unpack4(yp):
    return jnp.concatenate(
        [yp[:, k * DOUT:(k + 1) * DOUT] for k in range(4)], axis=0)


def _proj_body(nf_ref, w_ref, b_ref, o_ref):
    y = jax.nn.relu(
        jnp.dot(nf_ref[...], w_ref[...], preferred_element_type=jnp.float32)
        + b_ref[...]
    )
    o_ref[...] = _pack4(y, BV // 4)


def _proj(nf_perm, W_proj, b_proj):
    return pl.pallas_call(
        _proj_body,
        grid=(VP // BV,),
        in_specs=[
            pl.BlockSpec((BV, DIN), lambda i: (i, 0)),
            pl.BlockSpec((DIN, DOUT), lambda i: (0, 0)),
            pl.BlockSpec((1, DOUT), lambda i: (0, 0)),
        ],
        out_specs=pl.BlockSpec((BV // 4, 128), lambda i: (i, 0)),
        out_shape=jax.ShapeDtypeStruct((VP // 4, 128), jnp.float32),
    )(nf_perm, W_proj, b_proj.reshape(1, DOUT))


def _make_gather(off, epw, nch):
    def body(x_hbm, src_hbm, out_hbm, idx_v, rows0, rows1, gs0, gs1, ws0, ws1):
        c = lax.axis_index("c")
        s = lax.axis_index("s")
        base = (c * NS + s) * epw
        pltpu.sync_copy(src_hbm.at[pl.ds(off + base, epw)], idx_v)
        bufs = (rows0, rows1)
        gsems = (gs0, gs1)
        wsems = (ws0, ws1)
        gcp = [None] * nch
        wcp = [None] * nch
        gcp[0] = pltpu.async_copy(
            x_hbm.at[idx_v.at[pl.ds(0, CHUNK)]], bufs[0], gsems[0])
        for j in range(nch):
            b = j % 2
            if j + 1 < nch:
                if j >= 1:
                    wcp[j - 1].wait()
                gcp[j + 1] = pltpu.async_copy(
                    x_hbm.at[idx_v.at[pl.ds((j + 1) * CHUNK, CHUNK)]],
                    bufs[1 - b], gsems[1 - b])
            gcp[j].wait()
            wcp[j] = pltpu.async_copy(
                bufs[b], out_hbm.at[pl.ds(base + j * CHUNK, CHUNK)], wsems[b])
        if nch >= 2:
            wcp[nch - 2].wait()
        wcp[nch - 1].wait()

    return pl.kernel(
        body,
        out_type=jax.ShapeDtypeStruct((epw * NW, DOUT), jnp.float32),
        mesh=_sc_mesh(),
        scratch_types=[
            pltpu.VMEM((epw,), jnp.int32),
            pltpu.VMEM((CHUNK, DOUT), jnp.float32),
            pltpu.VMEM((CHUNK, DOUT), jnp.float32),
            pltpu.SemaphoreType.DMA,
            pltpu.SemaphoreType.DMA,
            pltpu.SemaphoreType.DMA,
            pltpu.SemaphoreType.DMA,
        ],
        compiler_params=pltpu.CompilerParams(use_tc_tiling_on_sc=False),
    )


@functools.lru_cache(maxsize=None)
def _gather_kernel():
    return _make_gather(0, EPW, NCHUNK)


def _make_scatter(epw, nch):
    def body(msg_hbm, dst_hbm, zeros_hbm, out_hbm, idx2_v, rows0, rows1,
             acc_sh, ls0, ls1, ss0, ss1):
        c = lax.axis_index("c")
        s = lax.axis_index("s")
        rpt = VP // NS
        base = (c * NS + s) * epw
        zcp = pltpu.async_copy(
            zeros_hbm.at[pl.ds(s * rpt, rpt)], acc_sh.at[pl.ds(s * rpt, rpt)],
            ss0)
        pltpu.sync_copy(dst_hbm.at[c * NS + s], idx2_v)
        zcp.wait()
        plsc.subcore_barrier()
        bufs = (rows0, rows1)
        lsems = (ls0, ls1)
        ssems = (ss0, ss1)
        lcp = [None] * nch
        scp = [None] * nch
        lcp[0] = pltpu.async_copy(
            msg_hbm.at[pl.ds(base, CHUNK)], bufs[0], lsems[0])
        for j in range(nch):
            b = j % 2
            if j + 1 < nch:
                if j >= 1:
                    scp[j - 1].wait()
                lcp[j + 1] = pltpu.async_copy(
                    msg_hbm.at[pl.ds(base + (j + 1) * CHUNK, CHUNK)],
                    bufs[1 - b], lsems[1 - b])
            lcp[j].wait()
            scp[j] = pltpu.async_copy(
                bufs[b], acc_sh.at[idx2_v.at[j]], ssems[b], add=True)
        if nch >= 2:
            scp[nch - 2].wait()
        scp[nch - 1].wait()
        plsc.subcore_barrier()
        pltpu.sync_copy(
            acc_sh.at[pl.ds(s * rpt, rpt)], out_hbm.at[c, pl.ds(s * rpt, rpt)]
        )

    return pl.kernel(
        body,
        out_type=jax.ShapeDtypeStruct((NC, VP, DOUT), jnp.float32),
        mesh=_sc_mesh(),
        scratch_types=[
            pltpu.VMEM((nch, CHUNK), jnp.int32),
            pltpu.VMEM((CHUNK, DOUT), jnp.float32),
            pltpu.VMEM((CHUNK, DOUT), jnp.float32),
            pltpu.VMEM_SHARED((VP, DOUT), jnp.float32),
            pltpu.SemaphoreType.DMA,
            pltpu.SemaphoreType.DMA,
            pltpu.SemaphoreType.DMA,
            pltpu.SemaphoreType.DMA,
        ],
        compiler_params=pltpu.CompilerParams(use_tc_tiling_on_sc=False),
    )


@functools.lru_cache(maxsize=None)
def _scatter_kernel():
    return _make_scatter(EPW, NCHUNK)


def _wbuild_body(ea_ref, we1_ref, be1_ref, we2p_ref, o_ref):
    he = jax.nn.relu(
        jnp.dot(ea_ref[...].astype(jnp.bfloat16), we1_ref[...],
                preferred_element_type=jnp.float32)
        + be1_ref[...]
    ).astype(jnp.bfloat16)
    o_ref[...] = jnp.dot(
        he, we2p_ref[...], preferred_element_type=jnp.float32
    ).astype(jnp.bfloat16)


def _wbuild(edge_attr_f32, W_e1, b_e1, we2p):
    return pl.pallas_call(
        _wbuild_body,
        grid=(E // TE,),
        in_specs=[
            pl.BlockSpec((TE, DE), lambda i: (i, 0)),
            pl.BlockSpec((DE, DH), lambda i: (0, 0)),
            pl.BlockSpec((1, DH), lambda i: (0, 0)),
            pl.BlockSpec((DH, DOUT * DOUT), lambda i: (0, 0)),
        ],
        out_specs=pl.BlockSpec((TE, DOUT * DOUT), lambda i: (i, 0)),
        out_shape=jax.ShapeDtypeStruct((E, DOUT * DOUT), jnp.bfloat16),
    )(edge_attr_f32, W_e1, b_e1.reshape(1, DH), we2p)


def _msg_body(wep_ref, xjp_ref, rep4_ref, b2m_ref, red_ref, o_ref):
    q = TEM // 4
    we = wep_ref[...].astype(jnp.bfloat16)
    xjp = xjp_ref[...].astype(jnp.bfloat16)
    xj = jnp.concatenate(
        [xjp[:, k * DOUT:(k + 1) * DOUT] for k in range(4)], axis=0)
    xt = jnp.dot(xj, rep4_ref[...],
                 preferred_element_type=jnp.float32).astype(jnp.bfloat16)
    xr = jnp.concatenate([xt] * (DOUT * DOUT // 128), axis=1)
    p = we * xr
    msg = (
        jnp.dot(p, red_ref[...], preferred_element_type=jnp.float32)
        + jnp.dot(xj, b2m_ref[...], preferred_element_type=jnp.float32)
    )
    o_ref[...] = jnp.concatenate(
        [msg[k * q:(k + 1) * q, :] for k in range(4)], axis=1)


def _msg(wep, xjp, rep4, b2m, red, off_b, nb):
    return pl.pallas_call(
        _msg_body,
        grid=(nb,),
        in_specs=[
            pl.BlockSpec((TEM, DOUT * DOUT), lambda i: (i + off_b, 0)),
            pl.BlockSpec((TEM // 4, 128), lambda i: (i, 0)),
            pl.BlockSpec((DOUT, 128), lambda i: (0, 0)),
            pl.BlockSpec((DOUT, DOUT), lambda i: (0, 0)),
            pl.BlockSpec((DOUT * DOUT, DOUT), lambda i: (0, 0)),
        ],
        out_specs=pl.BlockSpec((TEM // 4, 128), lambda i: (i, 0)),
        out_shape=jax.ShapeDtypeStruct((nb * TEM // 4, 128), jnp.float32),
    )(wep, xjp, rep4, b2m, red)


def _gru_body(a_ref, x_ref, wr_ref, bc_ref, wir_ref, wiz_ref,
              win_ref, whr_ref, whz_ref, whn_ref, bi_ref, bh_ref, o_ref):
    x = _unpack4(x_ref[...])
    conv = (
        _unpack4(a_ref[0]) + _unpack4(a_ref[1])
        + jnp.dot(x, wr_ref[...], preferred_element_type=jnp.float32)
        + bc_ref[...]
    )
    m = jax.nn.relu(conv)
    bi = bi_ref[...]
    bh = bh_ref[...]
    gir = jnp.dot(m, wir_ref[...], preferred_element_type=jnp.float32) + bi[0:1]
    giz = jnp.dot(m, wiz_ref[...], preferred_element_type=jnp.float32) + bi[1:2]
    gin = jnp.dot(m, win_ref[...], preferred_element_type=jnp.float32) + bi[2:3]
    ghr = jnp.dot(x, whr_ref[...], preferred_element_type=jnp.float32) + bh[0:1]
    ghz = jnp.dot(x, whz_ref[...], preferred_element_type=jnp.float32) + bh[1:2]
    ghn = jnp.dot(x, whn_ref[...], preferred_element_type=jnp.float32) + bh[2:3]
    r = jax.nn.sigmoid(gir + ghr)
    z = jax.nn.sigmoid(giz + ghz)
    n = jnp.tanh(gin + r * ghn)
    o_ref[...] = _pack4((1.0 - z) * n + z * x, BV // 4)


def _gru(aggs_p, xp, W_root, b_conv, wi3, wh3, bi3, bh3):
    wspec = pl.BlockSpec((DOUT, DOUT), lambda i: (0, 0))
    aspec = pl.BlockSpec((NC, BV // 4, 128), lambda i: (0, i, 0))
    return pl.pallas_call(
        _gru_body,
        grid=(VP // BV,),
        in_specs=[
            aspec,
            pl.BlockSpec((BV // 4, 128), lambda i: (i, 0)),
            wspec,
            pl.BlockSpec((1, DOUT), lambda i: (0, 0)),
            wspec, wspec, wspec, wspec, wspec, wspec,
            pl.BlockSpec((3, DOUT), lambda i: (0, 0)),
            pl.BlockSpec((3, DOUT), lambda i: (0, 0)),
        ],
        out_specs=pl.BlockSpec((BV // 4, 128), lambda i: (i, 0)),
        out_shape=jax.ShapeDtypeStruct((VP // 4, 128), jnp.float32),
    )(aggs_p, xp, W_root, b_conv.reshape(1, DOUT), wi3[0], wi3[1],
      wi3[2], wh3[0], wh3[1], wh3[2], bi3, bh3)


def _gather(x, src):
    return _gather_kernel()(x, src)


def _scatter(msg, dst3, zeros):
    return _scatter_kernel()(msg, dst3, zeros)


def kernel(node_feats, edge_attr, edge_index, W_proj, b_proj, W_e1, b_e1,
           W_e2, b_e2, W_root, b_conv, W_ih, W_hh, b_ih, b_hh):
    src = edge_index[0]
    dst3 = edge_index[1].reshape(NW, NCHUNK, CHUNK)
    we1 = W_e1.astype(jnp.bfloat16)
    t = jnp.arange(DOUT * DOUT)
    we2p = W_e2[:, (t % DOUT) * DOUT + t // DOUT].astype(jnp.bfloat16)
    b2m = b_e2.reshape(DOUT, DOUT).astype(jnp.bfloat16)
    li = lax.broadcasted_iota(jnp.int32, (DOUT, 128), 1)
    ri = lax.broadcasted_iota(jnp.int32, (DOUT, 128), 0)
    rep4 = (li % DOUT == ri).astype(jnp.bfloat16)
    lo = lax.broadcasted_iota(jnp.int32, (DOUT * DOUT, DOUT), 0)
    co = lax.broadcasted_iota(jnp.int32, (DOUT * DOUT, DOUT), 1)
    red = (lo // DOUT == co).astype(jnp.bfloat16)
    wi3 = W_ih.reshape(3, DOUT, DOUT).transpose(0, 2, 1)
    wh3 = W_hh.reshape(3, DOUT, DOUT).transpose(0, 2, 1)
    bi3 = b_ih.reshape(3, DOUT)
    bh3 = b_hh.reshape(3, DOUT)
    zeros = jnp.zeros((VP, DOUT), jnp.float32)

    ea_perm = edge_attr.reshape(E // TEM, TEM // 4, 4, DE).transpose(
        0, 2, 1, 3).reshape(E, DE)
    nf_pad = jnp.zeros((VP, DIN), jnp.float32).at[:V].set(node_feats)
    nf_perm = nf_pad.reshape(VP // BV, BV // 4, 4, DIN).transpose(
        0, 2, 1, 3).reshape(VP, DIN)

    wep = _wbuild(ea_perm, we1, b_e1, we2p)
    xp = _proj(nf_perm, W_proj, b_proj)
    for _ in range(STEPS):
        xj = _gather(xp.reshape(VP, DOUT), src)
        msgp = _msg(wep, xj.reshape(E // 4, 128), rep4, b2m, red, 0, E // TEM)
        aggs = _scatter(msgp.reshape(E, DOUT), dst3, zeros)
        xp = _gru(aggs.reshape(NC, VP // 4, 128), xp, W_root, b_conv,
                  wi3, wh3, bi3, bh3)
    return (xp.reshape(VP, DOUT)[:V], edge_attr)

# --- scband reference (transcript-rebuilt; emitter-appended) ---
"""Pipeline reference for scband-mpnngnn-89842125898316 (READ-ONLY COPY).

The authoritative reference and input builder live on the scoring server;
editing this copy changes nothing except your own understanding.
"""

import jax, jax.numpy as jnp
import numpy as np

V = 10000
E = 160000
DIN = 128
DOUT = 32
DE = 16
DH = 128
STEPS = 3


def setup_inputs(seed: int = 0):
    key = jax.random.key(seed)
    ks = jax.random.split(key, 16)
    s = 0.05
    return {
        'node_feats': jax.random.normal(ks[0], (V, DIN), dtype=jnp.float32),
        'edge_attr': jax.random.normal(ks[1], (E, DE), dtype=jnp.float32),
        'edge_index': jax.random.randint(ks[2], (2, E), 0, V, dtype=jnp.int32),
        'W_proj': jax.random.normal(ks[3], (DIN, DOUT), dtype=jnp.float32) * s,
        'b_proj': jnp.zeros((DOUT,), dtype=jnp.float32),
        'W_e1': jax.random.normal(ks[4], (DE, DH), dtype=jnp.float32) * s,
        'b_e1': jnp.zeros((DH,), dtype=jnp.float32),
        'W_e2': jax.random.normal(ks[5], (DH, DOUT * DOUT), dtype=jnp.float32) * s,
        'b_e2': jnp.zeros((DOUT * DOUT,), dtype=jnp.float32),
        'W_root': jax.random.normal(ks[6], (DOUT, DOUT), dtype=jnp.float32) * s,
        'b_conv': jnp.zeros((DOUT,), dtype=jnp.float32),
        'W_ih': jax.random.normal(ks[7], (3 * DOUT, DOUT), dtype=jnp.float32) * s,
        'W_hh': jax.random.normal(ks[8], (3 * DOUT, DOUT), dtype=jnp.float32) * s,
        'b_ih': jnp.zeros((3 * DOUT,), dtype=jnp.float32),
        'b_hh': jnp.zeros((3 * DOUT,), dtype=jnp.float32),
    }


def _gru_cell(x, h, W_ih, W_hh, b_ih, b_hh):
    # torch.nn.GRU single step, single layer
    gi = x @ W_ih.T + b_ih
    gh = h @ W_hh.T + b_hh
    i_r, i_z, i_n = jnp.split(gi, 3, axis=-1)
    h_r, h_z, h_n = jnp.split(gh, 3, axis=-1)
    r = jax.nn.sigmoid(i_r + h_r)
    z = jax.nn.sigmoid(i_z + h_z)
    n = jnp.tanh(i_n + r * h_n)
    return (1.0 - z) * n + z * h


def _forward(node_feats, edge_attr, edge_index, W_proj, b_proj, W_e1, b_e1, W_e2, b_e2, W_root, b_conv, W_ih, W_hh, b_ih, b_hh):
    src = edge_index[0]
    dst = edge_index[1]
    # project_node_feats (dropout=0.0)
    x = jax.nn.relu(node_feats @ W_proj + b_proj)
    h = x
    # NNConv edge network: edge_attr is constant across message-passing steps,
    # so the per-edge weight matrices are identical each step; compute once.
    ew = jax.nn.relu(edge_attr @ W_e1 + b_e1) @ W_e2 + b_e2
    W_edge = ew.reshape(E, DOUT, DOUT)
    for _ in range(STEPS):
        xj = jnp.take(x, src, axis=0)                 # gather source node feats [E, DOUT]
        msg = jnp.einsum('ei,eio->eo', xj, W_edge)    # per-edge matvec [E, DOUT]
        agg = jax.ops.segment_sum(msg, dst, num_segments=V)  # scatter-add to dst
        conv = agg + x @ W_root + b_conv              # PyG NNConv root weight + bias
        m = jax.nn.relu(conv)
        h = _gru_cell(m, h, W_ih, W_hh, b_ih, b_hh)
        x = h
    return x


def reference(node_feats, edge_attr, edge_index, W_proj, b_proj, W_e1, b_e1, W_e2, b_e2, W_root, b_conv, W_ih, W_hh, b_ih, b_hh):
    x = _forward(node_feats, edge_attr, edge_index, W_proj, b_proj, W_e1, b_e1, W_e2, b_e2, W_root, b_conv, W_ih, W_hh, b_ih, b_hh)
    return (x, edge_attr)

if __name__ == "__main__":
    import jax
    _d = setup_inputs()
    print(jax.jit(kernel)(*tuple(_d.values())))

</pallas_src>

<mosaic_0001>
#map = affine_map<(d0, d1) -> (0, 0)>
#map1 = affine_map<(d0, d1) -> (0)>
module attributes {stable_mosaic.version = 14 : i64} {
  func.func @body(%arg0: i32, %arg1: i32, %arg2: memref<10240x32xf32, #tpu.memory_space<hbm>>, %arg3: memref<160000xi32, #tpu.memory_space<hbm>>, %arg4: memref<160000x32xf32, #tpu.memory_space<hbm>>, %arg5: memref<5000xi32, #tpu.memory_space<vmem>>, %arg6: memref<1000x32xf32, #tpu.memory_space<vmem>>, %arg7: memref<1000x32xf32, #tpu.memory_space<vmem>>, %arg8: memref<!tpu.dma_semaphore, #tpu.memory_space<semaphore_mem>>, %arg9: memref<!tpu.dma_semaphore, #tpu.memory_space<semaphore_mem>>, %arg10: memref<!tpu.dma_semaphore, #tpu.memory_space<semaphore_mem>>, %arg11: memref<!tpu.dma_semaphore, #tpu.memory_space<semaphore_mem>>) attributes {dimension_semantics = [#tpu.dimension_semantics<core_parallel>, #tpu.dimension_semantics<subcore_parallel>], iteration_bounds = array<i64: 2, 16>, scalar_prefetch = 0 : i64, scratch_operands = 7 : i64, tpu.core_type = #tpu.core_type<sc_vector_subcore>, window_params = [{transform_indices = #map}, {transform_indices = #map1}, {transform_indices = #map}]} {
    %mul3A = arith.constant 16 : i32
    %mul3A_0 = arith.muli %arg0, %mul3A : i32
    %add3A = arith.addi %mul3A_0, %arg1 : i32
    %mul3A_1 = arith.constant 5000 : i32
    %mul3A_2 = arith.muli %add3A, %mul3A_1 : i32
    %add3A_3 = arith.constant 0 : i32
    %add3A_4 = arith.addi %add3A_3, %mul3A_2 : i32
    "tpu.region"() ({
      %run_scoped3A = tpu.sem_alloc : memref<!tpu.dma_semaphore, #tpu.memory_space<semaphore_mem>>
      %dma_start3A_103 = tpu.memref_slice %arg3[%add3A_4] : memref<160000xi32, #tpu.memory_space<hbm>> -> memref<5000xi32, #tpu.memory_space<hbm>>
      %dma_start3A_104 = tpu.memref_slice %arg3[%add3A_4] : memref<160000xi32, #tpu.memory_space<hbm>> -> memref<5000xi32, #tpu.memory_space<hbm>>
      tpu.enqueue_dma source(%dma_start3A_104 : memref<5000xi32, #tpu.memory_space<hbm>>) target(%arg5 : memref<5000xi32, #tpu.memory_space<vmem>>) target_semaphore(%run_scoped3A : memref<!tpu.dma_semaphore, #tpu.memory_space<semaphore_mem>>)
      %dma_wait3A_105 = tpu.memref_slice %arg3[%add3A_4] : memref<160000xi32, #tpu.memory_space<hbm>> -> memref<5000xi32, #tpu.memory_space<hbm>>
      %dma_wait3A_106 = tpu.memref_slice %arg3[%add3A_4] : memref<160000xi32, #tpu.memory_space<hbm>> -> memref<5000xi32, #tpu.memory_space<hbm>>
      tpu.wait_dma2 semaphore(%run_scoped3A : memref<!tpu.dma_semaphore, #tpu.memory_space<semaphore_mem>>) src(%dma_wait3A_106 : memref<5000xi32, #tpu.memory_space<hbm>>) dst(%arg5 : memref<5000xi32, #tpu.memory_space<vmem>>)
      tpu.yield
    }) : () -> ()
    %dma_start3A = arith.constant 0 : i32
    %dma_start3A_5 = tpu.memref_slice %arg5[%dma_start3A] : memref<5000xi32, #tpu.memory_space<vmem>> -> memref<1000xi32, #tpu.memory_space<vmem>>
    %dma_start3A_6 = arith.constant 0 : i32
    %dma_start3A_7 = arith.constant 0 : i32
    %dma_start3A_8 = tpu.memref_slice %arg2[%dma_start3A_6, %dma_start3A_7] : memref<10240x32xf32, #tpu.memory_space<hbm>> -> memref<10240x32xf32, #tpu.memory_space<hbm>>
    tpu.enqueue_indirect_dma source(%dma_start3A_8 : memref<10240x32xf32, #tpu.memory_space<hbm>>) target(%arg6 : memref<1000x32xf32, #tpu.memory_space<vmem>>) offsets(%dma_start3A_5 : memref<1000xi32, #tpu.memory_space<vmem>>) semaphore(%arg8 : memref<!tpu.dma_semaphore, #tpu.memory_space<semaphore_mem>>)
    %dma_start3A_9 = arith.constant 1000 : i32
    %dma_start3A_10 = tpu.memref_slice %arg5[%dma_start3A_9] : memref<5000xi32, #tpu.memory_space<vmem>> -> memref<1000xi32, #tpu.memory_space<vmem>>
    %dma_start3A_11 = arith.constant 0 : i32
    %dma_start3A_12 = arith.constant 0 : i32
    %dma_start3A_13 = tpu.memref_slice %arg2[%dma_start3A_11, %dma_start3A_12] : memref<10240x32xf32, #tpu.memory_space<hbm>> -> memref<10240x32xf32, #tpu.memory_space<hbm>>
    tpu.enqueue_indirect_dma source(%dma_start3A_13 : memref<10240x32xf32, #tpu.memory_space<hbm>>) target(%arg7 : memref<1000x32xf32, #tpu.memory_space<vmem>>) offsets(%dma_start3A_10 : memref<1000xi32, #tpu.memory_space<vmem>>) semaphore(%arg9 : memref<!tpu.dma_semaphore, #tpu.memory_space<semaphore_mem>>)
    %dma_wait3A = arith.constant 0 : i32
    %dma_wait3A_14 = tpu.memref_slice %arg5[%dma_wait3A] : memref<5000xi32, #tpu.memory_space<vmem>> -> memref<1000xi32, #tpu.memory_space<vmem>>
    %dma_wait3A_15 = arith.constant 0 : i32
    %dma_wait3A_16 = arith.constant 0 : i32
    %dma_wait3A_17 = tpu.memref_slice %arg2[%dma_wait3A_15, %dma_wait3A_16] : memref<10240x32xf32, #tpu.memory_space<hbm>> -> memref<10240x32xf32, #tpu.memory_space<hbm>>
    tpu.wait_indirect_dma semaphore(%arg8 : memref<!tpu.dma_semaphore, #tpu.memory_space<semaphore_mem>>) src(%dma_wait3A_17 : memref<10240x32xf32, #tpu.memory_space<hbm>>) dst(%arg6 : memref<1000x32xf32, #tpu.memory_space<vmem>>)
    %add3A_18 = arith.constant 0 : i32
    %add3A_19 = arith.addi %mul3A_2, %add3A_18 : i32
    %dma_start3A_20 = arith.constant 0 : i32
    %dma_start3A_21 = tpu.memref_slice %arg4[%add3A_19, %dma_start3A_20] : memref<160000x32xf32, #tpu.memory_space<hbm>> -> memref<1000x32xf32, #tpu.memory_space<hbm>>
    %dma_start3A_22 = arith.constant 0 : i32
    %dma_start3A_23 = tpu.memref_slice %arg4[%add3A_19, %dma_start3A_22] : memref<160000x32xf32, #tpu.memory_space<hbm>> -> memref<1000x32xf32, #tpu.memory_space<hbm>>
    tpu.enqueue_dma source(%arg6 : memref<1000x32xf32, #tpu.memory_space<vmem>>) target(%dma_start3A_23 : memref<1000x32xf32, #tpu.memory_space<hbm>>) target_semaphore(%arg10 : memref<!tpu.dma_semaphore, #tpu.memory_space<semaphore_mem>>)
    %dma_wait3A_24 = arith.constant 0 : i32
    %dma_wait3A_25 = tpu.memref_slice %arg4[%add3A_19, %dma_wait3A_24] : memref<160000x32xf32, #tpu.memory_space<hbm>> -> memref<1000x32xf32, #tpu.memory_space<hbm>>
    %dma_wait3A_26 = arith.constant 0 : i32
    %dma_wait3A_27 = tpu.memref_slice %arg4[%add3A_19, %dma_wait3A_26] : memref<160000x32xf32, #tpu.memory_space<hbm>> -> memref<1000x32xf32, #tpu.memory_space<hbm>>
    tpu.wait_dma2 semaphore(%arg10 : memref<!tpu.dma_semaphore, #tpu.memory_space<semaphore_mem>>) src(%arg6 : memref<1000x32xf32, #tpu.memory_space<vmem>>) dst(%dma_wait3A_27 : memref<1000x32xf32, #tpu.memory_space<hbm>>)
    %dma_start3A_28 = arith.constant 2000 : i32
    %dma_start3A_29 = tpu.memref_slice %arg5[%dma_start3A_28] : memref<5000xi32, #tpu.memory_space<vmem>> -> memref<1000xi32, #tpu.memory_space<vmem>>
    %dma_start3A_30 = arith.constant 0 : i32
    %dma_start3A_31 = arith.constant 0 : i32
    %dma_start3A_32 = tpu.memref_slice %arg2[%dma_start3A_30, %dma_start3A_31] : memref<10240x32xf32, #tpu.memory_space<hbm>> -> memref<10240x32xf32, #tpu.memory_space<hbm>>
    tpu.enqueue_indirect_dma source(%dma_start3A_32 : memref<10240x32xf32, #tpu.memory_space<hbm>>) target(%arg6 : memref<1000x32xf32, #tpu.memory_space<vmem>>) offsets(%dma_start3A_29 : memref<1000xi32, #tpu.memory_space<vmem>>) semaphore(%arg8 : memref<!tpu.dma_semaphore, #tpu.memory_space<semaphore_mem>>)
    %dma_wait3A_33 = arith.constant 1000 : i32
    %dma_wait3A_34 = tpu.memref_slice %arg5[%dma_wait3A_33] : memref<5000xi32, #tpu.memory_space<vmem>> -> memref<1000xi32, #tpu.memory_space<vmem>>
    %dma_wait3A_35 = arith.constant 0 : i32
    %dma_wait3A_36 = arith.constant 0 : i32
    %dma_wait3A_37 = tpu.memref_slice %arg2[%dma_wait3A_35, %dma_wait3A_36] : memref<10240x32xf32, #tpu.memory_space<hbm>> -> memref<10240x32xf32, #tpu.memory_space<hbm>>
    tpu.wait_indirect_dma semaphore(%arg9 : memref<!tpu.dma_semaphore, #tpu.memory_space<semaphore_mem>>) src(%dma_wait3A_37 : memref<10240x32xf32, #tpu.memory_space<hbm>>) dst(%arg7 : memref<1000x32xf32, #tpu.memory_space<vmem>>)
    %add3A_38 = arith.constant 1000 : i32
    %add3A_39 = arith.addi %mul3A_2, %add3A_38 : i32
    %dma_start3A_40 = arith.constant 0 : i32
    %dma_start3A_41 = tpu.memref_slice %arg4[%add3A_39, %dma_start3A_40] : memref<160000x32xf32, #tpu.memory_space<hbm>> -> memref<1000x32xf32, #tpu.memory_space<hbm>>
    %dma_start3A_42 = arith.constant 0 : i32
    %dma_start3A_43 = tpu.memref_slice %arg4[%add3A_39, %dma_start3A_42] : memref<160000x32xf32, #tpu.memory_space<hbm>> -> memref<1000x32xf32, #tpu.memory_space<hbm>>
    tpu.enqueue_dma source(%arg7 : memref<1000x32xf32, #tpu.memory_space<vmem>>) target(%dma_start3A_43 : memref<1000x32xf32, #tpu.memory_space<hbm>>) target_semaphore(%arg11 : memref<!tpu.dma_semaphore, #tpu.memory_space<semaphore_mem>>)
    %dma_wait3A_44 = arith.constant 0 : i32
    %dma_wait3A_45 = tpu.memref_slice %arg4[%add3A_39, %dma_wait3A_44] : memref<160000x32xf32, #tpu.memory_space<hbm>> -> memref<1000x32xf32, #tpu.memory_space<hbm>>
    %dma_wait3A_46 = arith.constant 0 : i32
    %dma_wait3A_47 = tpu.memref_slice %arg4[%add3A_39, %dma_wait3A_46] : memref<160000x32xf32, #tpu.memory_space<hbm>> -> memref<1000x32xf32, #tpu.memory_space<hbm>>
    tpu.wait_dma2 semaphore(%arg11 : memref<!tpu.dma_semaphore, #tpu.memory_space<semaphore_mem>>) src(%arg7 : memref<1000x32xf32, #tpu.memory_space<vmem>>) dst(%dma_wait3A_47 : memref<1000x32xf32, #tpu.memory_space<hbm>>)
    %dma_start3A_48 = arith.constant 3000 : i32
    %dma_start3A_49 = tpu.memref_slice %arg5[%dma_start3A_48] : memref<5000xi32, #tpu.memory_space<vmem>> -> memref<1000xi32, #tpu.memory_space<vmem>>
    %dma_start3A_50 = arith.constant 0 : i32
    %dma_start3A_51 = arith.constant 0 : i32
    %dma_start3A_52 = tpu.memref_slice %arg2[%dma_start3A_50, %dma_start3A_51] : memref<10240x32xf32, #tpu.memory_space<hbm>> -> memref<10240x32xf32, #tpu.memory_space<hbm>>
    tpu.enqueue_indirect_dma source(%dma_start3A_52 : memref<10240x32xf32, #tpu.memory_space<hbm>>) target(%arg7 : memref<1000x32xf32, #tpu.memory_space<vmem>>) offsets(%dma_start3A_49 : memref<1000xi32, #tpu.memory_space<vmem>>) semaphore(%arg9 : memref<!tpu.dma_semaphore, #tpu.memory_space<semaphore_mem>>)
    %dma_wait3A_53 = arith.constant 2000 : i32
    %dma_wait3A_54 = tpu.memref_slice %arg5[%dma_wait3A_53] : memref<5000xi32, #tpu.memory_space<vmem>> -> memref<1000xi32, #tpu.memory_space<vmem>>
    %dma_wait3A_55 = arith.constant 0 : i32
    %dma_wait3A_56 = arith.constant 0 : i32
    %dma_wait3A_57 = tpu.memref_slice %arg2[%dma_wait3A_55, %dma_wait3A_56] : memref<10240x32xf32, #tpu.memory_space<hbm>> -> memref<10240x32xf32, #tpu.memory_space<hbm>>
    tpu.wait_indirect_dma semaphore(%arg8 : memref<!tpu.dma_semaphore, #tpu.memory_space<semaphore_mem>>) src(%dma_wait3A_57 : memref<10240x32xf32, #tpu.memory_space<hbm>>) dst(%arg6 : memref<1000x32xf32, #tpu.memory_space<vmem>>)
    %add3A_58 = arith.constant 2000 : i32
    %add3A_59 = arith.addi %mul3A_2, %add3A_58 : i32
    %dma_start3A_60 = arith.constant 0 : i32
    %dma_start3A_61 = tpu.memref_slice %arg4[%add3A_59, %dma_start3A_60] : memref<160000x32xf32, #tpu.memory_space<hbm>> -> memref<1000x32xf32, #tpu.memory_space<hbm>>
    %dma_start3A_62 = arith.constant 0 : i32
    %dma_start3A_63 = tpu.memref_slice %arg4[%add3A_59, %dma_start3A_62] : memref<160000x32xf32, #tpu.memory_space<hbm>> -> memref<1000x32xf32, #tpu.memory_space<hbm>>
    tpu.enqueue_dma source(%arg6 : memref<1000x32xf32, #tpu.memory_space<vmem>>) target(%dma_start3A_63 : memref<1000x32xf32, #tpu.memory_space<hbm>>) target_semaphore(%arg10 : memref<!tpu.dma_semaphore, #tpu.memory_space<semaphore_mem>>)
    %dma_wait3A_64 = arith.constant 0 : i32
    %dma_wait3A_65 = tpu.memref_slice %arg4[%add3A_59, %dma_wait3A_64] : memref<160000x32xf32, #tpu.memory_space<hbm>> -> memref<1000x32xf32, #tpu.memory_space<hbm>>
    %dma_wait3A_66 = arith.constant 0 : i32
    %dma_wait3A_67 = tpu.memref_slice %arg4[%add3A_59, %dma_wait3A_66] : memref<160000x32xf32, #tpu.memory_space<hbm>> -> memref<1000x32xf32, #tpu.memory_space<hbm>>
    tpu.wait_dma2 semaphore(%arg10 : memref<!tpu.dma_semaphore, #tpu.memory_space<semaphore_mem>>) src(%arg6 : memref<1000x32xf32, #tpu.memory_space<vmem>>) dst(%dma_wait3A_67 : memref<1000x32xf32, #tpu.memory_space<hbm>>)
    %dma_start3A_68 = arith.constant 4000 : i32
    %dma_start3A_69 = tpu.memref_slice %arg5[%dma_start3A_68] : memref<5000xi32, #tpu.memory_space<vmem>> -> memref<1000xi32, #tpu.memory_space<vmem>>
    %dma_start3A_70 = arith.constant 0 : i32
    %dma_start3A_71 = arith.constant 0 : i32
    %dma_start3A_72 = tpu.memref_slice %arg2[%dma_start3A_70, %dma_start3A_71] : memref<10240x32xf32, #tpu.memory_space<hbm>> -> memref<10240x32xf32, #tpu.memory_space<hbm>>
    tpu.enqueue_indirect_dma source(%dma_start3A_72 : memref<10240x32xf32, #tpu.memory_space<hbm>>) target(%arg6 : memref<1000x32xf32, #tpu.memory_space<vmem>>) offsets(%dma_start3A_69 : memref<1000xi32, #tpu.memory_space<vmem>>) semaphore(%arg8 : memref<!tpu.dma_semaphore, #tpu.memory_space<semaphore_mem>>)
    %dma_wait3A_73 = arith.constant 3000 : i32
    %dma_wait3A_74 = tpu.memref_slice %arg5[%dma_wait3A_73] : memref<5000xi32, #tpu.memory_space<vmem>> -> memref<1000xi32, #tpu.memory_space<vmem>>
    %dma_wait3A_75 = arith.constant 0 : i32
    %dma_wait3A_76 = arith.constant 0 : i32
    %dma_wait3A_77 = tpu.memref_slice %arg2[%dma_wait3A_75, %dma_wait3A_76] : memref<10240x32xf32, #tpu.memory_space<hbm>> -> memref<10240x32xf32, #tpu.memory_space<hbm>>
    tpu.wait_indirect_dma semaphore(%arg9 : memref<!tpu.dma_semaphore, #tpu.memory_space<semaphore_mem>>) src(%dma_wait3A_77 : memref<10240x32xf32, #tpu.memory_space<hbm>>) dst(%arg7 : memref<1000x32xf32, #tpu.memory_space<vmem>>)
    %add3A_78 = arith.constant 3000 : i32
    %add3A_79 = arith.addi %mul3A_2, %add3A_78 : i32
    %dma_start3A_80 = arith.constant 0 : i32
    %dma_start3A_81 = tpu.memref_slice %arg4[%add3A_79, %dma_start3A_80] : memref<160000x32xf32, #tpu.memory_space<hbm>> -> memref<1000x32xf32, #tpu.memory_space<hbm>>
    %dma_start3A_82 = arith.constant 0 : i32
    %dma_start3A_83 = tpu.memref_slice %arg4[%add3A_79, %dma_start3A_82] : memref<160000x32xf32, #tpu.memory_space<hbm>> -> memref<1000x32xf32, #tpu.memory_space<hbm>>
    tpu.enqueue_dma source(%arg7 : memref<1000x32xf32, #tpu.memory_space<vmem>>) target(%dma_start3A_83 : memref<1000x32xf32, #tpu.memory_space<hbm>>) target_semaphore(%arg11 : memref<!tpu.dma_semaphore, #tpu.memory_space<semaphore_mem>>)
    %dma_wait3A_84 = arith.constant 4000 : i32
    %dma_wait3A_85 = tpu.memref_slice %arg5[%dma_wait3A_84] : memref<5000xi32, #tpu.memory_space<vmem>> -> memref<1000xi32, #tpu.memory_space<vmem>>
    %dma_wait3A_86 = arith.constant 0 : i32
    %dma_wait3A_87 = arith.constant 0 : i32
    %dma_wait3A_88 = tpu.memref_slice %arg2[%dma_wait3A_86, %dma_wait3A_87] : memref<10240x32xf32, #tpu.memory_space<hbm>> -> memref<10240x32xf32, #tpu.memory_space<hbm>>
    tpu.wait_indirect_dma semaphore(%arg8 : memref<!tpu.dma_semaphore, #tpu.memory_space<semaphore_mem>>) src(%dma_wait3A_88 : memref<10240x32xf32, #tpu.memory_space<hbm>>) dst(%arg6 : memref<1000x32xf32, #tpu.memory_space<vmem>>)
    %add3A_89 = arith.constant 4000 : i32
    %add3A_90 = arith.addi %mul3A_2, %add3A_89 : i32
    %dma_start3A_91 = arith.constant 0 : i32
    %dma_start3A_92 = tpu.memref_slice %arg4[%add3A_90, %dma_start3A_91] : memref<160000x32xf32, #tpu.memory_space<hbm>> -> memref<1000x32xf32, #tpu.memory_space<hbm>>
    %dma_start3A_93 = arith.constant 0 : i32
    %dma_start3A_94 = tpu.memref_slice %arg4[%add3A_90, %dma_start3A_93] : memref<160000x32xf32, #tpu.memory_space<hbm>> -> memref<1000x32xf32, #tpu.memory_space<hbm>>
    tpu.enqueue_dma source(%arg6 : memref<1000x32xf32, #tpu.memory_space<vmem>>) target(%dma_start3A_94 : memref<1000x32xf32, #tpu.memory_space<hbm>>) target_semaphore(%arg10 : memref<!tpu.dma_semaphore, #tpu.memory_space<semaphore_mem>>)
    %dma_wait3A_95 = arith.constant 0 : i32
    %dma_wait3A_96 = tpu.memref_slice %arg4[%add3A_79, %dma_wait3A_95] : memref<160000x32xf32, #tpu.memory_space<hbm>> -> memref<1000x32xf32, #tpu.memory_space<hbm>>
    %dma_wait3A_97 = arith.constant 0 : i32
    %dma_wait3A_98 = tpu.memref_slice %arg4[%add3A_79, %dma_wait3A_97] : memref<160000x32xf32, #tpu.memory_space<hbm>> -> memref<1000x32xf32, #tpu.memory_space<hbm>>
    tpu.wait_dma2 semaphore(%arg11 : memref<!tpu.dma_semaphore, #tpu.memory_space<semaphore_mem>>) src(%arg7 : memref<1000x32xf32, #tpu.memory_space<vmem>>) dst(%dma_wait3A_98 : memref<1000x32xf32, #tpu.memory_space<hbm>>)
    %dma_wait3A_99 = arith.constant 0 : i32
    %dma_wait3A_100 = tpu.memref_slice %arg4[%add3A_90, %dma_wait3A_99] : memref<160000x32xf32, #tpu.memory_space<hbm>> -> memref<1000x32xf32, #tpu.memory_space<hbm>>
    %dma_wait3A_101 = arith.constant 0 : i32
    %dma_wait3A_102 = tpu.memref_slice %arg4[%add3A_90, %dma_wait3A_101] : memref<160000x32xf32, #tpu.memory_space<hbm>> -> memref<1000x32xf32, #tpu.memory_space<hbm>>
    tpu.wait_dma2 semaphore(%arg10 : memref<!tpu.dma_semaphore, #tpu.memory_space<semaphore_mem>>) src(%arg6 : memref<1000x32xf32, #tpu.memory_space<vmem>>) dst(%dma_wait3A_102 : memref<1000x32xf32, #tpu.memory_space<hbm>>)
    return
  }
}

#map = affine_map<(d0, d1) -> (0, 0)>
#map1 = affine_map<(d0, d1) -> (0)>
module attributes {stable_mosaic.version = 14 : i64} {
  func.func @body(%arg0: i32, %arg1: i32, %arg2: memref<10240x32xf32, #tpu.memory_space<hbm>>, %arg3: memref<160000xi32, #tpu.memory_space<hbm>>, %arg4: memref<160000x32xf32, #tpu.memory_space<hbm>>, %arg5: memref<5000xi32, #tpu.memory_space<vmem>>, %arg6: memref<1000x32xf32, #tpu.memory_space<vmem>>, %arg7: memref<1000x32xf32, #tpu.memory_space<vmem>>, %arg8: memref<!tpu.dma_semaphore, #tpu.memory_space<semaphore_mem>>, %arg9: memref<!tpu.dma_semaphore, #tpu.memory_space<semaphore_mem>>, %arg10: memref<!tpu.dma_semaphore, #tpu.memory_space<semaphore_mem>>, %arg11: memref<!tpu.dma_semaphore, #tpu.memory_space<semaphore_mem>>) attributes {dimension_semantics = [#tpu.dimension_semantics<core_parallel>, #tpu.dimension_semantics<subcore_parallel>], iteration_bounds = array<i64: 2, 16>, scalar_prefetch = 0 : i64, scratch_operands = 7 : i64, tpu.core_type = #tpu.core_type<sc_vector_subcore>, window_params = [{transform_indices = #map}, {transform_indices = #map1}, {transform_indices = #map}]} {
    %mul3A = arith.constant 16 : i32
    %mul3A_0 = arith.muli %arg0, %mul3A : i32
    %add3A = arith.addi %mul3A_0, %arg1 : i32
    %mul3A_1 = arith.constant 5000 : i32
    %mul3A_2 = arith.muli %add3A, %mul3A_1 : i32
    %add3A_3 = arith.constant 0 : i32
    %add3A_4 = arith.addi %add3A_3, %mul3A_2 : i32
    "tpu.region"() ({
      %run_scoped3A = tpu.sem_alloc : memref<!tpu.dma_semaphore, #tpu.memory_space<semaphore_mem>>
      %dma_start3A_103 = tpu.memref_slice %arg3[%add3A_4] : memref<160000xi32, #tpu.memory_space<hbm>> -> memref<5000xi32, #tpu.memory_space<hbm>>
      %dma_start3A_104 = tpu.memref_slice %arg3[%add3A_4] : memref<160000xi32, #tpu.memory_space<hbm>> -> memref<5000xi32, #tpu.memory_space<hbm>>
      tpu.enqueue_dma source(%dma_start3A_104 : memref<5000xi32, #tpu.memory_space<hbm>>) target(%arg5 : memref<5000xi32, #tpu.memory_space<vmem>>) target_semaphore(%run_scoped3A : memref<!tpu.dma_semaphore, #tpu.memory_space<semaphore_mem>>)
      %dma_wait3A_105 = tpu.memref_slice %arg3[%add3A_4] : memref<160000xi32, #tpu.memory_space<hbm>> -> memref<5000xi32, #tpu.memory_space<hbm>>
      %dma_wait3A_106 = tpu.memref_slice %arg3[%add3A_4] : memref<160000xi32, #tpu.memory_space<hbm>> -> memref<5000xi32, #tpu.memory_space<hbm>>
      tpu.wait_dma2 semaphore(%run_scoped3A : memref<!tpu.dma_semaphore, #tpu.memory_space<semaphore_mem>>) src(%dma_wait3A_106 : memref<5000xi32, #tpu.memory_space<hbm>>) dst(%arg5 : memref<5000xi32, #tpu.memory_space<vmem>>)
      tpu.yield
    }) : () -> ()
    %dma_start3A = arith.constant 0 : i32
    %dma_start3A_5 = tpu.memref_slice %arg5[%dma_start3A] : memref<5000xi32, #tpu.memory_space<vmem>> -> memref<1000xi32, #tpu.memory_space<vmem>>
    %dma_start3A_6 = arith.constant 0 : i32
    %dma_start3A_7 = arith.constant 0 : i32
    %dma_start3A_8 = tpu.memref_slice %arg2[%dma_start3A_6, %dma_start3A_7] : memref<10240x32xf32, #tpu.memory_space<hbm>> -> memref<10240x32xf32, #tpu.memory_space<hbm>>
    tpu.enqueue_indirect_dma source(%dma_start3A_8 : memref<10240x32xf32, #tpu.memory_space<hbm>>) target(%arg6 : memref<1000x32xf32, #tpu.memory_space<vmem>>) offsets(%dma_start3A_5 : memref<1000xi32, #tpu.memory_space<vmem>>) semaphore(%arg8 : memref<!tpu.dma_semaphore, #tpu.memory_space<semaphore_mem>>)
    %dma_start3A_9 = arith.constant 1000 : i32
    %dma_start3A_10 = tpu.memref_slice %arg5[%dma_start3A_9] : memref<5000xi32, #tpu.memory_space<vmem>> -> memref<1000xi32, #tpu.memory_space<vmem>>
    %dma_start3A_11 = arith.constant 0 : i32
    %dma_start3A_12 = arith.constant 0 : i32
    %dma_start3A_13 = tpu.memref_slice %arg2[%dma_start3A_11, %dma_start3A_12] : memref<10240x32xf32, #tpu.memory_space<hbm>> -> memref<10240x32xf32, #tpu.memory_space<hbm>>
    tpu.enqueue_indirect_dma source(%dma_start3A_13 : memref<10240x32xf32, #tpu.memory_space<hbm>>) target(%arg7 : memref<1000x32xf32, #tpu.memory_space<vmem>>) offsets(%dma_start3A_10 : memref<1000xi32, #tpu.memory_space<vmem>>) semaphore(%arg9 : memref<!tpu.dma_semaphore, #tpu.memory_space<semaphore_mem>>)
    %dma_wait3A = arith.constant 0 : i32
    %dma_wait3A_14 = tpu.memref_slice %arg5[%dma_wait3A] : memref<5000xi32, #tpu.memory_space<vmem>> -> memref<1000xi32, #tpu.memory_space<vmem>>
    %dma_wait3A_15 = arith.constant 0 : i32
    %dma_wait3A_16 = arith.constant 0 : i32
    %dma_wait3A_17 = tpu.memref_slice %arg2[%dma_wait3A_15, %dma_wait3A_16] : memref<10240x32xf32, #tpu.memory_space<hbm>> -> memref<10240x32xf32, #tpu.memory_space<hbm>>
    tpu.wait_indirect_dma semaphore(%arg8 : memref<!tpu.dma_semaphore, #tpu.memory_space<semaphore_mem>>) src(%dma_wait3A_17 : memref<10240x32xf32, #tpu.memory_space<hbm>>) dst(%arg6 : memref<1000x32xf32, #tpu.memory_space<vmem>>)
    %add3A_18 = arith.constant 0 : i32
    %add3A_19 = arith.addi %mul3A_2, %add3A_18 : i32
    %dma_start3A_20 = arith.constant 0 : i32
    %dma_start3A_21 = tpu.memref_slice %arg4[%add3A_19, %dma_start3A_20] : memref<160000x32xf32, #tpu.memory_space<hbm>> -> memref<1000x32xf32, #tpu.memory_space<hbm>>
    %dma_start3A_22 = arith.constant 0 : i32
    %dma_start3A_23 = tpu.memref_slice %arg4[%add3A_19, %dma_start3A_22] : memref<160000x32xf32, #tpu.memory_space<hbm>> -> memref<1000x32xf32, #tpu.memory_space<hbm>>
    tpu.enqueue_dma source(%arg6 : memref<1000x32xf32, #tpu.memory_space<vmem>>) target(%dma_start3A_23 : memref<1000x32xf32, #tpu.memory_space<hbm>>) target_semaphore(%arg10 : memref<!tpu.dma_semaphore, #tpu.memory_space<semaphore_mem>>)
    %dma_wait3A_24 = arith.constant 0 : i32
    %dma_wait3A_25 = tpu.memref_slice %arg4[%add3A_19, %dma_wait3A_24] : memref<160000x32xf32, #tpu.memory_space<hbm>> -> memref<1000x32xf32, #tpu.memory_space<hbm>>
    %dma_wait3A_26 = arith.constant 0 : i32
    %dma_wait3A_27 = tpu.memref_slice %arg4[%add3A_19, %dma_wait3A_26] : memref<160000x32xf32, #tpu.memory_space<hbm>> -> memref<1000x32xf32, #tpu.memory_space<hbm>>
    tpu.wait_dma2 semaphore(%arg10 : memref<!tpu.dma_semaphore, #tpu.memory_space<semaphore_mem>>) src(%arg6 : memref<1000x32xf32, #tpu.memory_space<vmem>>) dst(%dma_wait3A_27 : memref<1000x32xf32, #tpu.memory_space<hbm>>)
    %dma_start3A_28 = arith.constant 2000 : i32
    %dma_start3A_29 = tpu.memref_slice %arg5[%dma_start3A_28] : memref<5000xi32, #tpu.memory_space<vmem>> -> memref<1000xi32, #tpu.memory_space<vmem>>
    %dma_start3A_30 = arith.constant 0 : i32
    %dma_start3A_31 = arith.constant 0 : i32
    %dma_start3A_32 = tpu.memref_slice %arg2[%dma_start3A_30, %dma_start3A_31] : memref<10240x32xf32, #tpu.memory_space<hbm>> -> memref<10240x32xf32, #tpu.memory_space<hbm>>
    tpu.enqueue_indirect_dma source(%dma_start3A_32 : memref<10240x32xf32, #tpu.memory_space<hbm>>) target(%arg6 : memref<1000x32xf32, #tpu.memory_space<vmem>>) offsets(%dma_start3A_29 : memref<1000xi32, #tpu.memory_space<vmem>>) semaphore(%arg8 : memref<!tpu.dma_semaphore, #tpu.memory_space<semaphore_mem>>)
    %dma_wait3A_33 = arith.constant 1000 : i32
    %dma_wait3A_34 = tpu.memref_slice %arg5[%dma_wait3A_33] : memref<5000xi32, #tpu.memory_space<vmem>> -> memref<1000xi32, #tpu.memory_space<vmem>>
    %dma_wait3A_35 = arith.constant 0 : i32
    %dma_wait3A_36 = arith.constant 0 : i32
    %dma_wait3A_37 = tpu.memref_slice %arg2[%dma_wait3A_35, %dma_wait3A_36] : memref<10240x32xf32, #tpu.memory_space<hbm>> -> memref<10240x32xf32, #tpu.memory_space<hbm>>
    tpu.wait_indirect_dma semaphore(%arg9 : memref<!tpu.dma_semaphore, #tpu.memory_space<semaphore_mem>>) src(%dma_wait3A_37 : memref<10240x32xf32, #tpu.memory_space<hbm>>) dst(%arg7 : memref<1000x32xf32, #tpu.memory_space<vmem>>)
    %add3A_38 = arith.constant 1000 : i32
    %add3A_39 = arith.addi %mul3A_2, %add3A_38 : i32
    %dma_start3A_40 = arith.constant 0 : i32
    %dma_start3A_41 = tpu.memref_slice %arg4[%add3A_39, %dma_start3A_40] : memref<160000x32xf32, #tpu.memory_space<hbm>> -> memref<1000x32xf32, #tpu.memory_space<hbm>>
    %dma_start3A_42 = arith.constant 0 : i32
    %dma_start3A_43 = tpu.memref_slice %arg4[%add3A_39, %dma_start3A_42] : memref<160000x32xf32, #tpu.memory_space<hbm>> -> memref<1000x32xf32, #tpu.memory_space<hbm>>
    tpu.enqueue_dma source(%arg7 : memref<1000x32xf32, #tpu.memory_space<vmem>>) target(%dma_start3A_43 : memref<1000x32xf32, #tpu.memory_space<hbm>>) target_semaphore(%arg11 : memref<!tpu.dma_semaphore, #tpu.memory_space<semaphore_mem>>)
    %dma_wait3A_44 = arith.constant 0 : i32
    %dma_wait3A_45 = tpu.memref_slice %arg4[%add3A_39, %dma_wait3A_44] : memref<160000x32xf32, #tpu.memory_space<hbm>> -> memref<1000x32xf32, #tpu.memory_space<hbm>>
    %dma_wait3A_46 = arith.constant 0 : i32
    %dma_wait3A_47 = tpu.memref_slice %arg4[%add3A_39, %dma_wait3A_46] : memref<160000x32xf32, #tpu.memory_space<hbm>> -> memref<1000x32xf32, #tpu.memory_space<hbm>>
    tpu.wait_dma2 semaphore(%arg11 : memref<!tpu.dma_semaphore, #tpu.memory_space<semaphore_mem>>) src(%arg7 : memref<1000x32xf32, #tpu.memory_space<vmem>>) dst(%dma_wait3A_47 : memref<1000x32xf32, #tpu.memory_space<hbm>>)
    %dma_start3A_48 = arith.constant 3000 : i32
    %dma_start3A_49 = tpu.memref_slice %arg5[%dma_start3A_48] : memref<5000xi32, #tpu.memory_space<vmem>> -> memref<1000xi32, #tpu.memory_space<vmem>>
    %dma_start3A_50 = arith.constant 0 : i32
    %dma_start3A_51 = arith.constant 0 : i32
    %dma_start3A_52 = tpu.memref_slice %arg2[%dma_start3A_50, %dma_start3A_51] : memref<10240x32xf32, #tpu.memory_space<hbm>> -> memref<10240x32xf32, #tpu.memory_space<hbm>>
    tpu.enqueue_indirect_dma source(%dma_start3A_52 : memref<10240x32xf32, #tpu.memory_space<hbm>>) target(%arg7 : memref<1000x32xf32, #tpu.memory_space<vmem>>) offsets(%dma_start3A_49 : memref<1000xi32, #tpu.memory_space<vmem>>) semaphore(%arg9 : memref<!tpu.dma_semaphore, #tpu.memory_space<semaphore_mem>>)
    %dma_wait3A_53 = arith.constant 2000 : i32
    %dma_wait3A_54 = tpu.memref_slice %arg5[%dma_wait3A_53] : memref<5000xi32, #tpu.memory_space<vmem>> -> memref<1000xi32, #tpu.memory_space<vmem>>
    %dma_wait3A_55 = arith.constant 0 : i32
    %dma_wait3A_56 = arith.constant 0 : i32
    %dma_wait3A_57 = tpu.memref_slice %arg2[%dma_wait3A_55, %dma_wait3A_56] : memref<10240x32xf32, #tpu.memory_space<hbm>> -> memref<10240x32xf32, #tpu.memory_space<hbm>>
    tpu.wait_indirect_dma semaphore(%arg8 : memref<!tpu.dma_semaphore, #tpu.memory_space<semaphore_mem>>) src(%dma_wait3A_57 : memref<10240x32xf32, #tpu.memory_space<hbm>>) dst(%arg6 : memref<1000x32xf32, #tpu.memory_space<vmem>>)
    %add3A_58 = arith.constant 2000 : i32
    %add3A_59 = arith.addi %mul3A_2, %add3A_58 : i32
    %dma_start3A_60 = arith.constant 0 : i32
    %dma_start3A_61 = tpu.memref_slice %arg4[%add3A_59, %dma_start3A_60] : memref<160000x32xf32, #tpu.memory_space<hbm>> -> memref<1000x32xf32, #tpu.memory_space<hbm>>
    %dma_start3A_62 = arith.constant 0 : i32
    %dma_start3A_63 = tpu.memref_slice %arg4[%add3A_59, %dma_start3A_62] : memref<160000x32xf32, #tpu.memory_space<hbm>> -> memref<1000x32xf32, #tpu.memory_space<hbm>>
    tpu.enqueue_dma source(%arg6 : memref<1000x32xf32, #tpu.memory_space<vmem>>) target(%dma_start3A_63 : memref<1000x32xf32, #tpu.memory_space<hbm>>) target_semaphore(%arg10 : memref<!tpu.dma_semaphore, #tpu.memory_space<semaphore_mem>>)
    %dma_wait3A_64 = arith.constant 0 : i32
    %dma_wait3A_65 = tpu.memref_slice %arg4[%add3A_59, %dma_wait3A_64] : memref<160000x32xf32, #tpu.memory_space<hbm>> -> memref<1000x32xf32, #tpu.memory_space<hbm>>
    %dma_wait3A_66 = arith.constant 0 : i32
    %dma_wait3A_67 = tpu.memref_slice %arg4[%add3A_59, %dma_wait3A_66] : memref<160000x32xf32, #tpu.memory_space<hbm>> -> memref<1000x32xf32, #tpu.memory_space<hbm>>
    tpu.wait_dma2 semaphore(%arg10 : memref<!tpu.dma_semaphore, #tpu.memory_space<semaphore_mem>>) src(%arg6 : memref<1000x32xf32, #tpu.memory_space<vmem>>) dst(%dma_wait3A_67 : memref<1000x32xf32, #tpu.memory_space<hbm>>)
    %dma_start3A_68 = arith.constant 4000 : i32
    %dma_start3A_69 = tpu.memref_slice %arg5[%dma_start3A_68] : memref<5000xi32, #tpu.memory_space<vmem>> -> memref<1000xi32, #tpu.memory_space<vmem>>
    %dma_start3A_70 = arith.constant 0 : i32
    %dma_start3A_71 = arith.constant 0 : i32
    %dma_start3A_72 = tpu.memref_slice %arg2[%dma_start3A_70, %dma_start3A_71] : memref<10240x32xf32, #tpu.memory_space<hbm>> -> memref<10240x32xf32, #tpu.memory_space<hbm>>
    tpu.enqueue_indirect_dma source(%dma_start3A_72 : memref<10240x32xf32, #tpu.memory_space<hbm>>) target(%arg6 : memref<1000x32xf32, #tpu.memory_space<vmem>>) offsets(%dma_start3A_69 : memref<1000xi32, #tpu.memory_space<vmem>>) semaphore(%arg8 : memref<!tpu.dma_semaphore, #tpu.memory_space<semaphore_mem>>)
    %dma_wait3A_73 = arith.constant 3000 : i32
    %dma_wait3A_74 = tpu.memref_slice %arg5[%dma_wait3A_73] : memref<5000xi32, #tpu.memory_space<vmem>> -> memref<1000xi32, #tpu.memory_space<vmem>>
    %dma_wait3A_75 = arith.constant 0 : i32
    %dma_wait3A_76 = arith.constant 0 : i32
    %dma_wait3A_77 = tpu.memref_slice %arg2[%dma_wait3A_75, %dma_wait3A_76] : memref<10240x32xf32, #tpu.memory_space<hbm>> -> memref<10240x32xf32, #tpu.memory_space<hbm>>
    tpu.wait_indirect_dma semaphore(%arg9 : memref<!tpu.dma_semaphore, #tpu.memory_space<semaphore_mem>>) src(%dma_wait3A_77 : memref<10240x32xf32, #tpu.memory_space<hbm>>) dst(%arg7 : memref<1000x32xf32, #tpu.memory_space<vmem>>)
    %add3A_78 = arith.constant 3000 : i32
    %add3A_79 = arith.addi %mul3A_2, %add3A_78 : i32
    %dma_start3A_80 = arith.constant 0 : i32
    %dma_start3A_81 = tpu.memref_slice %arg4[%add3A_79, %dma_start3A_80] : memref<160000x32xf32, #tpu.memory_space<hbm>> -> memref<1000x32xf32, #tpu.memory_space<hbm>>
    %dma_start3A_82 = arith.constant 0 : i32
    %dma_start3A_83 = tpu.memref_slice %arg4[%add3A_79, %dma_start3A_82] : memref<160000x32xf32, #tpu.memory_space<hbm>> -> memref<1000x32xf32, #tpu.memory_space<hbm>>
    tpu.enqueue_dma source(%arg7 : memref<1000x32xf32, #tpu.memory_space<vmem>>) target(%dma_start3A_83 : memref<1000x32xf32, #tpu.memory_space<hbm>>) target_semaphore(%arg11 : memref<!tpu.dma_semaphore, #tpu.memory_space<semaphore_mem>>)
    %dma_wait3A_84 = arith.constant 4000 : i32
    %dma_wait3A_85 = tpu.memref_slice %arg5[%dma_wait3A_84] : memref<5000xi32, #tpu.memory_space<vmem>> -> memref<1000xi32, #tpu.memory_space<vmem>>
    %dma_wait3A_86 = arith.constant 0 : i32
    %dma_wait3A_87 = arith.constant 0 : i32
    %dma_wait3A_88 = tpu.memref_slice %arg2[%dma_wait3A_86, %dma_wait3A_87] : memref<10240x32xf32, #tpu.memory_space<hbm>> -> memref<10240x32xf32, #tpu.memory_space<hbm>>
    tpu.wait_indirect_dma semaphore(%arg8 : memref<!tpu.dma_semaphore, #tpu.memory_space<semaphore_mem>>) src(%dma_wait3A_88 : memref<10240x32xf32, #tpu.memory_space<hbm>>) dst(%arg6 : memref<1000x32xf32, #tpu.memory_space<vmem>>)
    %add3A_89 = arith.constant 4000 : i32
    %add3A_90 = arith.addi %mul3A_2, %add3A_89 : i32
    %dma_start3A_91 = arith.constant 0 : i32
    %dma_start3A_92 = tpu.memref_slice %arg4[%add3A_90, %dma_start3A_91] : memref<160000x32xf32, #tpu.memory_space<hbm>> -> memref<1000x32xf32, #tpu.memory_space<hbm>>
    %dma_start3A_93 = arith.constant 0 : i32
    %dma_start3A_94 = tpu.memref_slice %arg4[%add3A_90, %dma_start3A_93] : memref<160000x32xf32, #tpu.memory_space<hbm>> -> memref<1000x32xf32, #tpu.memory_space<hbm>>
    tpu.enqueue_dma source(%arg6 : memref<1000x32xf32, #tpu.memory_space<vmem>>) target(%dma_start3A_94 : memref<1000x32xf32, #tpu.memory_space<hbm>>) target_semaphore(%arg10 : memref<!tpu.dma_semaphore, #tpu.memory_space<semaphore_mem>>)
    %dma_wait3A_95 = arith.constant 0 : i32
    %dma_wait3A_96 = tpu.memref_slice %arg4[%add3A_79, %dma_wait3A_95] : memref<160000x32xf32, #tpu.memory_space<hbm>> -> memref<1000x32xf32, #tpu.memory_space<hbm>>
    %dma_wait3A_97 = arith.constant 0 : i32
    %dma_wait3A_98 = tpu.memref_slice %arg4[%add3A_79, %dma_wait3A_97] : memref<160000x32xf32, #tpu.memory_space<hbm>> -> memref<1000x32xf32, #tpu.memory_space<hbm>>
    tpu.wait_dma2 semaphore(%arg11 : memref<!tpu.dma_semaphore, #tpu.memory_space<semaphore_mem>>) src(%arg7 : memref<1000x32xf32, #tpu.memory_space<vmem>>) dst(%dma_wait3A_98 : memref<1000x32xf32, #tpu.memory_space<hbm>>)
    %dma_wait3A_99 = arith.constant 0 : i32
    %dma_wait3A_100 = tpu.memref_slice %arg4[%add3A_90, %dma_wait3A_99] : memref<160000x32xf32, #tpu.memory_space<hbm>> -> memref<1000x32xf32, #tpu.memory_space<hbm>>
    %dma_wait3A_101 = arith.constant 0 : i32
    %dma_wait3A_102 = tpu.memref_slice %arg4[%add3A_90, %dma_wait3A_101] : memref<160000x32xf32, #tpu.memory_space<hbm>> -> memref<1000x32xf32, #tpu.memory_space<hbm>>
    tpu.wait_dma2 semaphore(%arg10 : memref<!tpu.dma_semaphore, #tpu.memory_space<semaphore_mem>>) src(%arg6 : memref<1000x32xf32, #tpu.memory_space<vmem>>) dst(%dma_wait3A_102 : memref<1000x32xf32, #tpu.memory_space<hbm>>)
    return
  }
}

#map = affine_map<(d0, d1) -> (0, 0)>
#map1 = affine_map<(d0, d1) -> (0, 0, 0)>
module attributes {stable_mosaic.version = 14 : i64} {
  func.func @body(%arg0: i32, %arg1: i32, %arg2: memref<160000x32xf32, #tpu.memory_space<hbm>>, %arg3: memref<32x5x1000xi32, #tpu.memory_space<hbm>>, %arg4: memref<10240x32xf32, #tpu.memory_space<hbm>>, %arg5: memref<2x10240x32xf32, #tpu.memory_space<hbm>>, %arg6: memref<5x1000xi32, #tpu.memory_space<vmem>>, %arg7: memref<1000x32xf32, #tpu.memory_space<vmem>>, %arg8: memref<1000x32xf32, #tpu.memory_space<vmem>>, %arg9: memref<10240x32xf32, #tpu.memory_space<vmem_shared>>, %arg10: memref<!tpu.dma_semaphore, #tpu.memory_space<semaphore_mem>>, %arg11: memref<!tpu.dma_semaphore, #tpu.memory_space<semaphore_mem>>, %arg12: memref<!tpu.dma_semaphore, #tpu.memory_space<semaphore_mem>>, %arg13: memref<!tpu.dma_semaphore, #tpu.memory_space<semaphore_mem>>) attributes {dimension_semantics = [#tpu.dimension_semantics<core_parallel>, #tpu.dimension_semantics<subcore_parallel>], iteration_bounds = array<i64: 2, 16>, scalar_prefetch = 0 : i64, scratch_operands = 8 : i64, tpu.core_type = #tpu.core_type<sc_vector_subcore>, window_params = [{transform_indices = #map}, {transform_indices = #map1}, {transform_indices = #map}, {transform_indices = #map1}]} {
    %mul3A = arith.constant 16 : i32
    %mul3A_0 = arith.muli %arg0, %mul3A : i32
    %add3A = arith.addi %mul3A_0, %arg1 : i32
    %mul3A_1 = arith.constant 5000 : i32
    %mul3A_2 = arith.muli %add3A, %mul3A_1 : i32
    %mul3A_3 = arith.constant 640 : i32
    %mul3A_4 = arith.muli %arg1, %mul3A_3 : i32
    %mul3A_5 = arith.constant 640 : i32
    %mul3A_6 = arith.muli %arg1, %mul3A_5 : i32
    %dma_start3A = arith.constant 0 : i32
    %dma_start3A_7 = tpu.memref_slice %arg9[%mul3A_6, %dma_start3A] : memref<10240x32xf32, #tpu.memory_space<vmem_shared>> -> memref<640x32xf32, #tpu.memory_space<vmem_shared>>
    %dma_start3A_8 = arith.constant 0 : i32
    %dma_start3A_9 = tpu.memref_slice %arg4[%mul3A_4, %dma_start3A_8] : memref<10240x32xf32, #tpu.memory_space<hbm>> -> memref<640x32xf32, #tpu.memory_space<hbm>>
    tpu.enqueue_dma source(%dma_start3A_9 : memref<640x32xf32, #tpu.memory_space<hbm>>) target(%dma_start3A_7 : memref<640x32xf32, #tpu.memory_space<vmem_shared>>) target_semaphore(%arg12 : memref<!tpu.dma_semaphore, #tpu.memory_space<semaphore_mem>>)
    %mul3A_10 = arith.constant 16 : i32
    %mul3A_11 = arith.muli %arg0, %mul3A_10 : i32
    %add3A_12 = arith.addi %mul3A_11, %arg1 : i32
    "tpu.region"() ({
      %run_scoped3A = tpu.sem_alloc : memref<!tpu.dma_semaphore, #tpu.memory_space<semaphore_mem>>
      %dma_start3A_139 = arith.constant 0 : i32
      %dma_start3A_140 = arith.constant 0 : i32
      %dma_start3A_141 = tpu.memref_slice %arg3[%add3A_12, %dma_start3A_139, %dma_start3A_140] : memref<32x5x1000xi32, #tpu.memory_space<hbm>> -> memref<1x5x1000xi32, #tpu.memory_space<hbm>>
      %dma_start3A_142 = tpu.memref_squeeze %dma_start3A_141 : memref<1x5x1000xi32, #tpu.memory_space<hbm>> -> memref<5x1000xi32, #tpu.memory_space<hbm>>
      %dma_start3A_143 = arith.constant 0 : i32
      %dma_start3A_144 = arith.constant 0 : i32
      %dma_start3A_145 = tpu.memref_slice %arg3[%add3A_12, %dma_start3A_143, %dma_start3A_144] : memref<32x5x1000xi32, #tpu.memory_space<hbm>> -> memref<1x5x1000xi32, #tpu.memory_space<hbm>>
      %dma_start3A_146 = tpu.memref_squeeze %dma_start3A_145 : memref<1x5x1000xi32, #tpu.memory_space<hbm>> -> memref<5x1000xi32, #tpu.memory_space<hbm>>
      tpu.enqueue_dma source(%dma_start3A_146 : memref<5x1000xi32, #tpu.memory_space<hbm>>) target(%arg6 : memref<5x1000xi32, #tpu.memory_space<vmem>>) target_semaphore(%run_scoped3A : memref<!tpu.dma_semaphore, #tpu.memory_space<semaphore_mem>>)
      %dma_wait3A_147 = arith.constant 0 : i32
      %dma_wait3A_148 = arith.constant 0 : i32
      %dma_wait3A_149 = tpu.memref_slice %arg3[%add3A_12, %dma_wait3A_147, %dma_wait3A_148] : memref<32x5x1000xi32, #tpu.memory_space<hbm>> -> memref<1x5x1000xi32, #tpu.memory_space<hbm>>
      %dma_wait3A_150 = tpu.memref_squeeze %dma_wait3A_149 : memref<1x5x1000xi32, #tpu.memory_space<hbm>> -> memref<5x1000xi32, #tpu.memory_space<hbm>>
      %dma_wait3A_151 = arith.constant 0 : i32
      %dma_wait3A_152 = arith.constant 0 : i32
      %dma_wait3A_153 = tpu.memref_slice %arg3[%add3A_12, %dma_wait3A_151, %dma_wait3A_152] : memref<32x5x1000xi32, #tpu.memory_space<hbm>> -> memref<1x5x1000xi32, #tpu.memory_space<hbm>>
      %dma_wait3A_154 = tpu.memref_squeeze %dma_wait3A_153 : memref<1x5x1000xi32, #tpu.memory_space<hbm>> -> memref<5x1000xi32, #tpu.memory_space<hbm>>
      tpu.wait_dma2 semaphore(%run_scoped3A : memref<!tpu.dma_semaphore, #tpu.memory_space<semaphore_mem>>) src(%dma_wait3A_154 : memref<5x1000xi32, #tpu.memory_space<hbm>>) dst(%arg6 : memref<5x1000xi32, #tpu.memory_space<vmem>>)
      tpu.yield
    }) : () -> ()
    %dma_wait3A = arith.constant 0 : i32
    %dma_wait3A_13 = tpu.memref_slice %arg9[%mul3A_6, %dma_wait3A] : memref<10240x32xf32, #tpu.memory_space<vmem_shared>> -> memref<640x32xf32, #tpu.memory_space<vmem_shared>>
    %dma_wait3A_14 = arith.constant 0 : i32
    %dma_wait3A_15 = tpu.memref_slice %arg4[%mul3A_4, %dma_wait3A_14] : memref<10240x32xf32, #tpu.memory_space<hbm>> -> memref<640x32xf32, #tpu.memory_space<hbm>>
    tpu.wait_dma2 semaphore(%arg12 : memref<!tpu.dma_semaphore, #tpu.memory_space<semaphore_mem>>) src(%dma_wait3A_15 : memref<640x32xf32, #tpu.memory_space<hbm>>) dst(%dma_wait3A_13 : memref<640x32xf32, #tpu.memory_space<vmem_shared>>)
    %barrier3A = arith.constant 0 : index
    tpu.barrier barrier_id(%barrier3A)
    %dma_start3A_16 = arith.constant 0 : i32
    %dma_start3A_17 = tpu.memref_slice %arg2[%mul3A_2, %dma_start3A_16] : memref<160000x32xf32, #tpu.memory_space<hbm>> -> memref<1000x32xf32, #tpu.memory_space<hbm>>
    %dma_start3A_18 = arith.constant 0 : i32
    %dma_start3A_19 = tpu.memref_slice %arg2[%mul3A_2, %dma_start3A_18] : memref<160000x32xf32, #tpu.memory_space<hbm>> -> memref<1000x32xf32, #tpu.memory_space<hbm>>
    tpu.enqueue_dma source(%dma_start3A_19 : memref<1000x32xf32, #tpu.memory_space<hbm>>) target(%arg7 : memref<1000x32xf32, #tpu.memory_space<vmem>>) target_semaphore(%arg10 : memref<!tpu.dma_semaphore, #tpu.memory_space<semaphore_mem>>)
    %add3A_20 = arith.constant 1000 : i32
    %add3A_21 = arith.addi %mul3A_2, %add3A_20 : i32
    %dma_start3A_22 = arith.constant 0 : i32
    %dma_start3A_23 = tpu.memref_slice %arg2[%add3A_21, %dma_start3A_22] : memref<160000x32xf32, #tpu.memory_space<hbm>> -> memref<1000x32xf32, #tpu.memory_space<hbm>>
    %dma_start3A_24 = arith.constant 0 : i32
    %dma_start3A_25 = tpu.memref_slice %arg2[%add3A_21, %dma_start3A_24] : memref<160000x32xf32, #tpu.memory_space<hbm>> -> memref<1000x32xf32, #tpu.memory_space<hbm>>
    tpu.enqueue_dma source(%dma_start3A_25 : memref<1000x32xf32, #tpu.memory_space<hbm>>) target(%arg8 : memref<1000x32xf32, #tpu.memory_space<vmem>>) target_semaphore(%arg11 : memref<!tpu.dma_semaphore, #tpu.memory_space<semaphore_mem>>)
    %dma_wait3A_26 = arith.constant 0 : i32
    %dma_wait3A_27 = tpu.memref_slice %arg2[%mul3A_2, %dma_wait3A_26] : memref<160000x32xf32, #tpu.memory_space<hbm>> -> memref<1000x32xf32, #tpu.memory_space<hbm>>
    %dma_wait3A_28 = arith.constant 0 : i32
    %dma_wait3A_29 = tpu.memref_slice %arg2[%mul3A_2, %dma_wait3A_28] : memref<160000x32xf32, #tpu.memory_space<hbm>> -> memref<1000x32xf32, #tpu.memory_space<hbm>>
    tpu.wait_dma2 semaphore(%arg10 : memref<!tpu.dma_semaphore, #tpu.memory_space<semaphore_mem>>) src(%dma_wait3A_29 : memref<1000x32xf32, #tpu.memory_space<hbm>>) dst(%arg7 : memref<1000x32xf32, #tpu.memory_space<vmem>>)
    %dma_start3A_30 = arith.constant 0 : i32
    %dma_start3A_31 = arith.constant 0 : i32
    %dma_start3A_32 = tpu.memref_slice %arg6[%dma_start3A_30, %dma_start3A_31] : memref<5x1000xi32, #tpu.memory_space<vmem>> -> memref<1x1000xi32, #tpu.memory_space<vmem>>
    %dma_start3A_33 = tpu.memref_squeeze %dma_start3A_32 : memref<1x1000xi32, #tpu.memory_space<vmem>> -> memref<1000xi32, #tpu.memory_space<vmem>>
    %dma_start3A_34 = arith.constant 0 : i32
    %dma_start3A_35 = arith.constant 0 : i32
    %dma_start3A_36 = tpu.memref_slice %arg9[%dma_start3A_34, %dma_start3A_35] : memref<10240x32xf32, #tpu.memory_space<vmem_shared>> -> memref<10240x32xf32, #tpu.memory_space<vmem_shared>>
    tpu.enqueue_indirect_dma source(%arg7 : memref<1000x32xf32, #tpu.memory_space<vmem>>) target(%dma_start3A_36 : memref<10240x32xf32, #tpu.memory_space<vmem_shared>>) offsets(%dma_start3A_33 : memref<1000xi32, #tpu.memory_space<vmem>>) semaphore(%arg12 : memref<!tpu.dma_semaphore, #tpu.memory_space<semaphore_mem>>) {add = true}
    %dma_wait3A_37 = arith.constant 0 : i32
    %dma_wait3A_38 = arith.constant 0 : i32
    %dma_wait3A_39 = tpu.memref_slice %arg6[%dma_wait3A_37, %dma_wait3A_38] : memref<5x1000xi32, #tpu.memory_space<vmem>> -> memref<1x1000xi32, #tpu.memory_space<vmem>>
    %dma_wait3A_40 = tpu.memref_squeeze %dma_wait3A_39 : memref<1x1000xi32, #tpu.memory_space<vmem>> -> memref<1000xi32, #tpu.memory_space<vmem>>
    %dma_wait3A_41 = arith.constant 0 : i32
    %dma_wait3A_42 = arith.constant 0 : i32
    %dma_wait3A_43 = tpu.memref_slice %arg9[%dma_wait3A_41, %dma_wait3A_42] : memref<10240x32xf32, #tpu.memory_space<vmem_shared>> -> memref<10240x32xf32, #tpu.memory_space<vmem_shared>>
    tpu.wait_indirect_dma semaphore(%arg12 : memref<!tpu.dma_semaphore, #tpu.memory_space<semaphore_mem>>) src(%arg7 : memref<1000x32xf32, #tpu.memory_space<vmem>>) dst(%dma_wait3A_43 : memref<10240x32xf32, #tpu.memory_space<vmem_shared>>)
    %add3A_44 = arith.constant 2000 : i32
    %add3A_45 = arith.addi %mul3A_2, %add3A_44 : i32
    %dma_start3A_46 = arith.constant 0 : i32
    %dma_start3A_47 = tpu.memref_slice %arg2[%add3A_45, %dma_start3A_46] : memref<160000x32xf32, #tpu.memory_space<hbm>> -> memref<1000x32xf32, #tpu.memory_space<hbm>>
    %dma_start3A_48 = arith.constant 0 : i32
    %dma_start3A_49 = tpu.memref_slice %arg2[%add3A_45, %dma_start3A_48] : memref<160000x32xf32, #tpu.memory_space<hbm>> -> memref<1000x32xf32, #tpu.memory_space<hbm>>
    tpu.enqueue_dma source(%dma_start3A_49 : memref<1000x32xf32, #tpu.memory_space<hbm>>) target(%arg7 : memref<1000x32xf32, #tpu.memory_space<vmem>>) target_semaphore(%arg10 : memref<!tpu.dma_semaphore, #tpu.memory_space<semaphore_mem>>)
    %dma_wait3A_50 = arith.constant 0 : i32
    %dma_wait3A_51 = tpu.memref_slice %arg2[%add3A_21, %dma_wait3A_50] : memref<160000x32xf32, #tpu.memory_space<hbm>> -> memref<1000x32xf32, #tpu.memory_space<hbm>>
    %dma_wait3A_52 = arith.constant 0 : i32
    %dma_wait3A_53 = tpu.memref_slice %arg2[%add3A_21, %dma_wait3A_52] : memref<160000x32xf32, #tpu.memory_space<hbm>> -> memref<1000x32xf32, #tpu.memory_space<hbm>>
    tpu.wait_dma2 semaphore(%arg11 : memref<!tpu.dma_semaphore, #tpu.memory_space<semaphore_mem>>) src(%dma_wait3A_53 : memref<1000x32xf32, #tpu.memory_space<hbm>>) dst(%arg8 : memref<1000x32xf32, #tpu.memory_space<vmem>>)
    %dma_start3A_54 = arith.constant 1 : i32
    %dma_start3A_55 = arith.constant 0 : i32
    %dma_start3A_56 = tpu.memref_slice %arg6[%dma_start3A_54, %dma_start3A_55] : memref<5x1000xi32, #tpu.memory_space<vmem>> -> memref<1x1000xi32, #tpu.memory_space<vmem>>
    %dma_start3A_57 = tpu.memref_squeeze %dma_start3A_56 : memref<1x1000xi32, #tpu.memory_space<vmem>> -> memref<1000xi32, #tpu.memory_space<vmem>>
    %dma_start3A_58 = arith.constant 0 : i32
    %dma_start3A_59 = arith.constant 0 : i32
    %dma_start3A_60 = tpu.memref_slice %arg9[%dma_start3A_58, %dma_start3A_59] : memref<10240x32xf32, #tpu.memory_space<vmem_shared>> -> memref<10240x32xf32, #tpu.memory_space<vmem_shared>>
    tpu.enqueue_indirect_dma source(%arg8 : memref<1000x32xf32, #tpu.memory_space<vmem>>) target(%dma_start3A_60 : memref<10240x32xf32, #tpu.memory_space<vmem_shared>>) offsets(%dma_start3A_57 : memref<1000xi32, #tpu.memory_space<vmem>>) semaphore(%arg13 : memref<!tpu.dma_semaphore, #tpu.memory_space<semaphore_mem>>) {add = true}
    %dma_wait3A_61 = arith.constant 1 : i32
    %dma_wait3A_62 = arith.constant 0 : i32
    %dma_wait3A_63 = tpu.memref_slice %arg6[%dma_wait3A_61, %dma_wait3A_62] : memref<5x1000xi32, #tpu.memory_space<vmem>> -> memref<1x1000xi32, #tpu.memory_space<vmem>>
    %dma_wait3A_64 = tpu.memref_squeeze %dma_wait3A_63 : memref<1x1000xi32, #tpu.memory_space<vmem>> -> memref<1000xi32, #tpu.memory_space<vmem>>
    %dma_wait3A_65 = arith.constant 0 : i32
    %dma_wait3A_66 = arith.constant 0 : i32
    %dma_wait3A_67 = tpu.memref_slice %arg9[%dma_wait3A_65, %dma_wait3A_66] : memref<10240x32xf32, #tpu.memory_space<vmem_shared>> -> memref<10240x32xf32, #tpu.memory_space<vmem_shared>>
    tpu.wait_indirect_dma semaphore(%arg13 : memref<!tpu.dma_semaphore, #tpu.memory_space<semaphore_mem>>) src(%arg8 : memref<1000x32xf32, #tpu.memory_space<vmem>>) dst(%dma_wait3A_67 : memref<10240x32xf32, #tpu.memory_space<vmem_shared>>)
    %add3A_68 = arith.constant 3000 : i32
    %add3A_69 = arith.addi %mul3A_2, %add3A_68 : i32
    %dma_start3A_70 = arith.constant 0 : i32
    %dma_start3A_71 = tpu.memref_slice %arg2[%add3A_69, %dma_start3A_70] : memref<160000x32xf32, #tpu.memory_space<hbm>> -> memref<1000x32xf32, #tpu.memory_space<hbm>>
    %dma_start3A_72 = arith.constant 0 : i32
    %dma_start3A_73 = tpu.memref_slice %arg2[%add3A_69, %dma_start3A_72] : memref<160000x32xf32, #tpu.memory_space<hbm>> -> memref<1000x32xf32, #tpu.memory_space<hbm>>
    tpu.enqueue_dma source(%dma_start3A_73 : memref<1000x32xf32, #tpu.memory_space<hbm>>) target(%arg8 : memref<1000x32xf32, #tpu.memory_space<vmem>>) target_semaphore(%arg11 : memref<!tpu.dma_semaphore, #tpu.memory_space<semaphore_mem>>)
    %dma_wait3A_74 = arith.constant 0 : i32
    %dma_wait3A_75 = tpu.memref_slice %arg2[%add3A_45, %dma_wait3A_74] : memref<160000x32xf32, #tpu.memory_space<hbm>> -> memref<1000x32xf32, #tpu.memory_space<hbm>>
    %dma_wait3A_76 = arith.constant 0 : i32
    %dma_wait3A_77 = tpu.memref_slice %arg2[%add3A_45, %dma_wait3A_76] : memref<160000x32xf32, #tpu.memory_space<hbm>> -> memref<1000x32xf32, #tpu.memory_space<hbm>>
    tpu.wait_dma2 semaphore(%arg10 : memref<!tpu.dma_semaphore, #tpu.memory_space<semaphore_mem>>) src(%dma_wait3A_77 : memref<1000x32xf32, #tpu.memory_space<hbm>>) dst(%arg7 : memref<1000x32xf32, #tpu.memory_space<vmem>>)
    %dma_start3A_78 = arith.constant 2 : i32
    %dma_start3A_79 = arith.constant 0 : i32
    %dma_start3A_80 = tpu.memref_slice %arg6[%dma_start3A_78, %dma_start3A_79] : memref<5x1000xi32, #tpu.memory_space<vmem>> -> memref<1x1000xi32, #tpu.memory_space<vmem>>
    %dma_start3A_81 = tpu.memref_squeeze %dma_start3A_80 : memref<1x1000xi32, #tpu.memory_space<vmem>> -> memref<1000xi32, #tpu.memory_space<vmem>>
    %dma_start3A_82 = arith.constant 0 : i32
    %dma_start3A_83 = arith.constant 0 : i32
    %dma_start3A_84 = tpu.memref_slice %arg9[%dma_start3A_82, %dma_start3A_83] : memref<10240x32xf32, #tpu.memory_space<vmem_shared>> -> memref<10240x32xf32, #tpu.memory_space<vmem_shared>>
    tpu.enqueue_indirect_dma source(%arg7 : memref<1000x32xf32, #tpu.memory_space<vmem>>) target(%dma_start3A_84 : memref<10240x32xf32, #tpu.memory_space<vmem_shared>>) offsets(%dma_start3A_81 : memref<1000xi32, #tpu.memory_space<vmem>>) semaphore(%arg12 : memref<!tpu.dma_semaphore, #tpu.memory_space<semaphore_mem>>) {add = true}
    %dma_wait3A_85 = arith.constant 2 : i32
    %dma_wait3A_86 = arith.constant 0 : i32
    %dma_wait3A_87 = tpu.memref_slice %arg6[%dma_wait3A_85, %dma_wait3A_86] : memref<5x1000xi32, #tpu.memory_space<vmem>> -> memref<1x1000xi32, #tpu.memory_space<vmem>>
    %dma_wait3A_88 = tpu.memref_squeeze %dma_wait3A_87 : memref<1x1000xi32, #tpu.memory_space<vmem>> -> memref<1000xi32, #tpu.memory_space<vmem>>
    %dma_wait3A_89 = arith.constant 0 : i32
    %dma_wait3A_90 = arith.constant 0 : i32
    %dma_wait3A_91 = tpu.memref_slice %arg9[%dma_wait3A_89, %dma_wait3A_90] : memref<10240x32xf32, #tpu.memory_space<vmem_shared>> -> memref<10240x32xf32, #tpu.memory_space<vmem_shared>>
    tpu.wait_indirect_dma semaphore(%arg12 : memref<!tpu.dma_semaphore, #tpu.memory_space<semaphore_mem>>) src(%arg7 : memref<1000x32xf32, #tpu.memory_space<vmem>>) dst(%dma_wait3A_91 : memref<10240x32xf32, #tpu.memory_space<vmem_shared>>)
    %add3A_92 = arith.constant 4000 : i32
    %add3A_93 = arith.addi %mul3A_2, %add3A_92 : i32
    %dma_start3A_94 = arith.constant 0 : i32
    %dma_start3A_95 = tpu.memref_slice %arg2[%add3A_93, %dma_start3A_94] : memref<160000x32xf32, #tpu.memory_space<hbm>> -> memref<1000x32xf32, #tpu.memory_space<hbm>>
    %dma_start3A_96 = arith.constant 0 : i32
    %dma_start3A_97 = tpu.memref_slice %arg2[%add3A_93, %dma_start3A_96] : memref<160000x32xf32, #tpu.memory_space<hbm>> -> memref<1000x32xf32, #tpu.memory_space<hbm>>
    tpu.enqueue_dma source(%dma_start3A_97 : memref<1000x32xf32, #tpu.memory_space<hbm>>) target(%arg7 : memref<1000x32xf32, #tpu.memory_space<vmem>>) target_semaphore(%arg10 : memref<!tpu.dma_semaphore, #tpu.memory_space<semaphore_mem>>)
    %dma_wait3A_98 = arith.constant 0 : i32
    %dma_wait3A_99 = tpu.memref_slice %arg2[%add3A_69, %dma_wait3A_98] : memref<160000x32xf32, #tpu.memory_space<hbm>> -> memref<1000x32xf32, #tpu.memory_space<hbm>>
    %dma_wait3A_100 = arith.constant 0 : i32
    %dma_wait3A_101 = tpu.memref_slice %arg2[%add3A_69, %dma_wait3A_100] : memref<160000x32xf32, #tpu.memory_space<hbm>> -> memref<1000x32xf32, #tpu.memory_space<hbm>>
    tpu.wait_dma2 semaphore(%arg11 : memref<!tpu.dma_semaphore, #tpu.memory_space<semaphore_mem>>) src(%dma_wait3A_101 : memref<1000x32xf32, #tpu.memory_space<hbm>>) dst(%arg8 : memref<1000x32xf32, #tpu.memory_space<vmem>>)
    %dma_start3A_102 = arith.constant 3 : i32
    %dma_start3A_103 = arith.constant 0 : i32
    %dma_start3A_104 = tpu.memref_slice %arg6[%dma_start3A_102, %dma_start3A_103] : memref<5x1000xi32, #tpu.memory_space<vmem>> -> memref<1x1000xi32, #tpu.memory_space<vmem>>
    %dma_start3A_105 = tpu.memref_squeeze %dma_start3A_104 : memref<1x1000xi32, #tpu.memory_space<vmem>> -> memref<1000xi32, #tpu.memory_space<vmem>>
    %dma_start3A_106 = arith.constant 0 : i32
    %dma_start3A_107 = arith.constant 0 : i32
    %dma_start3A_108 = tpu.memref_slice %arg9[%dma_start3A_106, %dma_start3A_107] : memref<10240x32xf32, #tpu.memory_space<vmem_shared>> -> memref<10240x32xf32, #tpu.memory_space<vmem_shared>>
    tpu.enqueue_indirect_dma source(%arg8 : memref<1000x32xf32, #tpu.memory_space<vmem>>) target(%dma_start3A_108 : memref<10240x32xf32, #tpu.memory_space<vmem_shared>>) offsets(%dma_start3A_105 : memref<1000xi32, #tpu.memory_space<vmem>>) semaphore(%arg13 : memref<!tpu.dma_semaphore, #tpu.memory_space<semaphore_mem>>) {add = true}
    %dma_wait3A_109 = arith.constant 0 : i32
    %dma_wait3A_110 = tpu.memref_slice %arg2[%add3A_93, %dma_wait3A_109] : memref<160000x32xf32, #tpu.memory_space<hbm>> -> memref<1000x32xf32, #tpu.memory_space<hbm>>
    %dma_wait3A_111 = arith.constant 0 : i32
    %dma_wait3A_112 = tpu.memref_slice %arg2[%add3A_93, %dma_wait3A_111] : memref<160000x32xf32, #tpu.memory_space<hbm>> -> memref<1000x32xf32, #tpu.memory_space<hbm>>
    tpu.wait_dma2 semaphore(%arg10 : memref<!tpu.dma_semaphore, #tpu.memory_space<semaphore_mem>>) src(%dma_wait3A_112 : memref<1000x32xf32, #tpu.memory_space<hbm>>) dst(%arg7 : memref<1000x32xf32, #tpu.memory_space<vmem>>)
    %dma_start3A_113 = arith.constant 4 : i32
    %dma_start3A_114 = arith.constant 0 : i32
    %dma_start3A_115 = tpu.memref_slice %arg6[%dma_start3A_113, %dma_start3A_114] : memref<5x1000xi32, #tpu.memory_space<vmem>> -> memref<1x1000xi32, #tpu.memory_space<vmem>>
    %dma_start3A_116 = tpu.memref_squeeze %dma_start3A_115 : memref<1x1000xi32, #tpu.memory_space<vmem>> -> memref<1000xi32, #tpu.memory_space<vmem>>
    %dma_start3A_117 = arith.constant 0 : i32
    %dma_start3A_118 = arith.constant 0 : i32
    %dma_start3A_119 = tpu.memref_slice %arg9[%dma_start3A_117, %dma_start3A_118] : memref<10240x32xf32, #tpu.memory_space<vmem_shared>> -> memref<10240x32xf32, #tpu.memory_space<vmem_shared>>
    tpu.enqueue_indirect_dma source(%arg7 : memref<1000x32xf32, #tpu.memory_space<vmem>>) target(%dma_start3A_119 : memref<10240x32xf32, #tpu.memory_space<vmem_shared>>) offsets(%dma_start3A_116 : memref<1000xi32, #tpu.memory_space<vmem>>) semaphore(%arg12 : memref<!tpu.dma_semaphore, #tpu.memory_space<semaphore_mem>>) {add = true}
    %dma_wait3A_120 = arith.constant 3 : i32
    %dma_wait3A_121 = arith.constant 0 : i32
    %dma_wait3A_122 = tpu.memref_slice %arg6[%dma_wait3A_120, %dma_wait3A_121] : memref<5x1000xi32, #tpu.memory_space<vmem>> -> memref<1x1000xi32, #tpu.memory_space<vmem>>
    %dma_wait3A_123 = tpu.memref_squeeze %dma_wait3A_122 : memref<1x1000xi32, #tpu.memory_space<vmem>> -> memref<1000xi32, #tpu.memory_space<vmem>>
    %dma_wait3A_124 = arith.constant 0 : i32
    %dma_wait3A_125 = arith.constant 0 : i32
    %dma_wait3A_126 = tpu.memref_slice %arg9[%dma_wait3A_124, %dma_wait3A_125] : memref<10240x32xf32, #tpu.memory_space<vmem_shared>> -> memref<10240x32xf32, #tpu.memory_space<vmem_shared>>
    tpu.wait_indirect_dma semaphore(%arg13 : memref<!tpu.dma_semaphore, #tpu.memory_space<semaphore_mem>>) src(%arg8 : memref<1000x32xf32, #tpu.memory_space<vmem>>) dst(%dma_wait3A_126 : memref<10240x32xf32, #tpu.memory_space<vmem_shared>>)
    %dma_wait3A_127 = arith.constant 4 : i32
    %dma_wait3A_128 = arith.constant 0 : i32
    %dma_wait3A_129 = tpu.memref_slice %arg6[%dma_wait3A_127, %dma_wait3A_128] : memref<5x1000xi32, #tpu.memory_space<vmem>> -> memref<1x1000xi32, #tpu.memory_space<vmem>>
    %dma_wait3A_130 = tpu.memref_squeeze %dma_wait3A_129 : memref<1x1000xi32, #tpu.memory_space<vmem>> -> memref<1000xi32, #tpu.memory_space<vmem>>
    %dma_wait3A_131 = arith.constant 0 : i32
    %dma_wait3A_132 = arith.constant 0 : i32
    %dma_wait3A_133 = tpu.memref_slice %arg9[%dma_wait3A_131, %dma_wait3A_132] : memref<10240x32xf32, #tpu.memory_space<vmem_shared>> -> memref<10240x32xf32, #tpu.memory_space<vmem_shared>>
    tpu.wait_indirect_dma semaphore(%arg12 : memref<!tpu.dma_semaphore, #tpu.memory_space<semaphore_mem>>) src(%arg7 : memref<1000x32xf32, #tpu.memory_space<vmem>>) dst(%dma_wait3A_133 : memref<10240x32xf32, #tpu.memory_space<vmem_shared>>)
    %barrier3A_134 = arith.constant 0 : index
    tpu.barrier barrier_id(%barrier3A_134)
    %mul3A_135 = arith.constant 640 : i32
    %mul3A_136 = arith.muli %arg1, %mul3A_135 : i32
    %mul3A_137 = arith.constant 640 : i32
    %mul3A_138 = arith.muli %arg1, %mul3A_137 : i32
    "tpu.region"() ({
      %run_scoped3A = tpu.sem_alloc : memref<!tpu.dma_semaphore, #tpu.memory_space<semaphore_mem>>
      %dma_start3A_139 = arith.constant 0 : i32
      %dma_start3A_140 = tpu.memref_slice %arg5[%arg0, %mul3A_138, %dma_start3A_139] : memref<2x10240x32xf32, #tpu.memory_space<hbm>> -> memref<1x640x32xf32, #tpu.memory_space<hbm>>
      %dma_start3A_141 = tpu.memref_squeeze %dma_start3A_140 : memref<1x640x32xf32, #tpu.memory_space<hbm>> -> memref<640x32xf32, #tpu.memory_space<hbm>>
      %dma_start3A_142 = arith.constant 0 : i32
      %dma_start3A_143 = tpu.memref_slice %arg9[%mul3A_136, %dma_start3A_142] : memref<10240x32xf32, #tpu.memory_space<vmem_shared>> -> memref<640x32xf32, #tpu.memory_space<vmem_shared>>
      tpu.enqueue_dma source(%dma_start3A_143 : memref<640x32xf32, #tpu.memory_space<vmem_shared>>) target(%dma_start3A_141 : memref<640x32xf32, #tpu.memory_space<hbm>>) target_semaphore(%run_scoped3A : memref<!tpu.dma_semaphore, #tpu.memory_space<semaphore_mem>>)
      %dma_wait3A_144 = arith.constant 0 : i32
      %dma_wait3A_145 = tpu.memref_slice %arg5[%arg0, %mul3A_138, %dma_wait3A_144] : memref<2x10240x32xf32, #tpu.memory_space<hbm>> -> memref<1x640x32xf32, #tpu.memory_space<hbm>>
      %dma_wait3A_146 = tpu.memref_squeeze %dma_wait3A_145 : memref<1x640x32xf32, #tpu.memory_space<hbm>> -> memref<640x32xf32, #tpu.memory_space<hbm>>
      %dma_wait3A_147 = arith.constant 0 : i32
      %dma_wait3A_148 = tpu.memref_slice %arg9[%mul3A_136, %dma_wait3A_147] : memref<10240x32xf32, #tpu.memory_space<vmem_shared>> -> memref<640x32xf32, #tpu.memory_space<vmem_shared>>
      tpu.wait_dma2 semaphore(%run_scoped3A : memref<!tpu.dma_semaphore, #tpu.memory_space<semaphore_mem>>) src(%dma_wait3A_148 : memref<640x32xf32, #tpu.memory_space<vmem_shared>>) dst(%dma_wait3A_146 : memref<640x32xf32, #tpu.memory_space<hbm>>)
      tpu.yield
    }) : () -> ()
    return
  }
}

#map = affine_map<(d0, d1) -> (0, 0)>
#map1 = affine_map<(d0, d1) -> (0, 0, 0)>
module attributes {stable_mosaic.version = 14 : i64} {
  func.func @body(%arg0: i32, %arg1: i32, %arg2: memref<160000x32xf32, #tpu.memory_space<hbm>>, %arg3: memref<32x5x1000xi32, #tpu.memory_space<hbm>>, %arg4: memref<10240x32xf32, #tpu.memory_space<hbm>>, %arg5: memref<2x10240x32xf32, #tpu.memory_space<hbm>>, %arg6: memref<5x1000xi32, #tpu.memory_space<vmem>>, %arg7: memref<1000x32xf32, #tpu.memory_space<vmem>>, %arg8: memref<1000x32xf32, #tpu.memory_space<vmem>>, %arg9: memref<10240x32xf32, #tpu.memory_space<vmem_shared>>, %arg10: memref<!tpu.dma_semaphore, #tpu.memory_space<semaphore_mem>>, %arg11: memref<!tpu.dma_semaphore, #tpu.memory_space<semaphore_mem>>, %arg12: memref<!tpu.dma_semaphore, #tpu.memory_space<semaphore_mem>>, %arg13: memref<!tpu.dma_semaphore, #tpu.memory_space<semaphore_mem>>) attributes {dimension_semantics = [#tpu.dimension_semantics<core_parallel>, #tpu.dimension_semantics<subcore_parallel>], iteration_bounds = array<i64: 2, 16>, scalar_prefetch = 0 : i64, scratch_operands = 8 : i64, tpu.core_type = #tpu.core_type<sc_vector_subcore>, window_params = [{transform_indices = #map}, {transform_indices = #map1}, {transform_indices = #map}, {transform_indices = #map1}]} {
    %mul3A = arith.constant 16 : i32
    %mul3A_0 = arith.muli %arg0, %mul3A : i32
    %add3A = arith.addi %mul3A_0, %arg1 : i32
    %mul3A_1 = arith.constant 5000 : i32
    %mul3A_2 = arith.muli %add3A, %mul3A_1 : i32
    %mul3A_3 = arith.constant 640 : i32
    %mul3A_4 = arith.muli %arg1, %mul3A_3 : i32
    %mul3A_5 = arith.constant 640 : i32
    %mul3A_6 = arith.muli %arg1, %mul3A_5 : i32
    %dma_start3A = arith.constant 0 : i32
    %dma_start3A_7 = tpu.memref_slice %arg9[%mul3A_6, %dma_start3A] : memref<10240x32xf32, #tpu.memory_space<vmem_shared>> -> memref<640x32xf32, #tpu.memory_space<vmem_shared>>
    %dma_start3A_8 = arith.constant 0 : i32
    %dma_start3A_9 = tpu.memref_slice %arg4[%mul3A_4, %dma_start3A_8] : memref<10240x32xf32, #tpu.memory_space<hbm>> -> memref<640x32xf32, #tpu.memory_space<hbm>>
    tpu.enqueue_dma source(%dma_start3A_9 : memref<640x32xf32, #tpu.memory_space<hbm>>) target(%dma_start3A_7 : memref<640x32xf32, #tpu.memory_space<vmem_shared>>) target_semaphore(%arg12 : memref<!tpu.dma_semaphore, #tpu.memory_space<semaphore_mem>>)
    %mul3A_10 = arith.constant 16 : i32
    %mul3A_11 = arith.muli %arg0, %mul3A_10 : i32
    %add3A_12 = arith.addi %mul3A_11, %arg1 : i32
    "tpu.region"() ({
      %run_scoped3A = tpu.sem_alloc : memref<!tpu.dma_semaphore, #tpu.memory_space<semaphore_mem>>
      %dma_start3A_139 = arith.constant 0 : i32
      %dma_start3A_140 = arith.constant 0 : i32
      %dma_start3A_141 = tpu.memref_slice %arg3[%add3A_12, %dma_start3A_139, %dma_start3A_140] : memref<32x5x1000xi32, #tpu.memory_space<hbm>> -> memref<1x5x1000xi32, #tpu.memory_space<hbm>>
      %dma_start3A_142 = tpu.memref_squeeze %dma_start3A_141 : memref<1x5x1000xi32, #tpu.memory_space<hbm>> -> memref<5x1000xi32, #tpu.memory_space<hbm>>
      %dma_start3A_143 = arith.constant 0 : i32
      %dma_start3A_144 = arith.constant 0 : i32
      %dma_start3A_145 = tpu.memref_slice %arg3[%add3A_12, %dma_start3A_143, %dma_start3A_144] : memref<32x5x1000xi32, #tpu.memory_space<hbm>> -> memref<1x5x1000xi32, #tpu.memory_space<hbm>>
      %dma_start3A_146 = tpu.memref_squeeze %dma_start3A_145 : memref<1x5x1000xi32, #tpu.memory_space<hbm>> -> memref<5x1000xi32, #tpu.memory_space<hbm>>
      tpu.enqueue_dma source(%dma_start3A_146 : memref<5x1000xi32, #tpu.memory_space<hbm>>) target(%arg6 : memref<5x1000xi32, #tpu.memory_space<vmem>>) target_semaphore(%run_scoped3A : memref<!tpu.dma_semaphore, #tpu.memory_space<semaphore_mem>>)
      %dma_wait3A_147 = arith.constant 0 : i32
      %dma_wait3A_148 = arith.constant 0 : i32
      %dma_wait3A_149 = tpu.memref_slice %arg3[%add3A_12, %dma_wait3A_147, %dma_wait3A_148] : memref<32x5x1000xi32, #tpu.memory_space<hbm>> -> memref<1x5x1000xi32, #tpu.memory_space<hbm>>
      %dma_wait3A_150 = tpu.memref_squeeze %dma_wait3A_149 : memref<1x5x1000xi32, #tpu.memory_space<hbm>> -> memref<5x1000xi32, #tpu.memory_space<hbm>>
      %dma_wait3A_151 = arith.constant 0 : i32
      %dma_wait3A_152 = arith.constant 0 : i32
      %dma_wait3A_153 = tpu.memref_slice %arg3[%add3A_12, %dma_wait3A_151, %dma_wait3A_152] : memref<32x5x1000xi32, #tpu.memory_space<hbm>> -> memref<1x5x1000xi32, #tpu.memory_space<hbm>>
      %dma_wait3A_154 = tpu.memref_squeeze %dma_wait3A_153 : memref<1x5x1000xi32, #tpu.memory_space<hbm>> -> memref<5x1000xi32, #tpu.memory_space<hbm>>
      tpu.wait_dma2 semaphore(%run_scoped3A : memref<!tpu.dma_semaphore, #tpu.memory_space<semaphore_mem>>) src(%dma_wait3A_154 : memref<5x1000xi32, #tpu.memory_space<hbm>>) dst(%arg6 : memref<5x1000xi32, #tpu.memory_space<vmem>>)
      tpu.yield
    }) : () -> ()
    %dma_wait3A = arith.constant 0 : i32
    %dma_wait3A_13 = tpu.memref_slice %arg9[%mul3A_6, %dma_wait3A] : memref<10240x32xf32, #tpu.memory_space<vmem_shared>> -> memref<640x32xf32, #tpu.memory_space<vmem_shared>>
    %dma_wait3A_14 = arith.constant 0 : i32
    %dma_wait3A_15 = tpu.memref_slice %arg4[%mul3A_4, %dma_wait3A_14] : memref<10240x32xf32, #tpu.memory_space<hbm>> -> memref<640x32xf32, #tpu.memory_space<hbm>>
    tpu.wait_dma2 semaphore(%arg12 : memref<!tpu.dma_semaphore, #tpu.memory_space<semaphore_mem>>) src(%dma_wait3A_15 : memref<640x32xf32, #tpu.memory_space<hbm>>) dst(%dma_wait3A_13 : memref<640x32xf32, #tpu.memory_space<vmem_shared>>)
    %barrier3A = arith.constant 0 : index
    tpu.barrier barrier_id(%barrier3A)
    %dma_start3A_16 = arith.constant 0 : i32
    %dma_start3A_17 = tpu.memref_slice %arg2[%mul3A_2, %dma_start3A_16] : memref<160000x32xf32, #tpu.memory_space<hbm>> -> memref<1000x32xf32, #tpu.memory_space<hbm>>
    %dma_start3A_18 = arith.constant 0 : i32
    %dma_start3A_19 = tpu.memref_slice %arg2[%mul3A_2, %dma_start3A_18] : memref<160000x32xf32, #tpu.memory_space<hbm>> -> memref<1000x32xf32, #tpu.memory_space<hbm>>
    tpu.enqueue_dma source(%dma_start3A_19 : memref<1000x32xf32, #tpu.memory_space<hbm>>) target(%arg7 : memref<1000x32xf32, #tpu.memory_space<vmem>>) target_semaphore(%arg10 : memref<!tpu.dma_semaphore, #tpu.memory_space<semaphore_mem>>)
    %add3A_20 = arith.constant 1000 : i32
    %add3A_21 = arith.addi %mul3A_2, %add3A_20 : i32
    %dma_start3A_22 = arith.constant 0 : i32
    %dma_start3A_23 = tpu.memref_slice %arg2[%add3A_21, %dma_start3A_22] : memref<160000x32xf32, #tpu.memory_space<hbm>> -> memref<1000x32xf32, #tpu.memory_space<hbm>>
    %dma_start3A_24 = arith.constant 0 : i32
    %dma_start3A_25 = tpu.memref_slice %arg2[%add3A_21, %dma_start3A_24] : memref<160000x32xf32, #tpu.memory_space<hbm>> -> memref<1000x32xf32, #tpu.memory_space<hbm>>
    tpu.enqueue_dma source(%dma_start3A_25 : memref<1000x32xf32, #tpu.memory_space<hbm>>) target(%arg8 : memref<1000x32xf32, #tpu.memory_space<vmem>>) target_semaphore(%arg11 : memref<!tpu.dma_semaphore, #tpu.memory_space<semaphore_mem>>)
    %dma_wait3A_26 = arith.constant 0 : i32
    %dma_wait3A_27 = tpu.memref_slice %arg2[%mul3A_2, %dma_wait3A_26] : memref<160000x32xf32, #tpu.memory_space<hbm>> -> memref<1000x32xf32, #tpu.memory_space<hbm>>
    %dma_wait3A_28 = arith.constant 0 : i32
    %dma_wait3A_29 = tpu.memref_slice %arg2[%mul3A_2, %dma_wait3A_28] : memref<160000x32xf32, #tpu.memory_space<hbm>> -> memref<1000x32xf32, #tpu.memory_space<hbm>>
    tpu.wait_dma2 semaphore(%arg10 : memref<!tpu.dma_semaphore, #tpu.memory_space<semaphore_mem>>) src(%dma_wait3A_29 : memref<1000x32xf32, #tpu.memory_space<hbm>>) dst(%arg7 : memref<1000x32xf32, #tpu.memory_space<vmem>>)
    %dma_start3A_30 = arith.constant 0 : i32
    %dma_start3A_31 = arith.constant 0 : i32
    %dma_start3A_32 = tpu.memref_slice %arg6[%dma_start3A_30, %dma_start3A_31] : memref<5x1000xi32, #tpu.memory_space<vmem>> -> memref<1x1000xi32, #tpu.memory_space<vmem>>
    %dma_start3A_33 = tpu.memref_squeeze %dma_start3A_32 : memref<1x1000xi32, #tpu.memory_space<vmem>> -> memref<1000xi32, #tpu.memory_space<vmem>>
    %dma_start3A_34 = arith.constant 0 : i32
    %dma_start3A_35 = arith.constant 0 : i32
    %dma_start3A_36 = tpu.memref_slice %arg9[%dma_start3A_34, %dma_start3A_35] : memref<10240x32xf32, #tpu.memory_space<vmem_shared>> -> memref<10240x32xf32, #tpu.memory_space<vmem_shared>>
    tpu.enqueue_indirect_dma source(%arg7 : memref<1000x32xf32, #tpu.memory_space<vmem>>) target(%dma_start3A_36 : memref<10240x32xf32, #tpu.memory_space<vmem_shared>>) offsets(%dma_start3A_33 : memref<1000xi32, #tpu.memory_space<vmem>>) semaphore(%arg12 : memref<!tpu.dma_semaphore, #tpu.memory_space<semaphore_mem>>) {add = true}
    %dma_wait3A_37 = arith.constant 0 : i32
    %dma_wait3A_38 = arith.constant 0 : i32
    %dma_wait3A_39 = tpu.memref_slice %arg6[%dma_wait3A_37, %dma_wait3A_38] : memref<5x1000xi32, #tpu.memory_space<vmem>> -> memref<1x1000xi32, #tpu.memory_space<vmem>>
    %dma_wait3A_40 = tpu.memref_squeeze %dma_wait3A_39 : memref<1x1000xi32, #tpu.memory_space<vmem>> -> memref<1000xi32, #tpu.memory_space<vmem>>
    %dma_wait3A_41 = arith.constant 0 : i32
    %dma_wait3A_42 = arith.constant 0 : i32
    %dma_wait3A_43 = tpu.memref_slice %arg9[%dma_wait3A_41, %dma_wait3A_42] : memref<10240x32xf32, #tpu.memory_space<vmem_shared>> -> memref<10240x32xf32, #tpu.memory_space<vmem_shared>>
    tpu.wait_indirect_dma semaphore(%arg12 : memref<!tpu.dma_semaphore, #tpu.memory_space<semaphore_mem>>) src(%arg7 : memref<1000x32xf32, #tpu.memory_space<vmem>>) dst(%dma_wait3A_43 : memref<10240x32xf32, #tpu.memory_space<vmem_shared>>)
    %add3A_44 = arith.constant 2000 : i32
    %add3A_45 = arith.addi %mul3A_2, %add3A_44 : i32
    %dma_start3A_46 = arith.constant 0 : i32
    %dma_start3A_47 = tpu.memref_slice %arg2[%add3A_45, %dma_start3A_46] : memref<160000x32xf32, #tpu.memory_space<hbm>> -> memref<1000x32xf32, #tpu.memory_space<hbm>>
    %dma_start3A_48 = arith.constant 0 : i32
    %dma_start3A_49 = tpu.memref_slice %arg2[%add3A_45, %dma_start3A_48] : memref<160000x32xf32, #tpu.memory_space<hbm>> -> memref<1000x32xf32, #tpu.memory_space<hbm>>
    tpu.enqueue_dma source(%dma_start3A_49 : memref<1000x32xf32, #tpu.memory_space<hbm>>) target(%arg7 : memref<1000x32xf32, #tpu.memory_space<vmem>>) target_semaphore(%arg10 : memref<!tpu.dma_semaphore, #tpu.memory_space<semaphore_mem>>)
    %dma_wait3A_50 = arith.constant 0 : i32
    %dma_wait3A_51 = tpu.memref_slice %arg2[%add3A_21, %dma_wait3A_50] : memref<160000x32xf32, #tpu.memory_space<hbm>> -> memref<1000x32xf32, #tpu.memory_space<hbm>>
    %dma_wait3A_52 = arith.constant 0 : i32
    %dma_wait3A_53 = tpu.memref_slice %arg2[%add3A_21, %dma_wait3A_52] : memref<160000x32xf32, #tpu.memory_space<hbm>> -> memref<1000x32xf32, #tpu.memory_space<hbm>>
    tpu.wait_dma2 semaphore(%arg11 : memref<!tpu.dma_semaphore, #tpu.memory_space<semaphore_mem>>) src(%dma_wait3A_53 : memref<1000x32xf32, #tpu.memory_space<hbm>>) dst(%arg8 : memref<1000x32xf32, #tpu.memory_space<vmem>>)
    %dma_start3A_54 = arith.constant 1 : i32
    %dma_start3A_55 = arith.constant 0 : i32
    %dma_start3A_56 = tpu.memref_slice %arg6[%dma_start3A_54, %dma_start3A_55] : memref<5x1000xi32, #tpu.memory_space<vmem>> -> memref<1x1000xi32, #tpu.memory_space<vmem>>
    %dma_start3A_57 = tpu.memref_squeeze %dma_start3A_56 : memref<1x1000xi32, #tpu.memory_space<vmem>> -> memref<1000xi32, #tpu.memory_space<vmem>>
    %dma_start3A_58 = arith.constant 0 : i32
    %dma_start3A_59 = arith.constant 0 : i32
    %dma_start3A_60 = tpu.memref_slice %arg9[%dma_start3A_58, %dma_start3A_59] : memref<10240x32xf32, #tpu.memory_space<vmem_shared>> -> memref<10240x32xf32, #tpu.memory_space<vmem_shared>>
    tpu.enqueue_indirect_dma source(%arg8 : memref<1000x32xf32, #tpu.memory_space<vmem>>) target(%dma_start3A_60 : memref<10240x32xf32, #tpu.memory_space<vmem_shared>>) offsets(%dma_start3A_57 : memref<1000xi32, #tpu.memory_space<vmem>>) semaphore(%arg13 : memref<!tpu.dma_semaphore, #tpu.memory_space<semaphore_mem>>) {add = true}
    %dma_wait3A_61 = arith.constant 1 : i32
    %dma_wait3A_62 = arith.constant 0 : i32
    %dma_wait3A_63 = tpu.memref_slice %arg6[%dma_wait3A_61, %dma_wait3A_62] : memref<5x1000xi32, #tpu.memory_space<vmem>> -> memref<1x1000xi32, #tpu.memory_space<vmem>>
    %dma_wait3A_64 = tpu.memref_squeeze %dma_wait3A_63 : memref<1x1000xi32, #tpu.memory_space<vmem>> -> memref<1000xi32, #tpu.memory_space<vmem>>
    %dma_wait3A_65 = arith.constant 0 : i32
    %dma_wait3A_66 = arith.constant 0 : i32
    %dma_wait3A_67 = tpu.memref_slice %arg9[%dma_wait3A_65, %dma_wait3A_66] : memref<10240x32xf32, #tpu.memory_space<vmem_shared>> -> memref<10240x32xf32, #tpu.memory_space<vmem_shared>>
    tpu.wait_indirect_dma semaphore(%arg13 : memref<!tpu.dma_semaphore, #tpu.memory_space<semaphore_mem>>) src(%arg8 : memref<1000x32xf32, #tpu.memory_space<vmem>>) dst(%dma_wait3A_67 : memref<10240x32xf32, #tpu.memory_space<vmem_shared>>)
    %add3A_68 = arith.constant 3000 : i32
    %add3A_69 = arith.addi %mul3A_2, %add3A_68 : i32
    %dma_start3A_70 = arith.constant 0 : i32
    %dma_start3A_71 = tpu.memref_slice %arg2[%add3A_69, %dma_start3A_70] : memref<160000x32xf32, #tpu.memory_space<hbm>> -> memref<1000x32xf32, #tpu.memory_space<hbm>>
    %dma_start3A_72 = arith.constant 0 : i32
    %dma_start3A_73 = tpu.memref_slice %arg2[%add3A_69, %dma_start3A_72] : memref<160000x32xf32, #tpu.memory_space<hbm>> -> memref<1000x32xf32, #tpu.memory_space<hbm>>
    tpu.enqueue_dma source(%dma_start3A_73 : memref<1000x32xf32, #tpu.memory_space<hbm>>) target(%arg8 : memref<1000x32xf32, #tpu.memory_space<vmem>>) target_semaphore(%arg11 : memref<!tpu.dma_semaphore, #tpu.memory_space<semaphore_mem>>)
    %dma_wait3A_74 = arith.constant 0 : i32
    %dma_wait3A_75 = tpu.memref_slice %arg2[%add3A_45, %dma_wait3A_74] : memref<160000x32xf32, #tpu.memory_space<hbm>> -> memref<1000x32xf32, #tpu.memory_space<hbm>>
    %dma_wait3A_76 = arith.constant 0 : i32
    %dma_wait3A_77 = tpu.memref_slice %arg2[%add3A_45, %dma_wait3A_76] : memref<160000x32xf32, #tpu.memory_space<hbm>> -> memref<1000x32xf32, #tpu.memory_space<hbm>>
    tpu.wait_dma2 semaphore(%arg10 : memref<!tpu.dma_semaphore, #tpu.memory_space<semaphore_mem>>) src(%dma_wait3A_77 : memref<1000x32xf32, #tpu.memory_space<hbm>>) dst(%arg7 : memref<1000x32xf32, #tpu.memory_space<vmem>>)
    %dma_start3A_78 = arith.constant 2 : i32
    %dma_start3A_79 = arith.constant 0 : i32
    %dma_start3A_80 = tpu.memref_slice %arg6[%dma_start3A_78, %dma_start3A_79] : memref<5x1000xi32, #tpu.memory_space<vmem>> -> memref<1x1000xi32, #tpu.memory_space<vmem>>
    %dma_start3A_81 = tpu.memref_squeeze %dma_start3A_80 : memref<1x1000xi32, #tpu.memory_space<vmem>> -> memref<1000xi32, #tpu.memory_space<vmem>>
    %dma_start3A_82 = arith.constant 0 : i32
    %dma_start3A_83 = arith.constant 0 : i32
    %dma_start3A_84 = tpu.memref_slice %arg9[%dma_start3A_82, %dma_start3A_83] : memref<10240x32xf32, #tpu.memory_space<vmem_shared>> -> memref<10240x32xf32, #tpu.memory_space<vmem_shared>>
    tpu.enqueue_indirect_dma source(%arg7 : memref<1000x32xf32, #tpu.memory_space<vmem>>) target(%dma_start3A_84 : memref<10240x32xf32, #tpu.memory_space<vmem_shared>>) offsets(%dma_start3A_81 : memref<1000xi32, #tpu.memory_space<vmem>>) semaphore(%arg12 : memref<!tpu.dma_semaphore, #tpu.memory_space<semaphore_mem>>) {add = true}
    %dma_wait3A_85 = arith.constant 2 : i32
    %dma_wait3A_86 = arith.constant 0 : i32
    %dma_wait3A_87 = tpu.memref_slice %arg6[%dma_wait3A_85, %dma_wait3A_86] : memref<5x1000xi32, #tpu.memory_space<vmem>> -> memref<1x1000xi32, #tpu.memory_space<vmem>>
    %dma_wait3A_88 = tpu.memref_squeeze %dma_wait3A_87 : memref<1x1000xi32, #tpu.memory_space<vmem>> -> memref<1000xi32, #tpu.memory_space<vmem>>
    %dma_wait3A_89 = arith.constant 0 : i32
    %dma_wait3A_90 = arith.constant 0 : i32
    %dma_wait3A_91 = tpu.memref_slice %arg9[%dma_wait3A_89, %dma_wait3A_90] : memref<10240x32xf32, #tpu.memory_space<vmem_shared>> -> memref<10240x32xf32, #tpu.memory_space<vmem_shared>>
    tpu.wait_indirect_dma semaphore(%arg12 : memref<!tpu.dma_semaphore, #tpu.memory_space<semaphore_mem>>) src(%arg7 : memref<1000x32xf32, #tpu.memory_space<vmem>>) dst(%dma_wait3A_91 : memref<10240x32xf32, #tpu.memory_space<vmem_shared>>)
    %add3A_92 = arith.constant 4000 : i32
    %add3A_93 = arith.addi %mul3A_2, %add3A_92 : i32
    %dma_start3A_94 = arith.constant 0 : i32
    %dma_start3A_95 = tpu.memref_slice %arg2[%add3A_93, %dma_start3A_94] : memref<160000x32xf32, #tpu.memory_space<hbm>> -> memref<1000x32xf32, #tpu.memory_space<hbm>>
    %dma_start3A_96 = arith.constant 0 : i32
    %dma_start3A_97 = tpu.memref_slice %arg2[%add3A_93, %dma_start3A_96] : memref<160000x32xf32, #tpu.memory_space<hbm>> -> memref<1000x32xf32, #tpu.memory_space<hbm>>
    tpu.enqueue_dma source(%dma_start3A_97 : memref<1000x32xf32, #tpu.memory_space<hbm>>) target(%arg7 : memref<1000x32xf32, #tpu.memory_space<vmem>>) target_semaphore(%arg10 : memref<!tpu.dma_semaphore, #tpu.memory_space<semaphore_mem>>)
    %dma_wait3A_98 = arith.constant 0 : i32
    %dma_wait3A_99 = tpu.memref_slice %arg2[%add3A_69, %dma_wait3A_98] : memref<160000x32xf32, #tpu.memory_space<hbm>> -> memref<1000x32xf32, #tpu.memory_space<hbm>>
    %dma_wait3A_100 = arith.constant 0 : i32
    %dma_wait3A_101 = tpu.memref_slice %arg2[%add3A_69, %dma_wait3A_100] : memref<160000x32xf32, #tpu.memory_space<hbm>> -> memref<1000x32xf32, #tpu.memory_space<hbm>>
    tpu.wait_dma2 semaphore(%arg11 : memref<!tpu.dma_semaphore, #tpu.memory_space<semaphore_mem>>) src(%dma_wait3A_101 : memref<1000x32xf32, #tpu.memory_space<hbm>>) dst(%arg8 : memref<1000x32xf32, #tpu.memory_space<vmem>>)
    %dma_start3A_102 = arith.constant 3 : i32
    %dma_start3A_103 = arith.constant 0 : i32
    %dma_start3A_104 = tpu.memref_slice %arg6[%dma_start3A_102, %dma_start3A_103] : memref<5x1000xi32, #tpu.memory_space<vmem>> -> memref<1x1000xi32, #tpu.memory_space<vmem>>
    %dma_start3A_105 = tpu.memref_squeeze %dma_start3A_104 : memref<1x1000xi32, #tpu.memory_space<vmem>> -> memref<1000xi32, #tpu.memory_space<vmem>>
    %dma_start3A_106 = arith.constant 0 : i32
    %dma_start3A_107 = arith.constant 0 : i32
    %dma_start3A_108 = tpu.memref_slice %arg9[%dma_start3A_106, %dma_start3A_107] : memref<10240x32xf32, #tpu.memory_space<vmem_shared>> -> memref<10240x32xf32, #tpu.memory_space<vmem_shared>>
    tpu.enqueue_indirect_dma source(%arg8 : memref<1000x32xf32, #tpu.memory_space<vmem>>) target(%dma_start3A_108 : memref<10240x32xf32, #tpu.memory_space<vmem_shared>>) offsets(%dma_start3A_105 : memref<1000xi32, #tpu.memory_space<vmem>>) semaphore(%arg13 : memref<!tpu.dma_semaphore, #tpu.memory_space<semaphore_mem>>) {add = true}
    %dma_wait3A_109 = arith.constant 0 : i32
    %dma_wait3A_110 = tpu.memref_slice %arg2[%add3A_93, %dma_wait3A_109] : memref<160000x32xf32, #tpu.memory_space<hbm>> -> memref<1000x32xf32, #tpu.memory_space<hbm>>
    %dma_wait3A_111 = arith.constant 0 : i32
    %dma_wait3A_112 = tpu.memref_slice %arg2[%add3A_93, %dma_wait3A_111] : memref<160000x32xf32, #tpu.memory_space<hbm>> -> memref<1000x32xf32, #tpu.memory_space<hbm>>
    tpu.wait_dma2 semaphore(%arg10 : memref<!tpu.dma_semaphore, #tpu.memory_space<semaphore_mem>>) src(%dma_wait3A_112 : memref<1000x32xf32, #tpu.memory_space<hbm>>) dst(%arg7 : memref<1000x32xf32, #tpu.memory_space<vmem>>)
    %dma_start3A_113 = arith.constant 4 : i32
    %dma_start3A_114 = arith.constant 0 : i32
    %dma_start3A_115 = tpu.memref_slice %arg6[%dma_start3A_113, %dma_start3A_114] : memref<5x1000xi32, #tpu.memory_space<vmem>> -> memref<1x1000xi32, #tpu.memory_space<vmem>>
    %dma_start3A_116 = tpu.memref_squeeze %dma_start3A_115 : memref<1x1000xi32, #tpu.memory_space<vmem>> -> memref<1000xi32, #tpu.memory_space<vmem>>
    %dma_start3A_117 = arith.constant 0 : i32
    %dma_start3A_118 = arith.constant 0 : i32
    %dma_start3A_119 = tpu.memref_slice %arg9[%dma_start3A_117, %dma_start3A_118] : memref<10240x32xf32, #tpu.memory_space<vmem_shared>> -> memref<10240x32xf32, #tpu.memory_space<vmem_shared>>
    tpu.enqueue_indirect_dma source(%arg7 : memref<1000x32xf32, #tpu.memory_space<vmem>>) target(%dma_start3A_119 : memref<10240x32xf32, #tpu.memory_space<vmem_shared>>) offsets(%dma_start3A_116 : memref<1000xi32, #tpu.memory_space<vmem>>) semaphore(%arg12 : memref<!tpu.dma_semaphore, #tpu.memory_space<semaphore_mem>>) {add = true}
    %dma_wait3A_120 = arith.constant 3 : i32
    %dma_wait3A_121 = arith.constant 0 : i32
    %dma_wait3A_122 = tpu.memref_slice %arg6[%dma_wait3A_120, %dma_wait3A_121] : memref<5x1000xi32, #tpu.memory_space<vmem>> -> memref<1x1000xi32, #tpu.memory_space<vmem>>
    %dma_wait3A_123 = tpu.memref_squeeze %dma_wait3A_122 : memref<1x1000xi32, #tpu.memory_space<vmem>> -> memref<1000xi32, #tpu.memory_space<vmem>>
    %dma_wait3A_124 = arith.constant 0 : i32
    %dma_wait3A_125 = arith.constant 0 : i32
    %dma_wait3A_126 = tpu.memref_slice %arg9[%dma_wait3A_124, %dma_wait3A_125] : memref<10240x32xf32, #tpu.memory_space<vmem_shared>> -> memref<10240x32xf32, #tpu.memory_space<vmem_shared>>
    tpu.wait_indirect_dma semaphore(%arg13 : memref<!tpu.dma_semaphore, #tpu.memory_space<semaphore_mem>>) src(%arg8 : memref<1000x32xf32, #tpu.memory_space<vmem>>) dst(%dma_wait3A_126 : memref<10240x32xf32, #tpu.memory_space<vmem_shared>>)
    %dma_wait3A_127 = arith.constant 4 : i32
    %dma_wait3A_128 = arith.constant 0 : i32
    %dma_wait3A_129 = tpu.memref_slice %arg6[%dma_wait3A_127, %dma_wait3A_128] : memref<5x1000xi32, #tpu.memory_space<vmem>> -> memref<1x1000xi32, #tpu.memory_space<vmem>>
    %dma_wait3A_130 = tpu.memref_squeeze %dma_wait3A_129 : memref<1x1000xi32, #tpu.memory_space<vmem>> -> memref<1000xi32, #tpu.memory_space<vmem>>
    %dma_wait3A_131 = arith.constant 0 : i32
    %dma_wait3A_132 = arith.constant 0 : i32
    %dma_wait3A_133 = tpu.memref_slice %arg9[%dma_wait3A_131, %dma_wait3A_132] : memref<10240x32xf32, #tpu.memory_space<vmem_shared>> -> memref<10240x32xf32, #tpu.memory_space<vmem_shared>>
    tpu.wait_indirect_dma semaphore(%arg12 : memref<!tpu.dma_semaphore, #tpu.memory_space<semaphore_mem>>) src(%arg7 : memref<1000x32xf32, #tpu.memory_space<vmem>>) dst(%dma_wait3A_133 : memref<10240x32xf32, #tpu.memory_space<vmem_shared>>)
    %barrier3A_134 = arith.constant 0 : index
    tpu.barrier barrier_id(%barrier3A_134)
    %mul3A_135 = arith.constant 640 : i32
    %mul3A_136 = arith.muli %arg1, %mul3A_135 : i32
    %mul3A_137 = arith.constant 640 : i32
    %mul3A_138 = arith.muli %arg1, %mul3A_137 : i32
    "tpu.region"() ({
      %run_scoped3A = tpu.sem_alloc : memref<!tpu.dma_semaphore, #tpu.memory_space<semaphore_mem>>
      %dma_start3A_139 = arith.constant 0 : i32
      %dma_start3A_140 = tpu.memref_slice %arg5[%arg0, %mul3A_138, %dma_start3A_139] : memref<2x10240x32xf32, #tpu.memory_space<hbm>> -> memref<1x640x32xf32, #tpu.memory_space<hbm>>
      %dma_start3A_141 = tpu.memref_squeeze %dma_start3A_140 : memref<1x640x32xf32, #tpu.memory_space<hbm>> -> memref<640x32xf32, #tpu.memory_space<hbm>>
      %dma_start3A_142 = arith.constant 0 : i32
      %dma_start3A_143 = tpu.memref_slice %arg9[%mul3A_136, %dma_start3A_142] : memref<10240x32xf32, #tpu.memory_space<vmem_shared>> -> memref<640x32xf32, #tpu.memory_space<vmem_shared>>
      tpu.enqueue_dma source(%dma_start3A_143 : memref<640x32xf32, #tpu.memory_space<vmem_shared>>) target(%dma_start3A_141 : memref<640x32xf32, #tpu.memory_space<hbm>>) target_semaphore(%run_scoped3A : memref<!tpu.dma_semaphore, #tpu.memory_space<semaphore_mem>>)
      %dma_wait3A_144 = arith.constant 0 : i32
      %dma_wait3A_145 = tpu.memref_slice %arg5[%arg0, %mul3A_138, %dma_wait3A_144] : memref<2x10240x32xf32, #tpu.memory_space<hbm>> -> memref<1x640x32xf32, #tpu.memory_space<hbm>>
      %dma_wait3A_146 = tpu.memref_squeeze %dma_wait3A_145 : memref<1x640x32xf32, #tpu.memory_space<hbm>> -> memref<640x32xf32, #tpu.memory_space<hbm>>
      %dma_wait3A_147 = arith.constant 0 : i32
      %dma_wait3A_148 = tpu.memref_slice %arg9[%mul3A_136, %dma_wait3A_147] : memref<10240x32xf32, #tpu.memory_space<vmem_shared>> -> memref<640x32xf32, #tpu.memory_space<vmem_shared>>
      tpu.wait_dma2 semaphore(%run_scoped3A : memref<!tpu.dma_semaphore, #tpu.memory_space<semaphore_mem>>) src(%dma_wait3A_148 : memref<640x32xf32, #tpu.memory_space<vmem_shared>>) dst(%dma_wait3A_146 : memref<640x32xf32, #tpu.memory_space<hbm>>)
      tpu.yield
    }) : () -> ()
    return
  }
}

#map = affine_map<(d0, d1) -> (0, 0)>
#map1 = affine_map<(d0, d1) -> (0)>
module attributes {stable_mosaic.version = 14 : i64} {
  func.func @body(%arg0: i32, %arg1: i32, %arg2: memref<10240x32xf32, #tpu.memory_space<hbm>>, %arg3: memref<160000xi32, #tpu.memory_space<hbm>>, %arg4: memref<160000x32xf32, #tpu.memory_space<hbm>>, %arg5: memref<5000xi32, #tpu.memory_space<vmem>>, %arg6: memref<1000x32xf32, #tpu.memory_space<vmem>>, %arg7: memref<1000x32xf32, #tpu.memory_space<vmem>>, %arg8: memref<!tpu.dma_semaphore, #tpu.memory_space<semaphore_mem>>, %arg9: memref<!tpu.dma_semaphore, #tpu.memory_space<semaphore_mem>>, %arg10: memref<!tpu.dma_semaphore, #tpu.memory_space<semaphore_mem>>, %arg11: memref<!tpu.dma_semaphore, #tpu.memory_space<semaphore_mem>>) attributes {dimension_semantics = [#tpu.dimension_semantics<core_parallel>, #tpu.dimension_semantics<subcore_parallel>], iteration_bounds = array<i64: 2, 16>, scalar_prefetch = 0 : i64, scratch_operands = 7 : i64, tpu.core_type = #tpu.core_type<sc_vector_subcore>, window_params = [{transform_indices = #map}, {transform_indices = #map1}, {transform_indices = #map}]} {
    %mul3A = arith.constant 16 : i32
    %mul3A_0 = arith.muli %arg0, %mul3A : i32
    %add3A = arith.addi %mul3A_0, %arg1 : i32
    %mul3A_1 = arith.constant 5000 : i32
    %mul3A_2 = arith.muli %add3A, %mul3A_1 : i32
    %add3A_3 = arith.constant 0 : i32
    %add3A_4 = arith.addi %add3A_3, %mul3A_2 : i32
    "tpu.region"() ({
      %run_scoped3A = tpu.sem_alloc : memref<!tpu.dma_semaphore, #tpu.memory_space<semaphore_mem>>
      %dma_start3A_103 = tpu.memref_slice %arg3[%add3A_4] : memref<160000xi32, #tpu.memory_space<hbm>> -> memref<5000xi32, #tpu.memory_space<hbm>>
      %dma_start3A_104 = tpu.memref_slice %arg3[%add3A_4] : memref<160000xi32, #tpu.memory_space<hbm>> -> memref<5000xi32, #tpu.memory_space<hbm>>
      tpu.enqueue_dma source(%dma_start3A_104 : memref<5000xi32, #tpu.memory_space<hbm>>) target(%arg5 : memref<5000xi32, #tpu.memory_space<vmem>>) target_semaphore(%run_scoped3A : memref<!tpu.dma_semaphore, #tpu.memory_space<semaphore_mem>>)
      %dma_wait3A_105 = tpu.memref_slice %arg3[%add3A_4] : memref<160000xi32, #tpu.memory_space<hbm>> -> memref<5000xi32, #tpu.memory_space<hbm>>
      %dma_wait3A_106 = tpu.memref_slice %arg3[%add3A_4] : memref<160000xi32, #tpu.memory_space<hbm>> -> memref<5000xi32, #tpu.memory_space<hbm>>
      tpu.wait_dma2 semaphore(%run_scoped3A : memref<!tpu.dma_semaphore, #tpu.memory_space<semaphore_mem>>) src(%dma_wait3A_106 : memref<5000xi32, #tpu.memory_space<hbm>>) dst(%arg5 : memref<5000xi32, #tpu.memory_space<vmem>>)
      tpu.yield
    }) : () -> ()
    %dma_start3A = arith.constant 0 : i32
    %dma_start3A_5 = tpu.memref_slice %arg5[%dma_start3A] : memref<5000xi32, #tpu.memory_space<vmem>> -> memref<1000xi32, #tpu.memory_space<vmem>>
    %dma_start3A_6 = arith.constant 0 : i32
    %dma_start3A_7 = arith.constant 0 : i32
    %dma_start3A_8 = tpu.memref_slice %arg2[%dma_start3A_6, %dma_start3A_7] : memref<10240x32xf32, #tpu.memory_space<hbm>> -> memref<10240x32xf32, #tpu.memory_space<hbm>>
    tpu.enqueue_indirect_dma source(%dma_start3A_8 : memref<10240x32xf32, #tpu.memory_space<hbm>>) target(%arg6 : memref<1000x32xf32, #tpu.memory_space<vmem>>) offsets(%dma_start3A_5 : memref<1000xi32, #tpu.memory_space<vmem>>) semaphore(%arg8 : memref<!tpu.dma_semaphore, #tpu.memory_space<semaphore_mem>>)
    %dma_start3A_9 = arith.constant 1000 : i32
    %dma_start3A_10 = tpu.memref_slice %arg5[%dma_start3A_9] : memref<5000xi32, #tpu.memory_space<vmem>> -> memref<1000xi32, #tpu.memory_space<vmem>>
    %dma_start3A_11 = arith.constant 0 : i32
    %dma_start3A_12 = arith.constant 0 : i32
    %dma_start3A_13 = tpu.memref_slice %arg2[%dma_start3A_11, %dma_start3A_12] : memref<10240x32xf32, #tpu.memory_space<hbm>> -> memref<10240x32xf32, #tpu.memory_space<hbm>>
    tpu.enqueue_indirect_dma source(%dma_start3A_13 : memref<10240x32xf32, #tpu.memory_space<hbm>>) target(%arg7 : memref<1000x32xf32, #tpu.memory_space<vmem>>) offsets(%dma_start3A_10 : memref<1000xi32, #tpu.memory_space<vmem>>) semaphore(%arg9 : memref<!tpu.dma_semaphore, #tpu.memory_space<semaphore_mem>>)
    %dma_wait3A = arith.constant 0 : i32
    %dma_wait3A_14 = tpu.memref_slice %arg5[%dma_wait3A] : memref<5000xi32, #tpu.memory_space<vmem>> -> memref<1000xi32, #tpu.memory_space<vmem>>
    %dma_wait3A_15 = arith.constant 0 : i32
    %dma_wait3A_16 = arith.constant 0 : i32
    %dma_wait3A_17 = tpu.memref_slice %arg2[%dma_wait3A_15, %dma_wait3A_16] : memref<10240x32xf32, #tpu.memory_space<hbm>> -> memref<10240x32xf32, #tpu.memory_space<hbm>>
    tpu.wait_indirect_dma semaphore(%arg8 : memref<!tpu.dma_semaphore, #tpu.memory_space<semaphore_mem>>) src(%dma_wait3A_17 : memref<10240x32xf32, #tpu.memory_space<hbm>>) dst(%arg6 : memref<1000x32xf32, #tpu.memory_space<vmem>>)
    %add3A_18 = arith.constant 0 : i32
    %add3A_19 = arith.addi %mul3A_2, %add3A_18 : i32
    %dma_start3A_20 = arith.constant 0 : i32
    %dma_start3A_21 = tpu.memref_slice %arg4[%add3A_19, %dma_start3A_20] : memref<160000x32xf32, #tpu.memory_space<hbm>> -> memref<1000x32xf32, #tpu.memory_space<hbm>>
    %dma_start3A_22 = arith.constant 0 : i32
    %dma_start3A_23 = tpu.memref_slice %arg4[%add3A_19, %dma_start3A_22] : memref<160000x32xf32, #tpu.memory_space<hbm>> -> memref<1000x32xf32, #tpu.memory_space<hbm>>
    tpu.enqueue_dma source(%arg6 : memref<1000x32xf32, #tpu.memory_space<vmem>>) target(%dma_start3A_23 : memref<1000x32xf32, #tpu.memory_space<hbm>>) target_semaphore(%arg10 : memref<!tpu.dma_semaphore, #tpu.memory_space<semaphore_mem>>)
    %dma_wait3A_24 = arith.constant 0 : i32
    %dma_wait3A_25 = tpu.memref_slice %arg4[%add3A_19, %dma_wait3A_24] : memref<160000x32xf32, #tpu.memory_space<hbm>> -> memref<1000x32xf32, #tpu.memory_space<hbm>>
    %dma_wait3A_26 = arith.constant 0 : i32
    %dma_wait3A_27 = tpu.memref_slice %arg4[%add3A_19, %dma_wait3A_26] : memref<160000x32xf32, #tpu.memory_space<hbm>> -> memref<1000x32xf32, #tpu.memory_space<hbm>>
    tpu.wait_dma2 semaphore(%arg10 : memref<!tpu.dma_semaphore, #tpu.memory_space<semaphore_mem>>) src(%arg6 : memref<1000x32xf32, #tpu.memory_space<vmem>>) dst(%dma_wait3A_27 : memref<1000x32xf32, #tpu.memory_space<hbm>>)
    %dma_start3A_28 = arith.constant 2000 : i32
    %dma_start3A_29 = tpu.memref_slice %arg5[%dma_start3A_28] : memref<5000xi32, #tpu.memory_space<vmem>> -> memref<1000xi32, #tpu.memory_space<vmem>>
    %dma_start3A_30 = arith.constant 0 : i32
    %dma_start3A_31 = arith.constant 0 : i32
    %dma_start3A_32 = tpu.memref_slice %arg2[%dma_start3A_30, %dma_start3A_31] : memref<10240x32xf32, #tpu.memory_space<hbm>> -> memref<10240x32xf32, #tpu.memory_space<hbm>>
    tpu.enqueue_indirect_dma source(%dma_start3A_32 : memref<10240x32xf32, #tpu.memory_space<hbm>>) target(%arg6 : memref<1000x32xf32, #tpu.memory_space<vmem>>) offsets(%dma_start3A_29 : memref<1000xi32, #tpu.memory_space<vmem>>) semaphore(%arg8 : memref<!tpu.dma_semaphore, #tpu.memory_space<semaphore_mem>>)
    %dma_wait3A_33 = arith.constant 1000 : i32
    %dma_wait3A_34 = tpu.memref_slice %arg5[%dma_wait3A_33] : memref<5000xi32, #tpu.memory_space<vmem>> -> memref<1000xi32, #tpu.memory_space<vmem>>
    %dma_wait3A_35 = arith.constant 0 : i32
    %dma_wait3A_36 = arith.constant 0 : i32
    %dma_wait3A_37 = tpu.memref_slice %arg2[%dma_wait3A_35, %dma_wait3A_36] : memref<10240x32xf32, #tpu.memory_space<hbm>> -> memref<10240x32xf32, #tpu.memory_space<hbm>>
    tpu.wait_indirect_dma semaphore(%arg9 : memref<!tpu.dma_semaphore, #tpu.memory_space<semaphore_mem>>) src(%dma_wait3A_37 : memref<10240x32xf32, #tpu.memory_space<hbm>>) dst(%arg7 : memref<1000x32xf32, #tpu.memory_space<vmem>>)
    %add3A_38 = arith.constant 1000 : i32
    %add3A_39 = arith.addi %mul3A_2, %add3A_38 : i32
    %dma_start3A_40 = arith.constant 0 : i32
    %dma_start3A_41 = tpu.memref_slice %arg4[%add3A_39, %dma_start3A_40] : memref<160000x32xf32, #tpu.memory_space<hbm>> -> memref<1000x32xf32, #tpu.memory_space<hbm>>
    %dma_start3A_42 = arith.constant 0 : i32
    %dma_start3A_43 = tpu.memref_slice %arg4[%add3A_39, %dma_start3A_42] : memref<160000x32xf32, #tpu.memory_space<hbm>> -> memref<1000x32xf32, #tpu.memory_space<hbm>>
    tpu.enqueue_dma source(%arg7 : memref<1000x32xf32, #tpu.memory_space<vmem>>) target(%dma_start3A_43 : memref<1000x32xf32, #tpu.memory_space<hbm>>) target_semaphore(%arg11 : memref<!tpu.dma_semaphore, #tpu.memory_space<semaphore_mem>>)
    %dma_wait3A_44 = arith.constant 0 : i32
    %dma_wait3A_45 = tpu.memref_slice %arg4[%add3A_39, %dma_wait3A_44] : memref<160000x32xf32, #tpu.memory_space<hbm>> -> memref<1000x32xf32, #tpu.memory_space<hbm>>
    %dma_wait3A_46 = arith.constant 0 : i32
    %dma_wait3A_47 = tpu.memref_slice %arg4[%add3A_39, %dma_wait3A_46] : memref<160000x32xf32, #tpu.memory_space<hbm>> -> memref<1000x32xf32, #tpu.memory_space<hbm>>
    tpu.wait_dma2 semaphore(%arg11 : memref<!tpu.dma_semaphore, #tpu.memory_space<semaphore_mem>>) src(%arg7 : memref<1000x32xf32, #tpu.memory_space<vmem>>) dst(%dma_wait3A_47 : memref<1000x32xf32, #tpu.memory_space<hbm>>)
    %dma_start3A_48 = arith.constant 3000 : i32
    %dma_start3A_49 = tpu.memref_slice %arg5[%dma_start3A_48] : memref<5000xi32, #tpu.memory_space<vmem>> -> memref<1000xi32, #tpu.memory_space<vmem>>
    %dma_start3A_50 = arith.constant 0 : i32
    %dma_start3A_51 = arith.constant 0 : i32
    %dma_start3A_52 = tpu.memref_slice %arg2[%dma_start3A_50, %dma_start3A_51] : memref<10240x32xf32, #tpu.memory_space<hbm>> -> memref<10240x32xf32, #tpu.memory_space<hbm>>
    tpu.enqueue_indirect_dma source(%dma_start3A_52 : memref<10240x32xf32, #tpu.memory_space<hbm>>) target(%arg7 : memref<1000x32xf32, #tpu.memory_space<vmem>>) offsets(%dma_start3A_49 : memref<1000xi32, #tpu.memory_space<vmem>>) semaphore(%arg9 : memref<!tpu.dma_semaphore, #tpu.memory_space<semaphore_mem>>)
    %dma_wait3A_53 = arith.constant 2000 : i32
    %dma_wait3A_54 = tpu.memref_slice %arg5[%dma_wait3A_53] : memref<5000xi32, #tpu.memory_space<vmem>> -> memref<1000xi32, #tpu.memory_space<vmem>>
    %dma_wait3A_55 = arith.constant 0 : i32
    %dma_wait3A_56 = arith.constant 0 : i32
    %dma_wait3A_57 = tpu.memref_slice %arg2[%dma_wait3A_55, %dma_wait3A_56] : memref<10240x32xf32, #tpu.memory_space<hbm>> -> memref<10240x32xf32, #tpu.memory_space<hbm>>
    tpu.wait_indirect_dma semaphore(%arg8 : memref<!tpu.dma_semaphore, #tpu.memory_space<semaphore_mem>>) src(%dma_wait3A_57 : memref<10240x32xf32, #tpu.memory_space<hbm>>) dst(%arg6 : memref<1000x32xf32, #tpu.memory_space<vmem>>)
    %add3A_58 = arith.constant 2000 : i32
    %add3A_59 = arith.addi %mul3A_2, %add3A_58 : i32
    %dma_start3A_60 = arith.constant 0 : i32
    %dma_start3A_61 = tpu.memref_slice %arg4[%add3A_59, %dma_start3A_60] : memref<160000x32xf32, #tpu.memory_space<hbm>> -> memref<1000x32xf32, #tpu.memory_space<hbm>>
    %dma_start3A_62 = arith.constant 0 : i32
    %dma_start3A_63 = tpu.memref_slice %arg4[%add3A_59, %dma_start3A_62] : memref<160000x32xf32, #tpu.memory_space<hbm>> -> memref<1000x32xf32, #tpu.memory_space<hbm>>
    tpu.enqueue_dma source(%arg6 : memref<1000x32xf32, #tpu.memory_space<vmem>>) target(%dma_start3A_63 : memref<1000x32xf32, #tpu.memory_space<hbm>>) target_semaphore(%arg10 : memref<!tpu.dma_semaphore, #tpu.memory_space<semaphore_mem>>)
    %dma_wait3A_64 = arith.constant 0 : i32
    %dma_wait3A_65 = tpu.memref_slice %arg4[%add3A_59, %dma_wait3A_64] : memref<160000x32xf32, #tpu.memory_space<hbm>> -> memref<1000x32xf32, #tpu.memory_space<hbm>>
    %dma_wait3A_66 = arith.constant 0 : i32
    %dma_wait3A_67 = tpu.memref_slice %arg4[%add3A_59, %dma_wait3A_66] : memref<160000x32xf32, #tpu.memory_space<hbm>> -> memref<1000x32xf32, #tpu.memory_space<hbm>>
    tpu.wait_dma2 semaphore(%arg10 : memref<!tpu.dma_semaphore, #tpu.memory_space<semaphore_mem>>) src(%arg6 : memref<1000x32xf32, #tpu.memory_space<vmem>>) dst(%dma_wait3A_67 : memref<1000x32xf32, #tpu.memory_space<hbm>>)
    %dma_start3A_68 = arith.constant 4000 : i32
    %dma_start3A_69 = tpu.memref_slice %arg5[%dma_start3A_68] : memref<5000xi32, #tpu.memory_space<vmem>> -> memref<1000xi32, #tpu.memory_space<vmem>>
    %dma_start3A_70 = arith.constant 0 : i32
    %dma_start3A_71 = arith.constant 0 : i32
    %dma_start3A_72 = tpu.memref_slice %arg2[%dma_start3A_70, %dma_start3A_71] : memref<10240x32xf32, #tpu.memory_space<hbm>> -> memref<10240x32xf32, #tpu.memory_space<hbm>>
    tpu.enqueue_indirect_dma source(%dma_start3A_72 : memref<10240x32xf32, #tpu.memory_space<hbm>>) target(%arg6 : memref<1000x32xf32, #tpu.memory_space<vmem>>) offsets(%dma_start3A_69 : memref<1000xi32, #tpu.memory_space<vmem>>) semaphore(%arg8 : memref<!tpu.dma_semaphore, #tpu.memory_space<semaphore_mem>>)
    %dma_wait3A_73 = arith.constant 3000 : i32
    %dma_wait3A_74 = tpu.memref_slice %arg5[%dma_wait3A_73] : memref<5000xi32, #tpu.memory_space<vmem>> -> memref<1000xi32, #tpu.memory_space<vmem>>
    %dma_wait3A_75 = arith.constant 0 : i32
    %dma_wait3A_76 = arith.constant 0 : i32
    %dma_wait3A_77 = tpu.memref_slice %arg2[%dma_wait3A_75, %dma_wait3A_76] : memref<10240x32xf32, #tpu.memory_space<hbm>> -> memref<10240x32xf32, #tpu.memory_space<hbm>>
    tpu.wait_indirect_dma semaphore(%arg9 : memref<!tpu.dma_semaphore, #tpu.memory_space<semaphore_mem>>) src(%dma_wait3A_77 : memref<10240x32xf32, #tpu.memory_space<hbm>>) dst(%arg7 : memref<1000x32xf32, #tpu.memory_space<vmem>>)
    %add3A_78 = arith.constant 3000 : i32
    %add3A_79 = arith.addi %mul3A_2, %add3A_78 : i32
    %dma_start3A_80 = arith.constant 0 : i32
    %dma_start3A_81 = tpu.memref_slice %arg4[%add3A_79, %dma_start3A_80] : memref<160000x32xf32, #tpu.memory_space<hbm>> -> memref<1000x32xf32, #tpu.memory_space<hbm>>
    %dma_start3A_82 = arith.constant 0 : i32
    %dma_start3A_83 = tpu.memref_slice %arg4[%add3A_79, %dma_start3A_82] : memref<160000x32xf32, #tpu.memory_space<hbm>> -> memref<1000x32xf32, #tpu.memory_space<hbm>>
    tpu.enqueue_dma source(%arg7 : memref<1000x32xf32, #tpu.memory_space<vmem>>) target(%dma_start3A_83 : memref<1000x32xf32, #tpu.memory_space<hbm>>) target_semaphore(%arg11 : memref<!tpu.dma_semaphore, #tpu.memory_space<semaphore_mem>>)
    %dma_wait3A_84 = arith.constant 4000 : i32
    %dma_wait3A_85 = tpu.memref_slice %arg5[%dma_wait3A_84] : memref<5000xi32, #tpu.memory_space<vmem>> -> memref<1000xi32, #tpu.memory_space<vmem>>
    %dma_wait3A_86 = arith.constant 0 : i32
    %dma_wait3A_87 = arith.constant 0 : i32
    %dma_wait3A_88 = tpu.memref_slice %arg2[%dma_wait3A_86, %dma_wait3A_87] : memref<10240x32xf32, #tpu.memory_space<hbm>> -> memref<10240x32xf32, #tpu.memory_space<hbm>>
    tpu.wait_indirect_dma semaphore(%arg8 : memref<!tpu.dma_semaphore, #tpu.memory_space<semaphore_mem>>) src(%dma_wait3A_88 : memref<10240x32xf32, #tpu.memory_space<hbm>>) dst(%arg6 : memref<1000x32xf32, #tpu.memory_space<vmem>>)
    %add3A_89 = arith.constant 4000 : i32
    %add3A_90 = arith.addi %mul3A_2, %add3A_89 : i32
    %dma_start3A_91 = arith.constant 0 : i32
    %dma_start3A_92 = tpu.memref_slice %arg4[%add3A_90, %dma_start3A_91] : memref<160000x32xf32, #tpu.memory_space<hbm>> -> memref<1000x32xf32, #tpu.memory_space<hbm>>
    %dma_start3A_93 = arith.constant 0 : i32
    %dma_start3A_94 = tpu.memref_slice %arg4[%add3A_90, %dma_start3A_93] : memref<160000x32xf32, #tpu.memory_space<hbm>> -> memref<1000x32xf32, #tpu.memory_space<hbm>>
    tpu.enqueue_dma source(%arg6 : memref<1000x32xf32, #tpu.memory_space<vmem>>) target(%dma_start3A_94 : memref<1000x32xf32, #tpu.memory_space<hbm>>) target_semaphore(%arg10 : memref<!tpu.dma_semaphore, #tpu.memory_space<semaphore_mem>>)
    %dma_wait3A_95 = arith.constant 0 : i32
    %dma_wait3A_96 = tpu.memref_slice %arg4[%add3A_79, %dma_wait3A_95] : memref<160000x32xf32, #tpu.memory_space<hbm>> -> memref<1000x32xf32, #tpu.memory_space<hbm>>
    %dma_wait3A_97 = arith.constant 0 : i32
    %dma_wait3A_98 = tpu.memref_slice %arg4[%add3A_79, %dma_wait3A_97] : memref<160000x32xf32, #tpu.memory_space<hbm>> -> memref<1000x32xf32, #tpu.memory_space<hbm>>
    tpu.wait_dma2 semaphore(%arg11 : memref<!tpu.dma_semaphore, #tpu.memory_space<semaphore_mem>>) src(%arg7 : memref<1000x32xf32, #tpu.memory_space<vmem>>) dst(%dma_wait3A_98 : memref<1000x32xf32, #tpu.memory_space<hbm>>)
    %dma_wait3A_99 = arith.constant 0 : i32
    %dma_wait3A_100 = tpu.memref_slice %arg4[%add3A_90, %dma_wait3A_99] : memref<160000x32xf32, #tpu.memory_space<hbm>> -> memref<1000x32xf32, #tpu.memory_space<hbm>>
    %dma_wait3A_101 = arith.constant 0 : i32
    %dma_wait3A_102 = tpu.memref_slice %arg4[%add3A_90, %dma_wait3A_101] : memref<160000x32xf32, #tpu.memory_space<hbm>> -> memref<1000x32xf32, #tpu.memory_space<hbm>>
    tpu.wait_dma2 semaphore(%arg10 : memref<!tpu.dma_semaphore, #tpu.memory_space<semaphore_mem>>) src(%arg6 : memref<1000x32xf32, #tpu.memory_space<vmem>>) dst(%dma_wait3A_102 : memref<1000x32xf32, #tpu.memory_space<hbm>>)
    return
  }
}

#map = affine_map<(d0, d1) -> (0, 0)>
#map1 = affine_map<(d0, d1) -> (0, 0, 0)>
module attributes {stable_mosaic.version = 14 : i64} {
  func.func @body(%arg0: i32, %arg1: i32, %arg2: memref<160000x32xf32, #tpu.memory_space<hbm>>, %arg3: memref<32x5x1000xi32, #tpu.memory_space<hbm>>, %arg4: memref<10240x32xf32, #tpu.memory_space<hbm>>, %arg5: memref<2x10240x32xf32, #tpu.memory_space<hbm>>, %arg6: memref<5x1000xi32, #tpu.memory_space<vmem>>, %arg7: memref<1000x32xf32, #tpu.memory_space<vmem>>, %arg8: memref<1000x32xf32, #tpu.memory_space<vmem>>, %arg9: memref<10240x32xf32, #tpu.memory_space<vmem_shared>>, %arg10: memref<!tpu.dma_semaphore, #tpu.memory_space<semaphore_mem>>, %arg11: memref<!tpu.dma_semaphore, #tpu.memory_space<semaphore_mem>>, %arg12: memref<!tpu.dma_semaphore, #tpu.memory_space<semaphore_mem>>, %arg13: memref<!tpu.dma_semaphore, #tpu.memory_space<semaphore_mem>>) attributes {dimension_semantics = [#tpu.dimension_semantics<core_parallel>, #tpu.dimension_semantics<subcore_parallel>], iteration_bounds = array<i64: 2, 16>, scalar_prefetch = 0 : i64, scratch_operands = 8 : i64, tpu.core_type = #tpu.core_type<sc_vector_subcore>, window_params = [{transform_indices = #map}, {transform_indices = #map1}, {transform_indices = #map}, {transform_indices = #map1}]} {
    %mul3A = arith.constant 16 : i32
    %mul3A_0 = arith.muli %arg0, %mul3A : i32
    %add3A = arith.addi %mul3A_0, %arg1 : i32
    %mul3A_1 = arith.constant 5000 : i32
    %mul3A_2 = arith.muli %add3A, %mul3A_1 : i32
    %mul3A_3 = arith.constant 640 : i32
    %mul3A_4 = arith.muli %arg1, %mul3A_3 : i32
    %mul3A_5 = arith.constant 640 : i32
    %mul3A_6 = arith.muli %arg1, %mul3A_5 : i32
    %dma_start3A = arith.constant 0 : i32
    %dma_start3A_7 = tpu.memref_slice %arg9[%mul3A_6, %dma_start3A] : memref<10240x32xf32, #tpu.memory_space<vmem_shared>> -> memref<640x32xf32, #tpu.memory_space<vmem_shared>>
    %dma_start3A_8 = arith.constant 0 : i32
    %dma_start3A_9 = tpu.memref_slice %arg4[%mul3A_4, %dma_start3A_8] : memref<10240x32xf32, #tpu.memory_space<hbm>> -> memref<640x32xf32, #tpu.memory_space<hbm>>
    tpu.enqueue_dma source(%dma_start3A_9 : memref<640x32xf32, #tpu.memory_space<hbm>>) target(%dma_start3A_7 : memref<640x32xf32, #tpu.memory_space<vmem_shared>>) target_semaphore(%arg12 : memref<!tpu.dma_semaphore, #tpu.memory_space<semaphore_mem>>)
    %mul3A_10 = arith.constant 16 : i32
    %mul3A_11 = arith.muli %arg0, %mul3A_10 : i32
    %add3A_12 = arith.addi %mul3A_11, %arg1 : i32
    "tpu.region"() ({
      %run_scoped3A = tpu.sem_alloc : memref<!tpu.dma_semaphore, #tpu.memory_space<semaphore_mem>>
      %dma_start3A_139 = arith.constant 0 : i32
      %dma_start3A_140 = arith.constant 0 : i32
      %dma_start3A_141 = tpu.memref_slice %arg3[%add3A_12, %dma_start3A_139, %dma_start3A_140] : memref<32x5x1000xi32, #tpu.memory_space<hbm>> -> memref<1x5x1000xi32, #tpu.memory_space<hbm>>
      %dma_start3A_142 = tpu.memref_squeeze %dma_start3A_141 : memref<1x5x1000xi32, #tpu.memory_space<hbm>> -> memref<5x1000xi32, #tpu.memory_space<hbm>>
      %dma_start3A_143 = arith.constant 0 : i32
      %dma_start3A_144 = arith.constant 0 : i32
      %dma_start3A_145 = tpu.memref_slice %arg3[%add3A_12, %dma_start3A_143, %dma_start3A_144] : memref<32x5x1000xi32, #tpu.memory_space<hbm>> -> memref<1x5x1000xi32, #tpu.memory_space<hbm>>
      %dma_start3A_146 = tpu.memref_squeeze %dma_start3A_145 : memref<1x5x1000xi32, #tpu.memory_space<hbm>> -> memref<5x1000xi32, #tpu.memory_space<hbm>>
      tpu.enqueue_dma source(%dma_start3A_146 : memref<5x1000xi32, #tpu.memory_space<hbm>>) target(%arg6 : memref<5x1000xi32, #tpu.memory_space<vmem>>) target_semaphore(%run_scoped3A : memref<!tpu.dma_semaphore, #tpu.memory_space<semaphore_mem>>)
      %dma_wait3A_147 = arith.constant 0 : i32
      %dma_wait3A_148 = arith.constant 0 : i32
      %dma_wait3A_149 = tpu.memref_slice %arg3[%add3A_12, %dma_wait3A_147, %dma_wait3A_148] : memref<32x5x1000xi32, #tpu.memory_space<hbm>> -> memref<1x5x1000xi32, #tpu.memory_space<hbm>>
      %dma_wait3A_150 = tpu.memref_squeeze %dma_wait3A_149 : memref<1x5x1000xi32, #tpu.memory_space<hbm>> -> memref<5x1000xi32, #tpu.memory_space<hbm>>
      %dma_wait3A_151 = arith.constant 0 : i32
      %dma_wait3A_152 = arith.constant 0 : i32
      %dma_wait3A_153 = tpu.memref_slice %arg3[%add3A_12, %dma_wait3A_151, %dma_wait3A_152] : memref<32x5x1000xi32, #tpu.memory_space<hbm>> -> memref<1x5x1000xi32, #tpu.memory_space<hbm>>
      %dma_wait3A_154 = tpu.memref_squeeze %dma_wait3A_153 : memref<1x5x1000xi32, #tpu.memory_space<hbm>> -> memref<5x1000xi32, #tpu.memory_space<hbm>>
      tpu.wait_dma2 semaphore(%run_scoped3A : memref<!tpu.dma_semaphore, #tpu.memory_space<semaphore_mem>>) src(%dma_wait3A_154 : memref<5x1000xi32, #tpu.memory_space<hbm>>) dst(%arg6 : memref<5x1000xi32, #tpu.memory_space<vmem>>)
      tpu.yield
    }) : () -> ()
    %dma_wait3A = arith.constant 0 : i32
    %dma_wait3A_13 = tpu.memref_slice %arg9[%mul3A_6, %dma_wait3A] : memref<10240x32xf32, #tpu.memory_space<vmem_shared>> -> memref<640x32xf32, #tpu.memory_space<vmem_shared>>
    %dma_wait3A_14 = arith.constant 0 : i32
    %dma_wait3A_15 = tpu.memref_slice %arg4[%mul3A_4, %dma_wait3A_14] : memref<10240x32xf32, #tpu.memory_space<hbm>> -> memref<640x32xf32, #tpu.memory_space<hbm>>
    tpu.wait_dma2 semaphore(%arg12 : memref<!tpu.dma_semaphore, #tpu.memory_space<semaphore_mem>>) src(%dma_wait3A_15 : memref<640x32xf32, #tpu.memory_space<hbm>>) dst(%dma_wait3A_13 : memref<640x32xf32, #tpu.memory_space<vmem_shared>>)
    %barrier3A = arith.constant 0 : index
    tpu.barrier barrier_id(%barrier3A)
    %dma_start3A_16 = arith.constant 0 : i32
    %dma_start3A_17 = tpu.memref_slice %arg2[%mul3A_2, %dma_start3A_16] : memref<160000x32xf32, #tpu.memory_space<hbm>> -> memref<1000x32xf32, #tpu.memory_space<hbm>>
    %dma_start3A_18 = arith.constant 0 : i32
    %dma_start3A_19 = tpu.memref_slice %arg2[%mul3A_2, %dma_start3A_18] : memref<160000x32xf32, #tpu.memory_space<hbm>> -> memref<1000x32xf32, #tpu.memory_space<hbm>>
    tpu.enqueue_dma source(%dma_start3A_19 : memref<1000x32xf32, #tpu.memory_space<hbm>>) target(%arg7 : memref<1000x32xf32, #tpu.memory_space<vmem>>) target_semaphore(%arg10 : memref<!tpu.dma_semaphore, #tpu.memory_space<semaphore_mem>>)
    %add3A_20 = arith.constant 1000 : i32
    %add3A_21 = arith.addi %mul3A_2, %add3A_20 : i32
    %dma_start3A_22 = arith.constant 0 : i32
    %dma_start3A_23 = tpu.memref_slice %arg2[%add3A_21, %dma_start3A_22] : memref<160000x32xf32, #tpu.memory_space<hbm>> -> memref<1000x32xf32, #tpu.memory_space<hbm>>
    %dma_start3A_24 = arith.constant 0 : i32
    %dma_start3A_25 = tpu.memref_slice %arg2[%add3A_21, %dma_start3A_24] : memref<160000x32xf32, #tpu.memory_space<hbm>> -> memref<1000x32xf32, #tpu.memory_space<hbm>>
    tpu.enqueue_dma source(%dma_start3A_25 : memref<1000x32xf32, #tpu.memory_space<hbm>>) target(%arg8 : memref<1000x32xf32, #tpu.memory_space<vmem>>) target_semaphore(%arg11 : memref<!tpu.dma_semaphore, #tpu.memory_space<semaphore_mem>>)
    %dma_wait3A_26 = arith.constant 0 : i32
    %dma_wait3A_27 = tpu.memref_slice %arg2[%mul3A_2, %dma_wait3A_26] : memref<160000x32xf32, #tpu.memory_space<hbm>> -> memref<1000x32xf32, #tpu.memory_space<hbm>>
    %dma_wait3A_28 = arith.constant 0 : i32
    %dma_wait3A_29 = tpu.memref_slice %arg2[%mul3A_2, %dma_wait3A_28] : memref<160000x32xf32, #tpu.memory_space<hbm>> -> memref<1000x32xf32, #tpu.memory_space<hbm>>
    tpu.wait_dma2 semaphore(%arg10 : memref<!tpu.dma_semaphore, #tpu.memory_space<semaphore_mem>>) src(%dma_wait3A_29 : memref<1000x32xf32, #tpu.memory_space<hbm>>) dst(%arg7 : memref<1000x32xf32, #tpu.memory_space<vmem>>)
    %dma_start3A_30 = arith.constant 0 : i32
    %dma_start3A_31 = arith.constant 0 : i32
    %dma_start3A_32 = tpu.memref_slice %arg6[%dma_start3A_30, %dma_start3A_31] : memref<5x1000xi32, #tpu.memory_space<vmem>> -> memref<1x1000xi32, #tpu.memory_space<vmem>>
    %dma_start3A_33 = tpu.memref_squeeze %dma_start3A_32 : memref<1x1000xi32, #tpu.memory_space<vmem>> -> memref<1000xi32, #tpu.memory_space<vmem>>
    %dma_start3A_34 = arith.constant 0 : i32
    %dma_start3A_35 = arith.constant 0 : i32
    %dma_start3A_36 = tpu.memref_slice %arg9[%dma_start3A_34, %dma_start3A_35] : memref<10240x32xf32, #tpu.memory_space<vmem_shared>> -> memref<10240x32xf32, #tpu.memory_space<vmem_shared>>
    tpu.enqueue_indirect_dma source(%arg7 : memref<1000x32xf32, #tpu.memory_space<vmem>>) target(%dma_start3A_36 : memref<10240x32xf32, #tpu.memory_space<vmem_shared>>) offsets(%dma_start3A_33 : memref<1000xi32, #tpu.memory_space<vmem>>) semaphore(%arg12 : memref<!tpu.dma_semaphore, #tpu.memory_space<semaphore_mem>>) {add = true}
    %dma_wait3A_37 = arith.constant 0 : i32
    %dma_wait3A_38 = arith.constant 0 : i32
    %dma_wait3A_39 = tpu.memref_slice %arg6[%dma_wait3A_37, %dma_wait3A_38] : memref<5x1000xi32, #tpu.memory_space<vmem>> -> memref<1x1000xi32, #tpu.memory_space<vmem>>
    %dma_wait3A_40 = tpu.memref_squeeze %dma_wait3A_39 : memref<1x1000xi32, #tpu.memory_space<vmem>> -> memref<1000xi32, #tpu.memory_space<vmem>>
    %dma_wait3A_41 = arith.constant 0 : i32
    %dma_wait3A_42 = arith.constant 0 : i32
    %dma_wait3A_43 = tpu.memref_slice %arg9[%dma_wait3A_41, %dma_wait3A_42] : memref<10240x32xf32, #tpu.memory_space<vmem_shared>> -> memref<10240x32xf32, #tpu.memory_space<vmem_shared>>
    tpu.wait_indirect_dma semaphore(%arg12 : memref<!tpu.dma_semaphore, #tpu.memory_space<semaphore_mem>>) src(%arg7 : memref<1000x32xf32, #tpu.memory_space<vmem>>) dst(%dma_wait3A_43 : memref<10240x32xf32, #tpu.memory_space<vmem_shared>>)
    %add3A_44 = arith.constant 2000 : i32
    %add3A_45 = arith.addi %mul3A_2, %add3A_44 : i32
    %dma_start3A_46 = arith.constant 0 : i32
    %dma_start3A_47 = tpu.memref_slice %arg2[%add3A_45, %dma_start3A_46] : memref<160000x32xf32, #tpu.memory_space<hbm>> -> memref<1000x32xf32, #tpu.memory_space<hbm>>
    %dma_start3A_48 = arith.constant 0 : i32
    %dma_start3A_49 = tpu.memref_slice %arg2[%add3A_45, %dma_start3A_48] : memref<160000x32xf32, #tpu.memory_space<hbm>> -> memref<1000x32xf32, #tpu.memory_space<hbm>>
    tpu.enqueue_dma source(%dma_start3A_49 : memref<1000x32xf32, #tpu.memory_space<hbm>>) target(%arg7 : memref<1000x32xf32, #tpu.memory_space<vmem>>) target_semaphore(%arg10 : memref<!tpu.dma_semaphore, #tpu.memory_space<semaphore_mem>>)
    %dma_wait3A_50 = arith.constant 0 : i32
    %dma_wait3A_51 = tpu.memref_slice %arg2[%add3A_21, %dma_wait3A_50] : memref<160000x32xf32, #tpu.memory_space<hbm>> -> memref<1000x32xf32, #tpu.memory_space<hbm>>
    %dma_wait3A_52 = arith.constant 0 : i32
    %dma_wait3A_53 = tpu.memref_slice %arg2[%add3A_21, %dma_wait3A_52] : memref<160000x32xf32, #tpu.memory_space<hbm>> -> memref<1000x32xf32, #tpu.memory_space<hbm>>
    tpu.wait_dma2 semaphore(%arg11 : memref<!tpu.dma_semaphore, #tpu.memory_space<semaphore_mem>>) src(%dma_wait3A_53 : memref<1000x32xf32, #tpu.memory_space<hbm>>) dst(%arg8 : memref<1000x32xf32, #tpu.memory_space<vmem>>)
    %dma_start3A_54 = arith.constant 1 : i32
    %dma_start3A_55 = arith.constant 0 : i32
    %dma_start3A_56 = tpu.memref_slice %arg6[%dma_start3A_54, %dma_start3A_55] : memref<5x1000xi32, #tpu.memory_space<vmem>> -> memref<1x1000xi32, #tpu.memory_space<vmem>>
    %dma_start3A_57 = tpu.memref_squeeze %dma_start3A_56 : memref<1x1000xi32, #tpu.memory_space<vmem>> -> memref<1000xi32, #tpu.memory_space<vmem>>
    %dma_start3A_58 = arith.constant 0 : i32
    %dma_start3A_59 = arith.constant 0 : i32
    %dma_start3A_60 = tpu.memref_slice %arg9[%dma_start3A_58, %dma_start3A_59] : memref<10240x32xf32, #tpu.memory_space<vmem_shared>> -> memref<10240x32xf32, #tpu.memory_space<vmem_shared>>
    tpu.enqueue_indirect_dma source(%arg8 : memref<1000x32xf32, #tpu.memory_space<vmem>>) target(%dma_start3A_60 : memref<10240x32xf32, #tpu.memory_space<vmem_shared>>) offsets(%dma_start3A_57 : memref<1000xi32, #tpu.memory_space<vmem>>) semaphore(%arg13 : memref<!tpu.dma_semaphore, #tpu.memory_space<semaphore_mem>>) {add = true}
    %dma_wait3A_61 = arith.constant 1 : i32
    %dma_wait3A_62 = arith.constant 0 : i32
    %dma_wait3A_63 = tpu.memref_slice %arg6[%dma_wait3A_61, %dma_wait3A_62] : memref<5x1000xi32, #tpu.memory_space<vmem>> -> memref<1x1000xi32, #tpu.memory_space<vmem>>
    %dma_wait3A_64 = tpu.memref_squeeze %dma_wait3A_63 : memref<1x1000xi32, #tpu.memory_space<vmem>> -> memref<1000xi32, #tpu.memory_space<vmem>>
    %dma_wait3A_65 = arith.constant 0 : i32
    %dma_wait3A_66 = arith.constant 0 : i32
    %dma_wait3A_67 = tpu.memref_slice %arg9[%dma_wait3A_65, %dma_wait3A_66] : memref<10240x32xf32, #tpu.memory_space<vmem_shared>> -> memref<10240x32xf32, #tpu.memory_space<vmem_shared>>
    tpu.wait_indirect_dma semaphore(%arg13 : memref<!tpu.dma_semaphore, #tpu.memory_space<semaphore_mem>>) src(%arg8 : memref<1000x32xf32, #tpu.memory_space<vmem>>) dst(%dma_wait3A_67 : memref<10240x32xf32, #tpu.memory_space<vmem_shared>>)
    %add3A_68 = arith.constant 3000 : i32
    %add3A_69 = arith.addi %mul3A_2, %add3A_68 : i32
    %dma_start3A_70 = arith.constant 0 : i32
    %dma_start3A_71 = tpu.memref_slice %arg2[%add3A_69, %dma_start3A_70] : memref<160000x32xf32, #tpu.memory_space<hbm>> -> memref<1000x32xf32, #tpu.memory_space<hbm>>
    %dma_start3A_72 = arith.constant 0 : i32
    %dma_start3A_73 = tpu.memref_slice %arg2[%add3A_69, %dma_start3A_72] : memref<160000x32xf32, #tpu.memory_space<hbm>> -> memref<1000x32xf32, #tpu.memory_space<hbm>>
    tpu.enqueue_dma source(%dma_start3A_73 : memref<1000x32xf32, #tpu.memory_space<hbm>>) target(%arg8 : memref<1000x32xf32, #tpu.memory_space<vmem>>) target_semaphore(%arg11 : memref<!tpu.dma_semaphore, #tpu.memory_space<semaphore_mem>>)
    %dma_wait3A_74 = arith.constant 0 : i32
    %dma_wait3A_75 = tpu.memref_slice %arg2[%add3A_45, %dma_wait3A_74] : memref<160000x32xf32, #tpu.memory_space<hbm>> -> memref<1000x32xf32, #tpu.memory_space<hbm>>
    %dma_wait3A_76 = arith.constant 0 : i32
    %dma_wait3A_77 = tpu.memref_slice %arg2[%add3A_45, %dma_wait3A_76] : memref<160000x32xf32, #tpu.memory_space<hbm>> -> memref<1000x32xf32, #tpu.memory_space<hbm>>
    tpu.wait_dma2 semaphore(%arg10 : memref<!tpu.dma_semaphore, #tpu.memory_space<semaphore_mem>>) src(%dma_wait3A_77 : memref<1000x32xf32, #tpu.memory_space<hbm>>) dst(%arg7 : memref<1000x32xf32, #tpu.memory_space<vmem>>)
    %dma_start3A_78 = arith.constant 2 : i32
    %dma_start3A_79 = arith.constant 0 : i32
    %dma_start3A_80 = tpu.memref_slice %arg6[%dma_start3A_78, %dma_start3A_79] : memref<5x1000xi32, #tpu.memory_space<vmem>> -> memref<1x1000xi32, #tpu.memory_space<vmem>>
    %dma_start3A_81 = tpu.memref_squeeze %dma_start3A_80 : memref<1x1000xi32, #tpu.memory_space<vmem>> -> memref<1000xi32, #tpu.memory_space<vmem>>
    %dma_start3A_82 = arith.constant 0 : i32
    %dma_start3A_83 = arith.constant 0 : i32
    %dma_start3A_84 = tpu.memref_slice %arg9[%dma_start3A_82, %dma_start3A_83] : memref<10240x32xf32, #tpu.memory_space<vmem_shared>> -> memref<10240x32xf32, #tpu.memory_space<vmem_shared>>
    tpu.enqueue_indirect_dma source(%arg7 : memref<1000x32xf32, #tpu.memory_space<vmem>>) target(%dma_start3A_84 : memref<10240x32xf32, #tpu.memory_space<vmem_shared>>) offsets(%dma_start3A_81 : memref<1000xi32, #tpu.memory_space<vmem>>) semaphore(%arg12 : memref<!tpu.dma_semaphore, #tpu.memory_space<semaphore_mem>>) {add = true}
    %dma_wait3A_85 = arith.constant 2 : i32
    %dma_wait3A_86 = arith.constant 0 : i32
    %dma_wait3A_87 = tpu.memref_slice %arg6[%dma_wait3A_85, %dma_wait3A_86] : memref<5x1000xi32, #tpu.memory_space<vmem>> -> memref<1x1000xi32, #tpu.memory_space<vmem>>
    %dma_wait3A_88 = tpu.memref_squeeze %dma_wait3A_87 : memref<1x1000xi32, #tpu.memory_space<vmem>> -> memref<1000xi32, #tpu.memory_space<vmem>>
    %dma_wait3A_89 = arith.constant 0 : i32
    %dma_wait3A_90 = arith.constant 0 : i32
    %dma_wait3A_91 = tpu.memref_slice %arg9[%dma_wait3A_89, %dma_wait3A_90] : memref<10240x32xf32, #tpu.memory_space<vmem_shared>> -> memref<10240x32xf32, #tpu.memory_space<vmem_shared>>
    tpu.wait_indirect_dma semaphore(%arg12 : memref<!tpu.dma_semaphore, #tpu.memory_space<semaphore_mem>>) src(%arg7 : memref<1000x32xf32, #tpu.memory_space<vmem>>) dst(%dma_wait3A_91 : memref<10240x32xf32, #tpu.memory_space<vmem_shared>>)
    %add3A_92 = arith.constant 4000 : i32
    %add3A_93 = arith.addi %mul3A_2, %add3A_92 : i32
    %dma_start3A_94 = arith.constant 0 : i32
    %dma_start3A_95 = tpu.memref_slice %arg2[%add3A_93, %dma_start3A_94] : memref<160000x32xf32, #tpu.memory_space<hbm>> -> memref<1000x32xf32, #tpu.memory_space<hbm>>
    %dma_start3A_96 = arith.constant 0 : i32
    %dma_start3A_97 = tpu.memref_slice %arg2[%add3A_93, %dma_start3A_96] : memref<160000x32xf32, #tpu.memory_space<hbm>> -> memref<1000x32xf32, #tpu.memory_space<hbm>>
    tpu.enqueue_dma source(%dma_start3A_97 : memref<1000x32xf32, #tpu.memory_space<hbm>>) target(%arg7 : memref<1000x32xf32, #tpu.memory_space<vmem>>) target_semaphore(%arg10 : memref<!tpu.dma_semaphore, #tpu.memory_space<semaphore_mem>>)
    %dma_wait3A_98 = arith.constant 0 : i32
    %dma_wait3A_99 = tpu.memref_slice %arg2[%add3A_69, %dma_wait3A_98] : memref<160000x32xf32, #tpu.memory_space<hbm>> -> memref<1000x32xf32, #tpu.memory_space<hbm>>
    %dma_wait3A_100 = arith.constant 0 : i32
    %dma_wait3A_101 = tpu.memref_slice %arg2[%add3A_69, %dma_wait3A_100] : memref<160000x32xf32, #tpu.memory_space<hbm>> -> memref<1000x32xf32, #tpu.memory_space<hbm>>
    tpu.wait_dma2 semaphore(%arg11 : memref<!tpu.dma_semaphore, #tpu.memory_space<semaphore_mem>>) src(%dma_wait3A_101 : memref<1000x32xf32, #tpu.memory_space<hbm>>) dst(%arg8 : memref<1000x32xf32, #tpu.memory_space<vmem>>)
    %dma_start3A_102 = arith.constant 3 : i32
    %dma_start3A_103 = arith.constant 0 : i32
    %dma_start3A_104 = tpu.memref_slice %arg6[%dma_start3A_102, %dma_start3A_103] : memref<5x1000xi32, #tpu.memory_space<vmem>> -> memref<1x1000xi32, #tpu.memory_space<vmem>>
    %dma_start3A_105 = tpu.memref_squeeze %dma_start3A_104 : memref<1x1000xi32, #tpu.memory_space<vmem>> -> memref<1000xi32, #tpu.memory_space<vmem>>
    %dma_start3A_106 = arith.constant 0 : i32
    %dma_start3A_107 = arith.constant 0 : i32
    %dma_start3A_108 = tpu.memref_slice %arg9[%dma_start3A_106, %dma_start3A_107] : memref<10240x32xf32, #tpu.memory_space<vmem_shared>> -> memref<10240x32xf32, #tpu.memory_space<vmem_shared>>
    tpu.enqueue_indirect_dma source(%arg8 : memref<1000x32xf32, #tpu.memory_space<vmem>>) target(%dma_start3A_108 : memref<10240x32xf32, #tpu.memory_space<vmem_shared>>) offsets(%dma_start3A_105 : memref<1000xi32, #tpu.memory_space<vmem>>) semaphore(%arg13 : memref<!tpu.dma_semaphore, #tpu.memory_space<semaphore_mem>>) {add = true}
    %dma_wait3A_109 = arith.constant 0 : i32
    %dma_wait3A_110 = tpu.memref_slice %arg2[%add3A_93, %dma_wait3A_109] : memref<160000x32xf32, #tpu.memory_space<hbm>> -> memref<1000x32xf32, #tpu.memory_space<hbm>>
    %dma_wait3A_111 = arith.constant 0 : i32
    %dma_wait3A_112 = tpu.memref_slice %arg2[%add3A_93, %dma_wait3A_111] : memref<160000x32xf32, #tpu.memory_space<hbm>> -> memref<1000x32xf32, #tpu.memory_space<hbm>>
    tpu.wait_dma2 semaphore(%arg10 : memref<!tpu.dma_semaphore, #tpu.memory_space<semaphore_mem>>) src(%dma_wait3A_112 : memref<1000x32xf32, #tpu.memory_space<hbm>>) dst(%arg7 : memref<1000x32xf32, #tpu.memory_space<vmem>>)
    %dma_start3A_113 = arith.constant 4 : i32
    %dma_start3A_114 = arith.constant 0 : i32
    %dma_start3A_115 = tpu.memref_slice %arg6[%dma_start3A_113, %dma_start3A_114] : memref<5x1000xi32, #tpu.memory_space<vmem>> -> memref<1x1000xi32, #tpu.memory_space<vmem>>
    %dma_start3A_116 = tpu.memref_squeeze %dma_start3A_115 : memref<1x1000xi32, #tpu.memory_space<vmem>> -> memref<1000xi32, #tpu.memory_space<vmem>>
    %dma_start3A_117 = arith.constant 0 : i32
    %dma_start3A_118 = arith.constant 0 : i32
    %dma_start3A_119 = tpu.memref_slice %arg9[%dma_start3A_117, %dma_start3A_118] : memref<10240x32xf32, #tpu.memory_space<vmem_shared>> -> memref<10240x32xf32, #tpu.memory_space<vmem_shared>>
    tpu.enqueue_indirect_dma source(%arg7 : memref<1000x32xf32, #tpu.memory_space<vmem>>) target(%dma_start3A_119 : memref<10240x32xf32, #tpu.memory_space<vmem_shared>>) offsets(%dma_start3A_116 : memref<1000xi32, #tpu.memory_space<vmem>>) semaphore(%arg12 : memref<!tpu.dma_semaphore, #tpu.memory_space<semaphore_mem>>) {add = true}
    %dma_wait3A_120 = arith.constant 3 : i32
    %dma_wait3A_121 = arith.constant 0 : i32
    %dma_wait3A_122 = tpu.memref_slice %arg6[%dma_wait3A_120, %dma_wait3A_121] : memref<5x1000xi32, #tpu.memory_space<vmem>> -> memref<1x1000xi32, #tpu.memory_space<vmem>>
    %dma_wait3A_123 = tpu.memref_squeeze %dma_wait3A_122 : memref<1x1000xi32, #tpu.memory_space<vmem>> -> memref<1000xi32, #tpu.memory_space<vmem>>
    %dma_wait3A_124 = arith.constant 0 : i32
    %dma_wait3A_125 = arith.constant 0 : i32
    %dma_wait3A_126 = tpu.memref_slice %arg9[%dma_wait3A_124, %dma_wait3A_125] : memref<10240x32xf32, #tpu.memory_space<vmem_shared>> -> memref<10240x32xf32, #tpu.memory_space<vmem_shared>>
    tpu.wait_indirect_dma semaphore(%arg13 : memref<!tpu.dma_semaphore, #tpu.memory_space<semaphore_mem>>) src(%arg8 : memref<1000x32xf32, #tpu.memory_space<vmem>>) dst(%dma_wait3A_126 : memref<10240x32xf32, #tpu.memory_space<vmem_shared>>)
    %dma_wait3A_127 = arith.constant 4 : i32
    %dma_wait3A_128 = arith.constant 0 : i32
    %dma_wait3A_129 = tpu.memref_slice %arg6[%dma_wait3A_127, %dma_wait3A_128] : memref<5x1000xi32, #tpu.memory_space<vmem>> -> memref<1x1000xi32, #tpu.memory_space<vmem>>
    %dma_wait3A_130 = tpu.memref_squeeze %dma_wait3A_129 : memref<1x1000xi32, #tpu.memory_space<vmem>> -> memref<1000xi32, #tpu.memory_space<vmem>>
    %dma_wait3A_131 = arith.constant 0 : i32
    %dma_wait3A_132 = arith.constant 0 : i32
    %dma_wait3A_133 = tpu.memref_slice %arg9[%dma_wait3A_131, %dma_wait3A_132] : memref<10240x32xf32, #tpu.memory_space<vmem_shared>> -> memref<10240x32xf32, #tpu.memory_space<vmem_shared>>
    tpu.wait_indirect_dma semaphore(%arg12 : memref<!tpu.dma_semaphore, #tpu.memory_space<semaphore_mem>>) src(%arg7 : memref<1000x32xf32, #tpu.memory_space<vmem>>) dst(%dma_wait3A_133 : memref<10240x32xf32, #tpu.memory_space<vmem_shared>>)
    %barrier3A_134 = arith.constant 0 : index
    tpu.barrier barrier_id(%barrier3A_134)
    %mul3A_135 = arith.constant 640 : i32
    %mul3A_136 = arith.muli %arg1, %mul3A_135 : i32
    %mul3A_137 = arith.constant 640 : i32
    %mul3A_138 = arith.muli %arg1, %mul3A_137 : i32
    "tpu.region"() ({
      %run_scoped3A = tpu.sem_alloc : memref<!tpu.dma_semaphore, #tpu.memory_space<semaphore_mem>>
      %dma_start3A_139 = arith.constant 0 : i32
      %dma_start3A_140 = tpu.memref_slice %arg5[%arg0, %mul3A_138, %dma_start3A_139] : memref<2x10240x32xf32, #tpu.memory_space<hbm>> -> memref<1x640x32xf32, #tpu.memory_space<hbm>>
      %dma_start3A_141 = tpu.memref_squeeze %dma_start3A_140 : memref<1x640x32xf32, #tpu.memory_space<hbm>> -> memref<640x32xf32, #tpu.memory_space<hbm>>
      %dma_start3A_142 = arith.constant 0 : i32
      %dma_start3A_143 = tpu.memref_slice %arg9[%mul3A_136, %dma_start3A_142] : memref<10240x32xf32, #tpu.memory_space<vmem_shared>> -> memref<640x32xf32, #tpu.memory_space<vmem_shared>>
      tpu.enqueue_dma source(%dma_start3A_143 : memref<640x32xf32, #tpu.memory_space<vmem_shared>>) target(%dma_start3A_141 : memref<640x32xf32, #tpu.memory_space<hbm>>) target_semaphore(%run_scoped3A : memref<!tpu.dma_semaphore, #tpu.memory_space<semaphore_mem>>)
      %dma_wait3A_144 = arith.constant 0 : i32
      %dma_wait3A_145 = tpu.memref_slice %arg5[%arg0, %mul3A_138, %dma_wait3A_144] : memref<2x10240x32xf32, #tpu.memory_space<hbm>> -> memref<1x640x32xf32, #tpu.memory_space<hbm>>
      %dma_wait3A_146 = tpu.memref_squeeze %dma_wait3A_145 : memref<1x640x32xf32, #tpu.memory_space<hbm>> -> memref<640x32xf32, #tpu.memory_space<hbm>>
      %dma_wait3A_147 = arith.constant 0 : i32
      %dma_wait3A_148 = tpu.memref_slice %arg9[%mul3A_136, %dma_wait3A_147] : memref<10240x32xf32, #tpu.memory_space<vmem_shared>> -> memref<640x32xf32, #tpu.memory_space<vmem_shared>>
      tpu.wait_dma2 semaphore(%run_scoped3A : memref<!tpu.dma_semaphore, #tpu.memory_space<semaphore_mem>>) src(%dma_wait3A_148 : memref<640x32xf32, #tpu.memory_space<vmem_shared>>) dst(%dma_wait3A_146 : memref<640x32xf32, #tpu.memory_space<hbm>>)
      tpu.yield
    }) : () -> ()
    return
  }
}

module attributes {stable_mosaic.version = 14 : i64} {
  func.func @_proj_body(%arg0: i32, %arg1: memref<2048x128xf32, #tpu.memory_space<vmem>>, %arg2: memref<128x32xf32, #tpu.memory_space<vmem>>, %arg3: memref<1x32xf32, #tpu.memory_space<vmem>>, %arg4: memref<512x128xf32, #tpu.memory_space<vmem>>) attributes {dimension_semantics = [#tpu.dimension_semantics<arbitrary>], iteration_bounds = array<i64: 5>, scalar_prefetch = 0 : i64, scratch_operands = 0 : i64, tpu.core_type = #tpu.core_type<tc>, window_params = [{transform_indices = @transform_0, window_bounds = array<i64: 2048, 128>}, {pipeline_mode = #tpu.pipeline_mode<synchronous>, transform_indices = @transform_1, window_bounds = array<i64: 128, 32>}, {pipeline_mode = #tpu.pipeline_mode<synchronous>, transform_indices = @transform_2, window_bounds = array<i64: 1, 32>}, {transform_indices = @transform_3, window_bounds = array<i64: 512, 128>}]} {
    %get3A = arith.constant 0 : index
    %get3A_0 = arith.constant 0 : index
    %get3A_1 = vector.load %arg1[%get3A, %get3A_0] : memref<2048x128xf32, #tpu.memory_space<vmem>>, vector<2048x128xf32>
    %get3A_2 = arith.constant 0 : index
    %get3A_3 = arith.constant 0 : index
    %get3A_4 = vector.load %arg2[%get3A_2, %get3A_3] : memref<128x32xf32, #tpu.memory_space<vmem>>, vector<128x32xf32>
    %dot_general3A = arith.constant dense<0.000000e+00> : vector<2048x32xf32>
    %dot_general3A_5 = tpu.matmul %get3A_1, %get3A_4, %dot_general3A {dimension_numbers = #tpu.dot_dimension_numbers<[1], [0], [0], [1], [0, 0, 1, 1], [], []>, transpose_lhs_hint = false} : vector<2048x128xf32>, vector<128x32xf32>, vector<2048x32xf32> -> vector<2048x32xf32>
    %get3A_6 = arith.constant 0 : index
    %get3A_7 = arith.constant 0 : index
    %get3A_8 = vector.load %arg3[%get3A_6, %get3A_7] : memref<1x32xf32, #tpu.memory_space<vmem>>, vector<1x32xf32>
    %add3A = vector.broadcast %get3A_8 : vector<1x32xf32> to vector<2048x32xf32>
    %add3A_9 = arith.addf %dot_general3A_5, %add3A : vector<2048x32xf32>
    %max3A = arith.constant 0.000000e+00 : f32
    %max3A_10 = vector.broadcast %max3A : f32 to vector<2048x32xf32>
    %max3A_11 = arith.maximumf %add3A_9, %max3A_10 : vector<2048x32xf32>
    %slice3A = vector.extract_strided_slice %max3A_11 {offsets = [0, 0], sizes = [512, 32], strides = [1, 1]} : vector<2048x32xf32> to vector<512x32xf32>
    %slice3A_12 = vector.extract_strided_slice %max3A_11 {offsets = [512, 0], sizes = [512, 32], strides = [1, 1]} : vector<2048x32xf32> to vector<512x32xf32>
    %slice3A_13 = vector.extract_strided_slice %max3A_11 {offsets = [1024, 0], sizes = [512, 32], strides = [1, 1]} : vector<2048x32xf32> to vector<512x32xf32>
    %slice3A_14 = vector.extract_strided_slice %max3A_11 {offsets = [1536, 0], sizes = [512, 32], strides = [1, 1]} : vector<2048x32xf32> to vector<512x32xf32>
    %concatenate3A = tpu.concatenate %slice3A, %slice3A_12, %slice3A_13, %slice3A_14 in 1 : vector<512x32xf32>, vector<512x32xf32>, vector<512x32xf32>, vector<512x32xf32> -> vector<512x128xf32>
    %swap3A = arith.constant 0 : index
    %swap3A_15 = arith.constant 0 : index
    %swap3A_16 = vector.load %arg4[%swap3A, %swap3A_15] : memref<512x128xf32, #tpu.memory_space<vmem>>, vector<512x128xf32>
    tpu.vector_store %arg4[%swap3A, %swap3A_15], %concatenate3A {strides = array<i32>} : memref<512x128xf32, #tpu.memory_space<vmem>>, vector<512x128xf32>,
    return
  }
  func.func @transform_0(%arg0: i32) -> (i32, i32) {
    %c0_i32 = arith.constant 0 : i32
    %c0_i32_0 = arith.constant 0 : i32
    return %arg0, %c0_i32 : i32, i32
  }
  func.func @transform_1(%arg0: i32) -> (i32, i32) {
    %c0_i32 = arith.constant 0 : i32
    %c0_i32_0 = arith.constant 0 : i32
    %c0_i32_1 = arith.constant 0 : i32
    return %c0_i32, %c0_i32_0 : i32, i32
  }
  func.func @transform_2(%arg0: i32) -> (i32, i32) {
    %c0_i32 = arith.constant 0 : i32
    %c0_i32_0 = arith.constant 0 : i32
    %c0_i32_1 = arith.constant 0 : i32
    return %c0_i32, %c0_i32_0 : i32, i32
  }
  func.func @transform_3(%arg0: i32) -> (i32, i32) {
    %c0_i32 = arith.constant 0 : i32
    %c0_i32_0 = arith.constant 0 : i32
    return %arg0, %c0_i32 : i32, i32
  }
}

module attributes {stable_mosaic.version = 14 : i64} {
  func.func @_wbuild_body(%arg0: i32, %arg1: memref<4000x16xf32, #tpu.memory_space<vmem>>, %arg2: memref<16x128xbf16, #tpu.memory_space<vmem>>, %arg3: memref<1x128xf32, #tpu.memory_space<vmem>>, %arg4: memref<128x1024xbf16, #tpu.memory_space<vmem>>, %arg5: memref<4000x1024xbf16, #tpu.memory_space<vmem>>) attributes {dimension_semantics = [#tpu.dimension_semantics<arbitrary>], iteration_bounds = array<i64: 40>, scalar_prefetch = 0 : i64, scratch_operands = 0 : i64, tpu.core_type = #tpu.core_type<tc>, window_params = [{transform_indices = @transform_0, window_bounds = array<i64: 4000, 16>}, {pipeline_mode = #tpu.pipeline_mode<synchronous>, transform_indices = @transform_1, window_bounds = array<i64: 16, 128>}, {pipeline_mode = #tpu.pipeline_mode<synchronous>, transform_indices = @transform_2, window_bounds = array<i64: 1, 128>}, {pipeline_mode = #tpu.pipeline_mode<synchronous>, transform_indices = @transform_3, window_bounds = array<i64: 128, 1024>}, {transform_indices = @transform_4, window_bounds = array<i64: 4000, 1024>}]} {
    %get3A = arith.constant 0 : index
    %get3A_0 = arith.constant 0 : index
    %get3A_1 = vector.load %arg1[%get3A, %get3A_0] : memref<4000x16xf32, #tpu.memory_space<vmem>>, vector<4000x16xf32>
    %convert_element_type3A = arith.truncf %get3A_1 : vector<4000x16xf32> to vector<4000x16xbf16>
    %get3A_2 = arith.constant 0 : index
    %get3A_3 = arith.constant 0 : index
    %get3A_4 = vector.load %arg2[%get3A_2, %get3A_3] : memref<16x128xbf16, #tpu.memory_space<vmem>>, vector<16x128xbf16>
    %dot_general3A = arith.constant dense<0.000000e+00> : vector<4000x128xf32>
    %dot_general3A_5 = tpu.matmul %convert_element_type3A, %get3A_4, %dot_general3A {dimension_numbers = #tpu.dot_dimension_numbers<[1], [0], [0], [1], [0, 0, 1, 1], [], []>, transpose_lhs_hint = false} : vector<4000x16xbf16>, vector<16x128xbf16>, vector<4000x128xf32> -> vector<4000x128xf32>
    %get3A_6 = arith.constant 0 : index
    %get3A_7 = arith.constant 0 : index
    %get3A_8 = vector.load %arg3[%get3A_6, %get3A_7] : memref<1x128xf32, #tpu.memory_space<vmem>>, vector<1x128xf32>
    %add3A = vector.broadcast %get3A_8 : vector<1x128xf32> to vector<4000x128xf32>
    %add3A_9 = arith.addf %dot_general3A_5, %add3A : vector<4000x128xf32>
    %max3A = arith.constant 0.000000e+00 : f32
    %max3A_10 = vector.broadcast %max3A : f32 to vector<4000x128xf32>
    %max3A_11 = arith.maximumf %add3A_9, %max3A_10 : vector<4000x128xf32>
    %convert_element_type3A_12 = arith.truncf %max3A_11 : vector<4000x128xf32> to vector<4000x128xbf16>
    %get3A_13 = arith.constant 0 : index
    %get3A_14 = arith.constant 0 : index
    %get3A_15 = vector.load %arg4[%get3A_13, %get3A_14] : memref<128x1024xbf16, #tpu.memory_space<vmem>>, vector<128x1024xbf16>
    %dot_general3A_16 = arith.constant dense<0.000000e+00> : vector<4000x1024xf32>
    %dot_general3A_17 = tpu.matmul %convert_element_type3A_12, %get3A_15, %dot_general3A_16 {dimension_numbers = #tpu.dot_dimension_numbers<[1], [0], [0], [1], [0, 0, 1, 1], [], []>, transpose_lhs_hint = false} : vector<4000x128xbf16>, vector<128x1024xbf16>, vector<4000x1024xf32> -> vector<4000x1024xf32>
    %convert_element_type3A_18 = arith.truncf %dot_general3A_17 : vector<4000x1024xf32> to vector<4000x1024xbf16>
    %swap3A = arith.constant 0 : index
    %swap3A_19 = arith.constant 0 : index
    %swap3A_20 = vector.load %arg5[%swap3A, %swap3A_19] : memref<4000x1024xbf16, #tpu.memory_space<vmem>>, vector<4000x1024xbf16>
    tpu.vector_store %arg5[%swap3A, %swap3A_19], %convert_element_type3A_18 {strides = array<i32>} : memref<4000x1024xbf16, #tpu.memory_space<vmem>>, vector<4000x1024xbf16>,
    return
  }
  func.func @transform_0(%arg0: i32) -> (i32, i32) {
    %c0_i32 = arith.constant 0 : i32
    %c0_i32_0 = arith.constant 0 : i32
    return %arg0, %c0_i32 : i32, i32
  }
  func.func @transform_1(%arg0: i32) -> (i32, i32) {
    %c0_i32 = arith.constant 0 : i32
    %c0_i32_0 = arith.constant 0 : i32
    %c0_i32_1 = arith.constant 0 : i32
    return %c0_i32, %c0_i32_0 : i32, i32
  }
  func.func @transform_2(%arg0: i32) -> (i32, i32) {
    %c0_i32 = arith.constant 0 : i32
    %c0_i32_0 = arith.constant 0 : i32
    %c0_i32_1 = arith.constant 0 : i32
    return %c0_i32, %c0_i32_0 : i32, i32
  }
  func.func @transform_3(%arg0: i32) -> (i32, i32) {
    %c0_i32 = arith.constant 0 : i32
    %c0_i32_0 = arith.constant 0 : i32
    %c0_i32_1 = arith.constant 0 : i32
    return %c0_i32, %c0_i32_0 : i32, i32
  }
  func.func @transform_4(%arg0: i32) -> (i32, i32) {
    %c0_i32 = arith.constant 0 : i32
    %c0_i32_0 = arith.constant 0 : i32
    return %arg0, %c0_i32 : i32, i32
  }
}

module attributes {stable_mosaic.version = 14 : i64} {
  func.func @_msg_body(%arg0: i32, %arg1: memref<4000x1024xbf16, #tpu.memory_space<vmem>>, %arg2: memref<1000x128xf32, #tpu.memory_space<vmem>>, %arg3: memref<32x128xbf16, #tpu.memory_space<vmem>>, %arg4: memref<32x32xbf16, #tpu.memory_space<vmem>>, %arg5: memref<1024x32xbf16, #tpu.memory_space<vmem>>, %arg6: memref<1000x128xf32, #tpu.memory_space<vmem>>) attributes {dimension_semantics = [#tpu.dimension_semantics<arbitrary>], iteration_bounds = array<i64: 40>, scalar_prefetch = 0 : i64, scratch_operands = 0 : i64, tpu.core_type = #tpu.core_type<tc>, window_params = [{transform_indices = @transform_0, window_bounds = array<i64: 4000, 1024>}, {transform_indices = @transform_1, window_bounds = array<i64: 1000, 128>}, {pipeline_mode = #tpu.pipeline_mode<synchronous>, transform_indices = @transform_2, window_bounds = array<i64: 32, 128>}, {pipeline_mode = #tpu.pipeline_mode<synchronous>, transform_indices = @transform_3, window_bounds = array<i64: 32, 32>}, {pipeline_mode = #tpu.pipeline_mode<synchronous>, transform_indices = @transform_4, window_bounds = array<i64: 1024, 32>}, {transform_indices = @transform_5, window_bounds = array<i64: 1000, 128>}]} {
    %get3A = arith.constant 0 : index
    %get3A_0 = arith.constant 0 : index
    %get3A_1 = vector.load %arg1[%get3A, %get3A_0] : memref<4000x1024xbf16, #tpu.memory_space<vmem>>, vector<4000x1024xbf16>
    %get3A_2 = arith.constant 0 : index
    %get3A_3 = arith.constant 0 : index
    %get3A_4 = vector.load %arg2[%get3A_2, %get3A_3] : memref<1000x128xf32, #tpu.memory_space<vmem>>, vector<1000x128xf32>
    %convert_element_type3A = arith.truncf %get3A_4 : vector<1000x128xf32> to vector<1000x128xbf16>
    %slice3A = vector.extract_strided_slice %convert_element_type3A {offsets = [0, 0], sizes = [1000, 32], strides = [1, 1]} : vector<1000x128xbf16> to vector<1000x32xbf16>
    %slice3A_5 = vector.extract_strided_slice %convert_element_type3A {offsets = [0, 32], sizes = [1000, 32], strides = [1, 1]} : vector<1000x128xbf16> to vector<1000x32xbf16>
    %slice3A_6 = vector.extract_strided_slice %convert_element_type3A {offsets = [0, 64], sizes = [1000, 32], strides = [1, 1]} : vector<1000x128xbf16> to vector<1000x32xbf16>
    %slice3A_7 = vector.extract_strided_slice %convert_element_type3A {offsets = [0, 96], sizes = [1000, 32], strides = [1, 1]} : vector<1000x128xbf16> to vector<1000x32xbf16>
    %concatenate3A = tpu.concatenate %slice3A, %slice3A_5, %slice3A_6, %slice3A_7 in 0 : vector<1000x32xbf16>, vector<1000x32xbf16>, vector<1000x32xbf16>, vector<1000x32xbf16> -> vector<4000x32xbf16>
    %get3A_8 = arith.constant 0 : index
    %get3A_9 = arith.constant 0 : index
    %get3A_10 = vector.load %arg3[%get3A_8, %get3A_9] : memref<32x128xbf16, #tpu.memory_space<vmem>>, vector<32x128xbf16>
    %dot_general3A = arith.constant dense<0.000000e+00> : vector<4000x128xf32>
    %dot_general3A_11 = tpu.matmul %concatenate3A, %get3A_10, %dot_general3A {dimension_numbers = #tpu.dot_dimension_numbers<[1], [0], [0], [1], [0, 0, 1, 1], [], []>, transpose_lhs_hint = false} : vector<4000x32xbf16>, vector<32x128xbf16>, vector<4000x128xf32> -> vector<4000x128xf32>
    %convert_element_type3A_12 = arith.truncf %dot_general3A_11 : vector<4000x128xf32> to vector<4000x128xbf16>
    %concatenate3A_13 = tpu.concatenate %convert_element_type3A_12, %convert_element_type3A_12, %convert_element_type3A_12, %convert_element_type3A_12, %convert_element_type3A_12, %convert_element_type3A_12, %convert_element_type3A_12, %convert_element_type3A_12 in 1 : vector<4000x128xbf16>, vector<4000x128xbf16>, vector<4000x128xbf16>, vector<4000x128xbf16>, vector<4000x128xbf16>, vector<4000x128xbf16>, vector<4000x128xbf16>, vector<4000x128xbf16> -> vector<4000x1024xbf16>
    %mul3A = arith.mulf %get3A_1, %concatenate3A_13 : vector<4000x1024xbf16>
    %get3A_14 = arith.constant 0 : index
    %get3A_15 = arith.constant 0 : index
    %get3A_16 = vector.load %arg5[%get3A_14, %get3A_15] : memref<1024x32xbf16, #tpu.memory_space<vmem>>, vector<1024x32xbf16>
    %dot_general3A_17 = arith.constant dense<0.000000e+00> : vector<4000x32xf32>
    %dot_general3A_18 = tpu.matmul %mul3A, %get3A_16, %dot_general3A_17 {dimension_numbers = #tpu.dot_dimension_numbers<[1], [0], [0], [1], [0, 0, 1, 1], [], []>, transpose_lhs_hint = false} : vector<4000x1024xbf16>, vector<1024x32xbf16>, vector<4000x32xf32> -> vector<4000x32xf32>
    %get3A_19 = arith.constant 0 : index
    %get3A_20 = arith.constant 0 : index
    %get3A_21 = vector.load %arg4[%get3A_19, %get3A_20] : memref<32x32xbf16, #tpu.memory_space<vmem>>, vector<32x32xbf16>
    %dot_general3A_22 = arith.constant dense<0.000000e+00> : vector<4000x32xf32>
    %dot_general3A_23 = tpu.matmul %concatenate3A, %get3A_21, %dot_general3A_22 {dimension_numbers = #tpu.dot_dimension_numbers<[1], [0], [0], [1], [0, 0, 1, 1], [], []>, transpose_lhs_hint = false} : vector<4000x32xbf16>, vector<32x32xbf16>, vector<4000x32xf32> -> vector<4000x32xf32>
    %add3A = arith.addf %dot_general3A_18, %dot_general3A_23 : vector<4000x32xf32>
    %slice3A_24 = vector.extract_strided_slice %add3A {offsets = [0, 0], sizes = [1000, 32], strides = [1, 1]} : vector<4000x32xf32> to vector<1000x32xf32>
    %slice3A_25 = vector.extract_strided_slice %add3A {offsets = [1000, 0], sizes = [1000, 32], strides = [1, 1]} : vector<4000x32xf32> to vector<1000x32xf32>
    %slice3A_26 = vector.extract_strided_slice %add3A {offsets = [2000, 0], sizes = [1000, 32], strides = [1, 1]} : vector<4000x32xf32> to vector<1000x32xf32>
    %slice3A_27 = vector.extract_strided_slice %add3A {offsets = [3000, 0], sizes = [1000, 32], strides = [1, 1]} : vector<4000x32xf32> to vector<1000x32xf32>
    %concatenate3A_28 = tpu.concatenate %slice3A_24, %slice3A_25, %slice3A_26, %slice3A_27 in 1 : vector<1000x32xf32>, vector<1000x32xf32>, vector<1000x32xf32>, vector<1000x32xf32> -> vector<1000x128xf32>
    %swap3A = arith.constant 0 : index
    %swap3A_29 = arith.constant 0 : index
    %swap3A_30 = vector.load %arg6[%swap3A, %swap3A_29] : memref<1000x128xf32, #tpu.memory_space<vmem>>, vector<1000x128xf32>
    tpu.vector_store %arg6[%swap3A, %swap3A_29], %concatenate3A_28 {strides = array<i32>} : memref<1000x128xf32, #tpu.memory_space<vmem>>, vector<1000x128xf32>,
    return
  }
  func.func @transform_0(%arg0: i32) -> (i32, i32) {
    %add3A = arith.constant 0 : i32
    %add3A_0 = arith.addi %arg0, %add3A : i32
    %c0_i32 = arith.constant 0 : i32
    %c0_i32_1 = arith.constant 0 : i32
    return %add3A_0, %c0_i32 : i32, i32
  }
  func.func @transform_1(%arg0: i32) -> (i32, i32) {
    %c0_i32 = arith.constant 0 : i32
    %c0_i32_0 = arith.constant 0 : i32
    return %arg0, %c0_i32 : i32, i32
  }
  func.func @transform_2(%arg0: i32) -> (i32, i32) {
    %c0_i32 = arith.constant 0 : i32
    %c0_i32_0 = arith.constant 0 : i32
    %c0_i32_1 = arith.constant 0 : i32
    return %c0_i32, %c0_i32_0 : i32, i32
  }
  func.func @transform_3(%arg0: i32) -> (i32, i32) {
    %c0_i32 = arith.constant 0 : i32
    %c0_i32_0 = arith.constant 0 : i32
    %c0_i32_1 = arith.constant 0 : i32
    return %c0_i32, %c0_i32_0 : i32, i32
  }
  func.func @transform_4(%arg0: i32) -> (i32, i32) {
    %c0_i32 = arith.constant 0 : i32
    %c0_i32_0 = arith.constant 0 : i32
    %c0_i32_1 = arith.constant 0 : i32
    return %c0_i32, %c0_i32_0 : i32, i32
  }
  func.func @transform_5(%arg0: i32) -> (i32, i32) {
    %c0_i32 = arith.constant 0 : i32
    %c0_i32_0 = arith.constant 0 : i32
    return %arg0, %c0_i32 : i32, i32
  }
}

module attributes {stable_mosaic.version = 14 : i64} {
  func.func @_gru_body(%arg0: i32, %arg1: memref<2x512x128xf32, #tpu.memory_space<vmem>>, %arg2: memref<512x128xf32, #tpu.memory_space<vmem>>, %arg3: memref<32x32xf32, #tpu.memory_space<vmem>>, %arg4: memref<1x32xf32, #tpu.memory_space<vmem>>, %arg5: memref<32x32xf32, #tpu.memory_space<vmem>>, %arg6: memref<32x32xf32, #tpu.memory_space<vmem>>, %arg7: memref<32x32xf32, #tpu.memory_space<vmem>>, %arg8: memref<32x32xf32, #tpu.memory_space<vmem>>, %arg9: memref<32x32xf32, #tpu.memory_space<vmem>>, %arg10: memref<32x32xf32, #tpu.memory_space<vmem>>, %arg11: memref<3x32xf32, #tpu.memory_space<vmem>>, %arg12: memref<3x32xf32, #tpu.memory_space<vmem>>, %arg13: memref<512x128xf32, #tpu.memory_space<vmem>>) attributes {dimension_semantics = [#tpu.dimension_semantics<arbitrary>], iteration_bounds = array<i64: 5>, scalar_prefetch = 0 : i64, scratch_operands = 0 : i64, tpu.core_type = #tpu.core_type<tc>, window_params = [{transform_indices = @transform_0, window_bounds = array<i64: 2, 512, 128>}, {transform_indices = @transform_1, window_bounds = array<i64: 512, 128>}, {pipeline_mode = #tpu.pipeline_mode<synchronous>, transform_indices = @transform_2, window_bounds = array<i64: 32, 32>}, {pipeline_mode = #tpu.pipeline_mode<synchronous>, transform_indices = @transform_3, window_bounds = array<i64: 1, 32>}, {pipeline_mode = #tpu.pipeline_mode<synchronous>, transform_indices = @transform_4, window_bounds = array<i64: 32, 32>}, {pipeline_mode = #tpu.pipeline_mode<synchronous>, transform_indices = @transform_5, window_bounds = array<i64: 32, 32>}, {pipeline_mode = #tpu.pipeline_mode<synchronous>, transform_indices = @transform_6, window_bounds = array<i64: 32, 32>}, {pipeline_mode = #tpu.pipeline_mode<synchronous>, transform_indices = @transform_7, window_bounds = array<i64: 32, 32>}, {pipeline_mode = #tpu.pipeline_mode<synchronous>, transform_indices = @transform_8, window_bounds = array<i64: 32, 32>}, {pipeline_mode = #tpu.pipeline_mode<synchronous>, transform_indices = @transform_9, window_bounds = array<i64: 32, 32>}, {pipeline_mode = #tpu.pipeline_mode<synchronous>, transform_indices = @transform_10, window_bounds = array<i64: 3, 32>}, {pipeline_mode = #tpu.pipeline_mode<synchronous>, transform_indices = @transform_11, window_bounds = array<i64: 3, 32>}, {transform_indices = @transform_12, window_bounds = array<i64: 512, 128>}]} {
    %get3A = arith.constant 0 : index
    %get3A_0 = arith.constant 0 : index
    %get3A_1 = vector.load %arg2[%get3A, %get3A_0] : memref<512x128xf32, #tpu.memory_space<vmem>>, vector<512x128xf32>
    %slice3A = vector.extract_strided_slice %get3A_1 {offsets = [0, 0], sizes = [512, 32], strides = [1, 1]} : vector<512x128xf32> to vector<512x32xf32>
    %slice3A_2 = vector.extract_strided_slice %get3A_1 {offsets = [0, 32], sizes = [512, 32], strides = [1, 1]} : vector<512x128xf32> to vector<512x32xf32>
    %slice3A_3 = vector.extract_strided_slice %get3A_1 {offsets = [0, 64], sizes = [512, 32], strides = [1, 1]} : vector<512x128xf32> to vector<512x32xf32>
    %slice3A_4 = vector.extract_strided_slice %get3A_1 {offsets = [0, 96], sizes = [512, 32], strides = [1, 1]} : vector<512x128xf32> to vector<512x32xf32>
    %concatenate3A = tpu.concatenate %slice3A, %slice3A_2, %slice3A_3, %slice3A_4 in 0 : vector<512x32xf32>, vector<512x32xf32>, vector<512x32xf32>, vector<512x32xf32> -> vector<2048x32xf32>
    %get3A_5 = arith.constant 0 : index
    %get3A_6 = arith.constant 0 : index
    %get3A_7 = arith.constant 0 : index
    %get3A_8 = vector.load %arg1[%get3A_5, %get3A_6, %get3A_7] : memref<2x512x128xf32, #tpu.memory_space<vmem>>, vector<1x512x128xf32>
    %get3A_9 = vector.shape_cast %get3A_8 : vector<1x512x128xf32> to vector<512x128xf32>
    %slice3A_10 = vector.extract_strided_slice %get3A_9 {offsets = [0, 0], sizes = [512, 32], strides = [1, 1]} : vector<512x128xf32> to vector<512x32xf32>
    %slice3A_11 = vector.extract_strided_slice %get3A_9 {offsets = [0, 32], sizes = [512, 32], strides = [1, 1]} : vector<512x128xf32> to vector<512x32xf32>
    %slice3A_12 = vector.extract_strided_slice %get3A_9 {offsets = [0, 64], sizes = [512, 32], strides = [1, 1]} : vector<512x128xf32> to vector<512x32xf32>
    %slice3A_13 = vector.extract_strided_slice %get3A_9 {offsets = [0, 96], sizes = [512, 32], strides = [1, 1]} : vector<512x128xf32> to vector<512x32xf32>
    %concatenate3A_14 = tpu.concatenate %slice3A_10, %slice3A_11, %slice3A_12, %slice3A_13 in 0 : vector<512x32xf32>, vector<512x32xf32>, vector<512x32xf32>, vector<512x32xf32> -> vector<2048x32xf32>
    %get3A_15 = arith.constant 1 : index
    %get3A_16 = arith.constant 0 : index
    %get3A_17 = arith.constant 0 : index
    %get3A_18 = vector.load %arg1[%get3A_15, %get3A_16, %get3A_17] : memref<2x512x128xf32, #tpu.memory_space<vmem>>, vector<1x512x128xf32>
    %get3A_19 = vector.shape_cast %get3A_18 : vector<1x512x128xf32> to vector<512x128xf32>
    %slice3A_20 = vector.extract_strided_slice %get3A_19 {offsets = [0, 0], sizes = [512, 32], strides = [1, 1]} : vector<512x128xf32> to vector<512x32xf32>
    %slice3A_21 = vector.extract_strided_slice %get3A_19 {offsets = [0, 32], sizes = [512, 32], strides = [1, 1]} : vector<512x128xf32> to vector<512x32xf32>
    %slice3A_22 = vector.extract_strided_slice %get3A_19 {offsets = [0, 64], sizes = [512, 32], strides = [1, 1]} : vector<512x128xf32> to vector<512x32xf32>
    %slice3A_23 = vector.extract_strided_slice %get3A_19 {offsets = [0, 96], sizes = [512, 32], strides = [1, 1]} : vector<512x128xf32> to vector<512x32xf32>
    %concatenate3A_24 = tpu.concatenate %slice3A_20, %slice3A_21, %slice3A_22, %slice3A_23 in 0 : vector<512x32xf32>, vector<512x32xf32>, vector<512x32xf32>, vector<512x32xf32> -> vector<2048x32xf32>
    %add3A = arith.addf %concatenate3A_14, %concatenate3A_24 : vector<2048x32xf32>
    %get3A_25 = arith.constant 0 : index
    %get3A_26 = arith.constant 0 : index
    %get3A_27 = vector.load %arg3[%get3A_25, %get3A_26] : memref<32x32xf32, #tpu.memory_space<vmem>>, vector<32x32xf32>
    %dot_general3A = arith.constant dense<0.000000e+00> : vector<2048x32xf32>
    %dot_general3A_28 = tpu.matmul %concatenate3A, %get3A_27, %dot_general3A {dimension_numbers = #tpu.dot_dimension_numbers<[1], [0], [0], [1], [0, 0, 1, 1], [], []>, transpose_lhs_hint = false} : vector<2048x32xf32>, vector<32x32xf32>, vector<2048x32xf32> -> vector<2048x32xf32>
    %add3A_29 = arith.addf %add3A, %dot_general3A_28 : vector<2048x32xf32>
    %get3A_30 = arith.constant 0 : index
    %get3A_31 = arith.constant 0 : index
    %get3A_32 = vector.load %arg4[%get3A_30, %get3A_31] : memref<1x32xf32, #tpu.memory_space<vmem>>, vector<1x32xf32>
    %add3A_33 = vector.broadcast %get3A_32 : vector<1x32xf32> to vector<2048x32xf32>
    %add3A_34 = arith.addf %add3A_29, %add3A_33 : vector<2048x32xf32>
    %max3A = arith.constant 0.000000e+00 : f32
    %max3A_35 = vector.broadcast %max3A : f32 to vector<2048x32xf32>
    %max3A_36 = arith.maximumf %add3A_34, %max3A_35 : vector<2048x32xf32>
    %get3A_37 = arith.constant 0 : index
    %get3A_38 = arith.constant 0 : index
    %get3A_39 = vector.load %arg11[%get3A_37, %get3A_38] : memref<3x32xf32, #tpu.memory_space<vmem>>, vector<3x32xf32>
    %get3A_40 = arith.constant 0 : index
    %get3A_41 = arith.constant 0 : index
    %get3A_42 = vector.load %arg12[%get3A_40, %get3A_41] : memref<3x32xf32, #tpu.memory_space<vmem>>, vector<3x32xf32>
    %get3A_43 = arith.constant 0 : index
    %get3A_44 = arith.constant 0 : index
    %get3A_45 = vector.load %arg5[%get3A_43, %get3A_44] : memref<32x32xf32, #tpu.memory_space<vmem>>, vector<32x32xf32>
    %dot_general3A_46 = arith.constant dense<0.000000e+00> : vector<2048x32xf32>
    %dot_general3A_47 = tpu.matmul %max3A_36, %get3A_45, %dot_general3A_46 {dimension_numbers = #tpu.dot_dimension_numbers<[1], [0], [0], [1], [0, 0, 1, 1], [], []>, transpose_lhs_hint = false} : vector<2048x32xf32>, vector<32x32xf32>, vector<2048x32xf32> -> vector<2048x32xf32>
    %slice3A_48 = vector.extract_strided_slice %get3A_39 {offsets = [0, 0], sizes = [1, 32], strides = [1, 1]} : vector<3x32xf32> to vector<1x32xf32>
    %add3A_49 = vector.broadcast %slice3A_48 : vector<1x32xf32> to vector<2048x32xf32>
    %add3A_50 = arith.addf %dot_general3A_47, %add3A_49 : vector<2048x32xf32>
    %get3A_51 = arith.constant 0 : index
    %get3A_52 = arith.constant 0 : index
    %get3A_53 = vector.load %arg6[%get3A_51, %get3A_52] : memref<32x32xf32, #tpu.memory_space<vmem>>, vector<32x32xf32>
    %dot_general3A_54 = arith.constant dense<0.000000e+00> : vector<2048x32xf32>
    %dot_general3A_55 = tpu.matmul %max3A_36, %get3A_53, %dot_general3A_54 {dimension_numbers = #tpu.dot_dimension_numbers<[1], [0], [0], [1], [0, 0, 1, 1], [], []>, transpose_lhs_hint = false} : vector<2048x32xf32>, vector<32x32xf32>, vector<2048x32xf32> -> vector<2048x32xf32>
    %slice3A_56 = vector.extract_strided_slice %get3A_39 {offsets = [1, 0], sizes = [1, 32], strides = [1, 1]} : vector<3x32xf32> to vector<1x32xf32>
    %add3A_57 = vector.broadcast %slice3A_56 : vector<1x32xf32> to vector<2048x32xf32>
    %add3A_58 = arith.addf %dot_general3A_55, %add3A_57 : vector<2048x32xf32>
    %get3A_59 = arith.constant 0 : index
    %get3A_60 = arith.constant 0 : index
    %get3A_61 = vector.load %arg7[%get3A_59, %get3A_60] : memref<32x32xf32, #tpu.memory_space<vmem>>, vector<32x32xf32>
    %dot_general3A_62 = arith.constant dense<0.000000e+00> : vector<2048x32xf32>
    %dot_general3A_63 = tpu.matmul %max3A_36, %get3A_61, %dot_general3A_62 {dimension_numbers = #tpu.dot_dimension_numbers<[1], [0], [0], [1], [0, 0, 1, 1], [], []>, transpose_lhs_hint = false} : vector<2048x32xf32>, vector<32x32xf32>, vector<2048x32xf32> -> vector<2048x32xf32>
    %slice3A_64 = vector.extract_strided_slice %get3A_39 {offsets = [2, 0], sizes = [1, 32], strides = [1, 1]} : vector<3x32xf32> to vector<1x32xf32>
    %add3A_65 = vector.broadcast %slice3A_64 : vector<1x32xf32> to vector<2048x32xf32>
    %add3A_66 = arith.addf %dot_general3A_63, %add3A_65 : vector<2048x32xf32>
    %get3A_67 = arith.constant 0 : index
    %get3A_68 = arith.constant 0 : index
    %get3A_69 = vector.load %arg8[%get3A_67, %get3A_68] : memref<32x32xf32, #tpu.memory_space<vmem>>, vector<32x32xf32>
    %dot_general3A_70 = arith.constant dense<0.000000e+00> : vector<2048x32xf32>
    %dot_general3A_71 = tpu.matmul %concatenate3A, %get3A_69, %dot_general3A_70 {dimension_numbers = #tpu.dot_dimension_numbers<[1], [0], [0], [1], [0, 0, 1, 1], [], []>, transpose_lhs_hint = false} : vector<2048x32xf32>, vector<32x32xf32>, vector<2048x32xf32> -> vector<2048x32xf32>
    %slice3A_72 = vector.extract_strided_slice %get3A_42 {offsets = [0, 0], sizes = [1, 32], strides = [1, 1]} : vector<3x32xf32> to vector<1x32xf32>
    %add3A_73 = vector.broadcast %slice3A_72 : vector<1x32xf32> to vector<2048x32xf32>
    %add3A_74 = arith.addf %dot_general3A_71, %add3A_73 : vector<2048x32xf32>
    %get3A_75 = arith.constant 0 : index
    %get3A_76 = arith.constant 0 : index
    %get3A_77 = vector.load %arg9[%get3A_75, %get3A_76] : memref<32x32xf32, #tpu.memory_space<vmem>>, vector<32x32xf32>
    %dot_general3A_78 = arith.constant dense<0.000000e+00> : vector<2048x32xf32>
    %dot_general3A_79 = tpu.matmul %concatenate3A, %get3A_77, %dot_general3A_78 {dimension_numbers = #tpu.dot_dimension_numbers<[1], [0], [0], [1], [0, 0, 1, 1], [], []>, transpose_lhs_hint = false} : vector<2048x32xf32>, vector<32x32xf32>, vector<2048x32xf32> -> vector<2048x32xf32>
    %slice3A_80 = vector.extract_strided_slice %get3A_42 {offsets = [1, 0], sizes = [1, 32], strides = [1, 1]} : vector<3x32xf32> to vector<1x32xf32>
    %add3A_81 = vector.broadcast %slice3A_80 : vector<1x32xf32> to vector<2048x32xf32>
    %add3A_82 = arith.addf %dot_general3A_79, %add3A_81 : vector<2048x32xf32>
    %get3A_83 = arith.constant 0 : index
    %get3A_84 = arith.constant 0 : index
    %get3A_85 = vector.load %arg10[%get3A_83, %get3A_84] : memref<32x32xf32, #tpu.memory_space<vmem>>, vector<32x32xf32>
    %dot_general3A_86 = arith.constant dense<0.000000e+00> : vector<2048x32xf32>
    %dot_general3A_87 = tpu.matmul %concatenate3A, %get3A_85, %dot_general3A_86 {dimension_numbers = #tpu.dot_dimension_numbers<[1], [0], [0], [1], [0, 0, 1, 1], [], []>, transpose_lhs_hint = false} : vector<2048x32xf32>, vector<32x32xf32>, vector<2048x32xf32> -> vector<2048x32xf32>
    %slice3A_88 = vector.extract_strided_slice %get3A_42 {offsets = [2, 0], sizes = [1, 32], strides = [1, 1]} : vector<3x32xf32> to vector<1x32xf32>
    %add3A_89 = vector.broadcast %slice3A_88 : vector<1x32xf32> to vector<2048x32xf32>
    %add3A_90 = arith.addf %dot_general3A_87, %add3A_89 : vector<2048x32xf32>
    %add3A_91 = arith.addf %add3A_50, %add3A_74 : vector<2048x32xf32>
    %logistic3A = arith.negf %add3A_91 : vector<2048x32xf32>
    %logistic3A_92 = math.exp %logistic3A : vector<2048x32xf32>
    %logistic3A_93 = arith.constant 1.000000e+00 : f32
    %logistic3A_94 = vector.broadcast %logistic3A_93 : f32 to vector<2048x32xf32>
    %logistic3A_95 = arith.addf %logistic3A_94, %logistic3A_92 : vector<2048x32xf32>
    %logistic3A_96 = arith.divf %logistic3A_94, %logistic3A_95 : vector<2048x32xf32>
    %add3A_97 = arith.addf %add3A_58, %add3A_82 : vector<2048x32xf32>
    %logistic3A_98 = arith.negf %add3A_97 : vector<2048x32xf32>
    %logistic3A_99 = math.exp %logistic3A_98 : vector<2048x32xf32>
    %logistic3A_100 = arith.constant 1.000000e+00 : f32
    %logistic3A_101 = vector.broadcast %logistic3A_100 : f32 to vector<2048x32xf32>
    %logistic3A_102 = arith.addf %logistic3A_101, %logistic3A_99 : vector<2048x32xf32>
    %logistic3A_103 = arith.divf %logistic3A_101, %logistic3A_102 : vector<2048x32xf32>
    %mul3A = arith.mulf %logistic3A_96, %add3A_90 : vector<2048x32xf32>
    %add3A_104 = arith.addf %add3A_66, %mul3A : vector<2048x32xf32>
    %tanh3A = math.tanh %add3A_104 : vector<2048x32xf32>
    %sub3A = arith.constant 1.000000e+00 : f32
    %sub3A_105 = vector.broadcast %sub3A : f32 to vector<2048x32xf32>
    %sub3A_106 = arith.subf %sub3A_105, %logistic3A_103 : vector<2048x32xf32>
    %mul3A_107 = arith.mulf %sub3A_106, %tanh3A : vector<2048x32xf32>
    %mul3A_108 = arith.mulf %logistic3A_103, %concatenate3A : vector<2048x32xf32>
    %add3A_109 = arith.addf %mul3A_107, %mul3A_108 : vector<2048x32xf32>
    %slice3A_110 = vector.extract_strided_slice %add3A_109 {offsets = [0, 0], sizes = [512, 32], strides = [1, 1]} : vector<2048x32xf32> to vector<512x32xf32>
    %slice3A_111 = vector.extract_strided_slice %add3A_109 {offsets = [512, 0], sizes = [512, 32], strides = [1, 1]} : vector<2048x32xf32> to vector<512x32xf32>
    %slice3A_112 = vector.extract_strided_slice %add3A_109 {offsets = [1024, 0], sizes = [512, 32], strides = [1, 1]} : vector<2048x32xf32> to vector<512x32xf32>
    %slice3A_113 = vector.extract_strided_slice %add3A_109 {offsets = [1536, 0], sizes = [512, 32], strides = [1, 1]} : vector<2048x32xf32> to vector<512x32xf32>
    %concatenate3A_114 = tpu.concatenate %slice3A_110, %slice3A_111, %slice3A_112, %slice3A_113 in 1 : vector<512x32xf32>, vector<512x32xf32>, vector<512x32xf32>, vector<512x32xf32> -> vector<512x128xf32>
    %swap3A = arith.constant 0 : index
    %swap3A_115 = arith.constant 0 : index
    %swap3A_116 = vector.load %arg13[%swap3A, %swap3A_115] : memref<512x128xf32, #tpu.memory_space<vmem>>, vector<512x128xf32>
    tpu.vector_store %arg13[%swap3A, %swap3A_115], %concatenate3A_114 {strides = array<i32>} : memref<512x128xf32, #tpu.memory_space<vmem>>, vector<512x128xf32>,
    return
  }
  func.func @transform_0(%arg0: i32) -> (i32, i32, i32) {
    %c0_i32 = arith.constant 0 : i32
    %c0_i32_0 = arith.constant 0 : i32
    %c0_i32_1 = arith.constant 0 : i32
    return %c0_i32, %arg0, %c0_i32_0 : i32, i32, i32
  }
  func.func @transform_1(%arg0: i32) -> (i32, i32) {
    %c0_i32 = arith.constant 0 : i32
    %c0_i32_0 = arith.constant 0 : i32
    return %arg0, %c0_i32 : i32, i32
  }
  func.func @transform_2(%arg0: i32) -> (i32, i32) {
    %c0_i32 = arith.constant 0 : i32
    %c0_i32_0 = arith.constant 0 : i32
    %c0_i32_1 = arith.constant 0 : i32
    return %c0_i32, %c0_i32_0 : i32, i32
  }
  func.func @transform_3(%arg0: i32) -> (i32, i32) {
    %c0_i32 = arith.constant 0 : i32
    %c0_i32_0 = arith.constant 0 : i32
    %c0_i32_1 = arith.constant 0 : i32
    return %c0_i32, %c0_i32_0 : i32, i32
  }
  func.func @transform_4(%arg0: i32) -> (i32, i32) {
    %c0_i32 = arith.constant 0 : i32
    %c0_i32_0 = arith.constant 0 : i32
    %c0_i32_1 = arith.constant 0 : i32
    return %c0_i32, %c0_i32_0 : i32, i32
  }
  func.func @transform_5(%arg0: i32) -> (i32, i32) {
    %c0_i32 = arith.constant 0 : i32
    %c0_i32_0 = arith.constant 0 : i32
    %c0_i32_1 = arith.constant 0 : i32
    return %c0_i32, %c0_i32_0 : i32, i32
  }
  func.func @transform_6(%arg0: i32) -> (i32, i32) {
    %c0_i32 = arith.constant 0 : i32
    %c0_i32_0 = arith.constant 0 : i32
    %c0_i32_1 = arith.constant 0 : i32
    return %c0_i32, %c0_i32_0 : i32, i32
  }
  func.func @transform_7(%arg0: i32) -> (i32, i32) {
    %c0_i32 = arith.constant 0 : i32
    %c0_i32_0 = arith.constant 0 : i32
    %c0_i32_1 = arith.constant 0 : i32
    return %c0_i32, %c0_i32_0 : i32, i32
  }
  func.func @transform_8(%arg0: i32) -> (i32, i32) {
    %c0_i32 = arith.constant 0 : i32
    %c0_i32_0 = arith.constant 0 : i32
    %c0_i32_1 = arith.constant 0 : i32
    return %c0_i32, %c0_i32_0 : i32, i32
  }
  func.func @transform_9(%arg0: i32) -> (i32, i32) {
    %c0_i32 = arith.constant 0 : i32
    %c0_i32_0 = arith.constant 0 : i32
    %c0_i32_1 = arith.constant 0 : i32
    return %c0_i32, %c0_i32_0 : i32, i32
  }
  func.func @transform_10(%arg0: i32) -> (i32, i32) {
    %c0_i32 = arith.constant 0 : i32
    %c0_i32_0 = arith.constant 0 : i32
    %c0_i32_1 = arith.constant 0 : i32
    return %c0_i32, %c0_i32_0 : i32, i32
  }
  func.func @transform_11(%arg0: i32) -> (i32, i32) {
    %c0_i32 = arith.constant 0 : i32
    %c0_i32_0 = arith.constant 0 : i32
    %c0_i32_1 = arith.constant 0 : i32
    return %c0_i32, %c0_i32_0 : i32, i32
  }
  func.func @transform_12(%arg0: i32) -> (i32, i32) {
    %c0_i32 = arith.constant 0 : i32
    %c0_i32_0 = arith.constant 0 : i32
    return %arg0, %c0_i32 : i32, i32
  }
}

</mosaic_0001>

<sc_bundles>
// kernel: kernel.16.cloned.1.call-start
scs
__scs_entry_jumppad:
0x0: {  	(pc) =	sbr.rel $0x88, $3  }
0x1: {  	(tag) =	ssettag $0x0;
	lr =	simm.s32 $0x1  }
0x2: {  	[smem:$0x3F92] =	sst lr;
	_ =	strace $0xD0000000  }
0x3: {  	_ = 	snop  }
0x4: {  	_ = 	snop  }
0x5: {  	_ = 	snop  }
0x6: {  	_ = 	snop  }
0x7: {  	_ = 	snop  }
__scs_overlays_trampoline_lowered:
0x8: {  	[smem:$0x3FA1] =	sst s0  }
0x9: {  	[smem:$0x3FA2] =	sst s1  }
0xa: {  	[smem:$0x3FA3] =	sst s2  }
0xb: {  	[smem:$0x3FA4] =	sst s3  }
0xc: {  	[smem:$0x3FA5] =	sst s4  }
0xd: {  	[smem:$0x3FA6] =	sst s5  }
0xe: {  	[smem:$0x3FA7] =	sst s6  }
0xf: {  	[smem:$0x3FA8] =	sst s7  }
0x10: {  	[smem:$0x3FA9] =	sst s8  }
0x11: {  	[smem:$0x3FAA] =	sst s9;
	s0 =	simm.s32 @!p0 $0x0  }
0x12: {  	s1 =	sld [smem:$0x3F90];
	s0 =	simm.s32 @p0 $0x1  }
0x13: {  	[smem:$0x3FAB] =	sst s0;
	s0 =	simm.s32 @!p1 $0x0  }
0x14: {  	s2 =	sld [smem:$0x3F8F];
	s0 =	simm.s32 @p1 $0x1  }
0x15: {  	[smem:$0x3FAC] =	sst s0;
	s0 =	simm.s32 @!p2 $0x0  }
0x16: {  	s3 =	sld [smem:$0x3FDB];
	s0 =	simm.s32 @p2 $0x1  }
0x17: {  	s4 =	simm.s32 $0x1BF5;
	[smem:$0x3FAE] =	sst s0  }
0x18: {  	s0 =	sld [smem:$0x3F91];
	_ =	swait.ge [sflag:s4], $0x0  }
0x19: {  	s7 =	sld [smem:$0x3F92]  }
0x1a: {  	s8 =	sadd.s32 $0xFFFFE003, lr  }
0x1b: {  	s9 =	sadd.s32 $0xFFFFFEF7, lr;
	s5 =	simm.s32 $0xFFFFFFFF;
	p2 =	slt.u32 s8, $0xFFFFF086  }
0x1c: {  	p1 =	slt.u32 s9, $0xF7A;
	s5 =	simm.s32 @!p2 $0x0  }
0x1d: {  	s5 =	simm.s32 @p1 $0x1;
	p0 =	seq.s32 s7, s2  }
0x1e: {  	s7 =	smul.u32 @!p0 $0xF7A, s2;
	p2 =	seq.s32 @!p0 s5, $0x0  }
0x1f: {  	s9 =	smul.u32 $0xF7A, s1;
	s8 =	simm.s32 @!p0 $0x1BF5;
	p2 =	por !p2, p0  }
0x20: {  	[sflag:s8] =	ssyncset.s32 @!p0 $0xFFFFF086;
	s6 =	sadd.s32 @!p0 s3, s7;
	s7 =	simm.s32 @!p0 $0x108  }
0x21: {  	s3 =	sadd.s32 s3, s9;
	s6 =	sadd.s32 @!p0 $0x88, s6;
	s7 =	simm.s32 @p2 $0x1082  }
0x22: {  	[simem:s7], [sflag:s8] =	dma.local @!p0 [hbm:s6], $0xF7A  }
0x23: {  	s9 =	sor.u32 $0xD0000000, s2;
	s6 =	simm.s32 $0x108;
	_ =	swait.ge @!p0 [sflag:s8], $0x0  }
0x24: {  	s3 =	sadd.s32 $0x88, s3;
	s6 =	simm.s32 @!p1 $0x1082;
	[sflag:s4] =	ssyncset.s32 $0xFFFFF086  }
0x25: {  	[simem:s6], [sflag:s4] =	dma.local [hbm:s3], $0xF7A  }
0x26: {  	[smem:$0x3F92] =	sst s1;
	(tag) =	ssettag s2;
	_ =	strace s9  }
0x27: {  	s1 =	sld [smem:$0x3FA2]  }
0x28: {  	s2 =	sld [smem:$0x3FA3]  }
0x29: {  	s4 =	sld [smem:$0x3FA5]  }
0x2a: {  	p0 =	seq.s32 s5, $0x0;
	s5 =	sld [smem:$0x3FA6]  }
0x2b: {  	s6 =	sld [smem:$0x3FA7]  }
0x2c: {  	s7 =	sld [smem:$0x3FA8]  }
0x2d: {  	s3 =	simm.s32 $0x108;
	s8 =	sld [smem:$0x3FA9]  }
0x2e: {  	s3 =	simm.s32 @!p0 $0x1082;
	s9 =	sld [smem:$0x3FAA]  }
0x2f: {  	lr =	sadd.s32 s0, s3;
	s0 =	sld [smem:$0x3FA1]  }
0x30: {  	s3 =	sld [smem:$0x3FA4]  }
0x31: {  	[smem:$0x3FAD] =	sst s10  }
0x32: {  	s10 =	sld [smem:$0x3FAB];
	_ =	sdelay $0x3  }
0x33: {  	p0 =	seq.s32 s10, $0x1;
	s10 =	sld [smem:$0x3FAD];
	_ =	sdelay $0x3  }
0x34: {  	[smem:$0x3FAD] =	sst s10  }
0x35: {  	s10 =	sld [smem:$0x3FAC];
	_ =	sdelay $0x3  }
0x36: {  	p1 =	seq.s32 s10, $0x1;
	s10 =	sld [smem:$0x3FAD];
	_ =	sdelay $0x3  }
0x37: {  	[smem:$0x3FAD] =	sst s10  }
0x38: {  	s10 =	sld [smem:$0x3FAE]  }
0x39: {  	_ = 	snop;
	(pc) =	sbr.ind lr, $3  }
0x3a: {  	_ = 	snop  }
0x3b: {  	_ = 	snop  }
0x3c: {  	p2 =	seq.s32 s10, $0x1;
	s10 =	sld [smem:$0x3FAD]  }
0x3d: {  	_ =	shalt  }
0x3e: {  	_ =	shalt  }
0x3f: {  	_ =	shalt  }
0x40: {  	_ =	shalt  }
0x41: {  	_ =	shalt  }
0x42: {  	_ =	shalt  }
0x43: {  	_ =	shalt  }
0x44: {  	_ =	shalt  }
0x45: {  	_ =	shalt  }
0x46: {  	_ =	shalt  }
0x47: {  	_ =	shalt  }
0x48: {  	_ =	shalt  }
0x49: {  	_ =	shalt  }
0x4a: {  	_ =	shalt  }
0x4b: {  	_ =	shalt  }
0x4c: {  	_ =	shalt  }
0x4d: {  	_ =	shalt  }
0x4e: {  	_ =	shalt  }
0x4f: {  	_ =	shalt  }
0x50: {  	_ =	shalt  }
0x51: {  	_ =	shalt  }
0x52: {  	_ =	shalt  }
0x53: {  	_ =	shalt  }
0x54: {  	_ =	shalt  }
0x55: {  	_ =	shalt  }
0x56: {  	_ =	shalt  }
0x57: {  	_ =	shalt  }
0x58: {  	_ =	shalt  }
0x59: {  	_ =	shalt  }
0x5a: {  	_ =	shalt  }
0x5b: {  	_ =	shalt  }
0x5c: {  	_ =	shalt  }
0x5d: {  	_ =	shalt  }
0x5e: {  	_ =	shalt  }
0x5f: {  	_ =	shalt  }
0x60: {  	_ =	shalt  }
0x61: {  	_ =	shalt  }
0x62: {  	_ =	shalt  }
0x63: {  	_ =	shalt  }
0x64: {  	_ =	shalt  }
0x65: {  	_ =	shalt  }
0x66: {  	_ =	shalt  }
0x67: {  	_ =	shalt  }
0x68: {  	_ =	shalt  }
0x69: {  	_ =	shalt  }
0x6a: {  	_ =	shalt  }
0x6b: {  	_ =	shalt  }
0x6c: {  	_ =	shalt  }
0x6d: {  	_ =	shalt  }
0x6e: {  	_ =	shalt  }
0x6f: {  	_ =	shalt  }
0x70: {  	_ =	shalt  }
0x71: {  	_ =	shalt  }
0x72: {  	_ =	shalt  }
0x73: {  	_ =	shalt  }
0x74: {  	_ =	shalt  }
0x75: {  	_ =	shalt  }
0x76: {  	_ =	shalt  }
0x77: {  	_ =	shalt  }
0x78: {  	_ =	shalt  }
0x79: {  	_ =	shalt  }
0x7a: {  	_ =	shalt  }
0x7b: {  	_ =	shalt  }
0x7c: {  	_ =	shalt  }
0x7d: {  	_ =	shalt  }
0x7e: {  	_ =	shalt  }
0x7f: {  	_ =	shalt  }
0x80: {  	_ =	shalt  }
0x81: {  	_ =	shalt  }
0x82: {  	_ =	shalt  }
0x83: {  	_ =	shalt  }
0x84: {  	_ =	shalt  }
0x85: {  	_ =	shalt  }
0x86: {  	_ =	shalt  }
0x87: {  	_ =	shalt  }
.Lfunc_end0:
.L_simem_size_0:
called_computation_lowered:
.L_overlay_start_0:
0x88: {  	s2 =	sld [smem:$0x3FD9]  }
0x89: {  	s3 =	sld [smem:$0x3FFE];
	_ =	sdelay $0x1  }
0x8a: {  	s1 =	srdreg.scid  }
0x8b: {  	s0 =	sand.u32 $0x1, s1  }
0x8c: {  	s16 =	sshll.u32 s0, $0xA;
	s2 =	sadd.s32 s3, s2  }
0x8d: {  	s2 =	sadd.s32 s2, s16  }
0x8e: {  	[smem:$0x3FB9] =	sst s2  }
0x8f: {  	_ = 	snop  }
0x90: {  	(tm) =	ssettm $0x1  }
0x91: {  	s17 =	sld [smem:$0x3FFB];
	_ =	sdelay $0x3  }
0x92: {  	_ =	strace s17  }
0x93: {  	s2 =	sld [smem:$0x3FFC];
	_ =	sdelay $0x3  }
0x94: {  	_ =	strace s2  }
0x95: {  	s2 =	sld [smem:$0x3FFD];
	_ =	sdelay $0x3  }
0x96: {  	_ =	strace s2  }
0x97: {  	_ =	strace $0x8FFFFFFF  }
0x98: {  	s18 =	sld [smem:$0x3FDB];
	_ =	sdelay $0x1  }
0x99: {  	s19 =	simm.s32 $_scs_section_size  }
0x9a: {  	s4 =	simm.s32 $_size__tile_overlayer_lowered;
	s5 =	simm.s32 $_tile_overlayer_lowered  }
0x9b: {  	s22 =	simm.s32 $0x1BFF;
	s21 =	sshll.u32 s5, $0x1;
	s2 =	sadd.s32 s19, s18  }
0x9c: {  	s6 =	simm.s32 $0x0;
	s20 =	sshll.u32 s4, $0x1;
	s4 =	sadd.s32 s21, s2  }
0x9d: {  	[timem:s6], [sflag:s22] =	dma.local [hbm:s4], s20  }
0x9e: {  	_ =	swait.ge [sflag:s22], s20  }
0x9f: {  	s3 =	ssub.s32 $0x0, s20;
	[sflag:s22] =	ssyncset.done $0x0  }
0xa0: {  	[sflag:s22] =	ssyncadd.s32 s3;
	_ =	sdelay $0x1  }
0xa1: {  	s23 =	simm.s32 $0x1B8B  }
0xa2: {  	_ =	swait.ge [sflag:s23], $0x1  }
0xa3: {  	[sflag:s23] =	ssyncset.done $0x0  }
0xa4: {  	s25 =	simm.s32 $0x1B8E;
	s24 =	sld [smem:$0x3FFE];
	[sflag:s23] =	ssyncadd.s32 $0xFFFFFFFF  }
0xa5: {  	s26 =	simm.s32 $execute0_lowered;
	[smem:$0x3FD2] =	sst s25  }
0xa6: {  	s4 =	sshll.u32 s26, $0x1;
	_ =	strace $0x80000046;
	[dreg:$0x1] =	wrdreg $0xFFFFFFFF  }
0xa7: {  	s28 =	simm.s32 $_size_execute0_lowered;
	s2 =	sadd.s32 s2, s4;
	[dreg:$0x0] =	wrdreg $0x0  }
0xa8: {  	s4 =	sshll.u32 s28, $0x1;
	[dreg:$0x2] =	wrdreg s2  }
0xa9: {  	[dreg:$0x3] =	wrdreg s4  }
0xaa: {  	[dreg:$0x4] =	wrdreg $0xC0  }
0xab: {  	_ =	task [dreg:s6], $0x5FFFF  }
0xac: {  	[dreg:$0x1] =	wrdreg $0xFFFFFFFF  }
0xad: {  	[dreg:$0x0] =	wrdreg $0x60  }
0xae: {  	[dreg:$0x2] =	wrdreg s24  }
0xaf: {  	[dreg:$0x3] =	wrdreg $0x9  }
0xb0: {  	_ =	task.clear_ibuf [dreg:s6], $0x4FFFF;
	_ =	strace $0x90000046  }
0xb1: {  	s29 =	simm.s32 $0x9;
	_ =	strace $0x80000048  }
0xb2: {  	_ =	swait.ge [sflag:s29], $0x1  }
0xb3: {  	[sflag:s29] =	ssyncadd.s32 $0xFFFFFFFF  }
0xb4: {  	_ =	strace $0x90000048  }
0xb5: {  	_ =	sfence  }
0xb6: {  	s30 =	sld [smem:$0x0];
	_ =	sdelay $0x2  }
0xb7: {  	s31 =	sshll.u32 s1, $0xD;
	s1 =	sshrl.u32 s1, $0x2  }
0xb8: {  	s3 =	sand.u32 $0x4000, s31;
	s1 =	sadd.s32 s1, s30  }
0xb9: {  	s0 =	sor.u32 s3, s0;
	s1 =	sshll.u32 s1, $0x11  }
0xba: {  	s0 =	sor.u32 s1, s0  }
0xbb: {  	s0 =	sadd.s32 $0x8F2B, s0  }
0xbc: {  	[sflag:s0] =	ssyncadd.remote.s32 $0x1  }
0xbd: {  	_ =	sfence.sel $0xFFFF  }
0xbe: {  	[dreg:$0x0] =	wrdreg $0xFFFFFFFF;
	(pc) =	sbr.abs _section_cstart, $3  }
0xbf: {  	[dreg:$0x1] =	wrdreg $0xFFFFFFFF  }
0xc0: {  	_ =	task.clear_ibuf [dreg:s6], $0x2FFFF;
	_ =	strace $0x9FFFFFFF  }
0xc1: {  	(tm) =	ssettm $0x7FFFFFFF  }
tec
execute0_lowered:
.L_overlay_start_1:
0x0: {  	(tag) =	ssettag $0x1  }
0x1: {  	s0 =	srdreg.scid  }
0x2: {  	s20 =	sand.u32 $0x1, s0  }
0x3: {  	s0 =	stileid.u32;
	s1 =	sshll.u32 s20, $0x4  }
0x4: {  	s12 =	sor.u32 s0, s1  }
0x5: {  	s3 =	smul.u32 $0x271, s12  }
0x6: {  	s10 =	rddreg [dreg:$0x0];
	s2 =	simm.s32 $0x0  }
0x7: {  	s4 =	simm.s32 $0x5;
	[smem:$0x7FF] =	sst s2;
	s3 =	sadd.s32 s3, s10  }
0x8: {  	s1 =	rddreg [dreg:$0x1];
	_ =	strace $0x80000047;
	s3 =	sadd.s32 $0x6000, s3  }
0x9: {  	[tilespmem:s2], [sflag:$0x5] =	stream.linear.gather [hbm4b:s3+s2], $0x1388, $0x38;
	[tilespmem:$0x10D88] =	vst v63  }
0xa: {  	_ =	swait.ge [sflag:s4], $0x1388  }
0xb: {  	s6 =	simm.s32 $0x3E8;
	[sflag:s4] =	ssyncset.done $0x0  }
0xc: {  	s7 =	simm.s32 $0x1388;
	s5 =	sadd.s32 $0xB000, s10;
	[sflag:s4] =	ssyncadd.s32 $0xFFFFEC78  }
0xd: {  	[tilespmem:s7], [sflag:$0x1] =	stream.indirect.gather [hbm4b:s5+s6], $0x20, s2, s6, $0xb8;
	[tilespmem:$0x10D88] =	vst v63  }
0xe: {  	s8 =	simm.s32 $0x9088;
	s9 =	simm.s32 $0x1  }
0xf: {  	[tilespmem:s8], [sflag:$0x2] =	stream.indirect.gather [hbm4b:s5+s6], $0x20, s6, s6, $0xb8;
	[tilespmem:$0x10D88] =	vst v63  }
0x10: {  	s11 =	smul.u32 $0x4E20, s12;
	_ =	swait.ge [sflag:s9], $0x7D00  }
0x11: {  	s14 =	sadd.s32 $0x15000, s10;
	[sflag:s9] =	ssyncset.done $0x0  }
0x12: {  	s11 =	sadd.s32 s14, s11;
	s10 =	simm.s32 $0x3;
	[sflag:s9] =	ssyncadd.s32 $0xFFFF8300  }
0x13: {  	[hbm4b:s11+s2] =	stream.linear.scatter [tilespmem:s7], [sflag:$0x3], $0x7D00, $0x38;
	[tilespmem:$0x10D88] =	vst v63  }
0x14: {  	_ =	swait.ge [sflag:s10], $0x7D00  }
0x15: {  	s13 =	simm.s32 $0x2;
	[sflag:s10] =	ssyncset.done $0x0  }
0x16: {  	s15 =	smul.u32 $0x27100, s12;
	s12 =	simm.s32 $0x7D0;
	[sflag:s10] =	ssyncadd.s32 $0xFFFF8300  }
0x17: {  	[tilespmem:s7], [sflag:$0x1] =	stream.indirect.gather [hbm4b:s5+s6], $0x20, s12, s6, $0xb8;
	[tilespmem:$0x10D88] =	vst v63  }
0x18: {  	s15 =	sshrl.u32 s15, $0x3;
	_ =	swait.ge [sflag:s13], $0x7D00  }
0x19: {  	s21 =	sadd.s32 s14, s15;
	[sflag:s13] =	ssyncset.done $0x0  }
0x1a: {  	s15 =	simm.s32 $0x4;
	s14 =	sadd.s32 $0xFA0, s21;
	[sflag:s13] =	ssyncadd.s32 $0xFFFF8300  }
0x1b: {  	[hbm4b:s14+s2] =	stream.linear.scatter [tilespmem:s8], [sflag:$0x4], $0x7D00, $0x38;
	[tilespmem:$0x10D88] =	vst v63  }
0x1c: {  	_ =	swait.ge [sflag:s15], $0x7D00  }
0x1d: {  	[sflag:s15] =	ssyncset.done $0x0  }
0x1e: {  	s16 =	simm.s32 $0xBB8;
	[sflag:s15] =	ssyncadd.s32 $0xFFFF8300  }
0x1f: {  	[tilespmem:s8], [sflag:$0x2] =	stream.indirect.gather [hbm4b:s5+s6], $0x20, s16, s6, $0xb8;
	[tilespmem:$0x10D88] =	vst v63  }
0x20: {  	_ =	swait.ge [sflag:s9], $0x7D00  }
0x21: {  	[sflag:s9] =	ssyncset.done $0x0  }
0x22: {  	s17 =	sadd.s32 $0x1F40, s21;
	[sflag:s9] =	ssyncadd.s32 $0xFFFF8300  }
0x23: {  	[hbm4b:s17+s2] =	stream.linear.scatter [tilespmem:s7], [sflag:$0x3], $0x7D00, $0x38;
	[tilespmem:$0x10D88] =	vst v63  }
0x24: {  	_ =	swait.ge [sflag:s10], $0x7D00  }
0x25: {  	[sflag:s10] =	ssyncset.done $0x0  }
0x26: {  	s18 =	simm.s32 $0xFA0;
	[sflag:s10] =	ssyncadd.s32 $0xFFFF8300  }
0x27: {  	[tilespmem:s7], [sflag:$0x1] =	stream.indirect.gather [hbm4b:s5+s6], $0x20, s18, s6, $0xb8;
	[tilespmem:$0x10D88] =	vst v63  }
0x28: {  	_ =	swait.ge [sflag:s13], $0x7D00  }
0x29: {  	s22 =	ssub.s32 $0x2, s20;
	[sflag:s13] =	ssyncset.done $0x0  }
0x2a: {  	s31 =	sshrl.u32 s22, $0x1;
	s19 =	sadd.s32 $0x2EE0, s21;
	[sflag:s13] =	ssyncadd.s32 $0xFFFF8300  }
0x2b: {  	[hbm4b:s19+s2] =	stream.linear.scatter [tilespmem:s8], [sflag:$0x4], $0x7D00, $0x38;
	[tilespmem:$0x10D88] =	vst v63  }
0x2c: {  	s20 =	sadd.s32 $0x3E80, s21;
	s21 =	ssub.s32 s22, s31;
	_ =	swait.ge [sflag:s9], $0x7D00  }
0x2d: {  	s21 =	smax.u32 s21, $0x1;
	[sflag:s9] =	ssyncset.done $0x0  }
0x2e: {  	p0 =	sne.s32 s21, $0x1;
	[sflag:s9] =	ssyncadd.s32 $0xFFFF8300  }
0x2f: {  	[hbm4b:s20+s2] =	stream.linear.scatter [tilespmem:s7], [sflag:$0x3], $0x7D00, $0x38;
	[tilespmem:$0x10D88] =	vst v63  }
.Ltmp0:
0x30: {  	_ =	swait.ge [sflag:s15], $0x7D00;
	(pc) =	sbr.rel @!p0 .LBB2_2-.Ltmp0, $4  }
0x31: {  	[sflag:s15] =	ssyncset.done $0x0  }
0x32: {  	[sflag:s15] =	ssyncadd.s32 $0xFFFF8300  }
0x33: {  	_ =	swait.ge [sflag:s10], $0x7D00  }
0x34: {  	s21 =	sadd.s32 $0xFFFFFFFF, s21;
	[sflag:s10] =	ssyncset.done $0x0  }
.LBB2_1:
0x35: {  	p0 =	sne.s32 s21, $0x1;
	s21 =	sadd.s32 $0xFFFFFFFF, s21;
	[sflag:s10] =	ssyncadd.s32 $0xFFFF8300  }
0x36: {  	[tilespmem:s2], [sflag:$0x5] =	stream.linear.gather [hbm4b:s3+s2], $0x1388, $0x38;
	[tilespmem:$0x10D88] =	vst v63  }
0x37: {  	_ =	swait.ge [sflag:s4], $0x1388  }
0x38: {  	[sflag:s4] =	ssyncset.done $0x0  }
0x39: {  	[sflag:s4] =	ssyncadd.s32 $0xFFFFEC78  }
0x3a: {  	[tilespmem:s7], [sflag:$0x1] =	stream.indirect.gather [hbm4b:s5+s6], $0x20, s2, s6, $0xb8;
	[tilespmem:$0x10D88] =	vst v63  }
0x3b: {  	_ = 	snop  }
0x3c: {  	[tilespmem:s8], [sflag:$0x2] =	stream.indirect.gather [hbm4b:s5+s6], $0x20, s6, s6, $0xb8;
	[tilespmem:$0x10D88] =	vst v63  }
0x3d: {  	_ =	swait.ge [sflag:s9], $0x7D00  }
0x3e: {  	[sflag:s9] =	ssyncset.done $0x0  }
0x3f: {  	[sflag:s9] =	ssyncadd.s32 $0xFFFF8300  }
0x40: {  	[hbm4b:s11+s2] =	stream.linear.scatter [tilespmem:s7], [sflag:$0x3], $0x7D00, $0x38;
	[tilespmem:$0x10D88] =	vst v63  }
0x41: {  	_ =	swait.ge [sflag:s10], $0x7D00  }
0x42: {  	[sflag:s10] =	ssyncset.done $0x0  }
0x43: {  	[sflag:s10] =	ssyncadd.s32 $0xFFFF8300  }
0x44: {  	[tilespmem:s7], [sflag:$0x1] =	stream.indirect.gather [hbm4b:s5+s6], $0x20, s12, s6, $0xb8;
	[tilespmem:$0x10D88] =	vst v63  }
0x45: {  	_ =	swait.ge [sflag:s13], $0x7D00  }
0x46: {  	[sflag:s13] =	ssyncset.done $0x0  }
0x47: {  	[sflag:s13] =	ssyncadd.s32 $0xFFFF8300  }
0x48: {  	[hbm4b:s14+s2] =	stream.linear.scatter [tilespmem:s8], [sflag:$0x4], $0x7D00, $0x38;
	[tilespmem:$0x10D88] =	vst v63  }
0x49: {  	_ =	swait.ge [sflag:s15], $0x7D00  }
0x4a: {  	[sflag:s15] =	ssyncset.done $0x0  }
0x4b: {  	[sflag:s15] =	ssyncadd.s32 $0xFFFF8300  }
0x4c: {  	[tilespmem:s8], [sflag:$0x2] =	stream.indirect.gather [hbm4b:s5+s6], $0x20, s16, s6, $0xb8;
	[tilespmem:$0x10D88] =	vst v63  }
0x4d: {  	_ =	swait.ge [sflag:s9], $0x7D00  }
0x4e: {  	[sflag:s9] =	ssyncset.done $0x0  }
0x4f: {  	[sflag:s9] =	ssyncadd.s32 $0xFFFF8300  }
0x50: {  	[hbm4b:s17+s2] =	stream.linear.scatter [tilespmem:s7], [sflag:$0x3], $0x7D00, $0x38;
	[tilespmem:$0x10D88] =	vst v63  }
0x51: {  	_ =	swait.ge [sflag:s10], $0x7D00  }
0x52: {  	[sflag:s10] =	ssyncset.done $0x0  }
0x53: {  	[sflag:s10] =	ssyncadd.s32 $0xFFFF8300  }
0x54: {  	[tilespmem:s7], [sflag:$0x1] =	stream.indirect.gather [hbm4b:s5+s6], $0x20, s18, s6, $0xb8;
	[tilespmem:$0x10D88] =	vst v63  }
0x55: {  	_ =	swait.ge [sflag:s13], $0x7D00  }
0x56: {  	[sflag:s13] =	ssyncset.done $0x0  }
0x57: {  	[sflag:s13] =	ssyncadd.s32 $0xFFFF8300  }
0x58: {  	[hbm4b:s19+s2] =	stream.linear.scatter [tilespmem:s8], [sflag:$0x4], $0x7D00, $0x38;
	[tilespmem:$0x10D88] =	vst v63  }
0x59: {  	_ =	swait.ge [sflag:s9], $0x7D00  }
0x5a: {  	[sflag:s9] =	ssyncset.done $0x0  }
0x5b: {  	[sflag:s9] =	ssyncadd.s32 $0xFFFF8300  }
0x5c: {  	[hbm4b:s20+s2] =	stream.linear.scatter [tilespmem:s7], [sflag:$0x3], $0x7D00, $0x38;
	[tilespmem:$0x10D88] =	vst v63  }
.Ltmp1:
0x5d: {  	_ =	swait.ge [sflag:s15], $0x7D00;
	(pc) =	sbr.rel @p0 .LBB2_1-.Ltmp1, $4  }
0x5e: {  	[sflag:s15] =	ssyncset.done $0x0  }
0x5f: {  	[sflag:s15] =	ssyncadd.s32 $0xFFFF8300  }
0x60: {  	_ =	swait.ge [sflag:s10], $0x7D00  }
0x61: {  	[sflag:s10] =	ssyncset.done $0x0  }
.LBB2_2:
0x62: {  	[sflag:s10] =	ssyncadd.s32 $0xFFFF8300  }
0x63: {  	_ =	sfence.sel $0x180000  }
0x64: {  	[bflag:$0x0] =	sbarrier.arrive $0xFFFF  }
0x65: {  	p0 =	sne.s32 s0, $0x0;
	_ =	strace $0x90000047  }
0x66: {  	s0 =	sadd.s32 @!p0 $0x100000, s1;
	[bflag:$0x2] =	sbarrier.arrive $0xFFFF  }
0x67: {  	[sflag:s0] =	ssyncadd.tile.s32 @!p0 $0x1;
	_ =	shalt  }
.Lfunc_end2:
_tile_overlayer_lowered:
.L_overlay_start_2:
0x68: {  	(tag) =	ssettag $0x2  }
0x69: {  	s0 =	rddreg [dreg:$0x0];
	s2 =	stileid.u32  }
0x6a: {  	s1 =	rddreg [dreg:$0x1];
	p0 =	sne.s32 s2, $0x0  }
0x6b: {  	s3 =	rddreg [dreg:$0x2];
	[bflag:$0x3] =	sbarrier.arrive $0xFFFF;
	s2 =	simm.s32 @!p0 $0x1C05  }
0x6c: {  	[timem:s3], [sflag:s2] =	dma.local @!p0 [hbm:s0], s1  }
0x6d: {  	s0 =	simm.s32 @!p0 $0x5  }
0x6e: {  	_ =	swait.ge @!p0 [sflag:s0], s1  }
0x6f: {  	s1 =	ssub.s32 @!p0 $0x0, s1;
	[sflag:s0] =	ssyncset.done @!p0 $0x0  }
0x70: {  	[sflag:s0] =	ssyncadd.s32 @!p0 s1  }
0x71: {  	[bflag:$0x3] =	sbarrier.arrive $0xFFFF  }
0x72: {  	_ =	shalt  }

// kernel: kernel.19.cloned.1.call-start
scs
__scs_entry_jumppad:
0x0: {  	(pc) =	sbr.rel $0x88, $3  }
0x1: {  	(tag) =	ssettag $0x0;
	lr =	simm.s32 $0x1  }
0x2: {  	[smem:$0x3F92] =	sst lr;
	_ =	strace $0xD0000000  }
0x3: {  	_ = 	snop  }
0x4: {  	_ = 	snop  }
0x5: {  	_ = 	snop  }
0x6: {  	_ = 	snop  }
0x7: {  	_ = 	snop  }
__scs_overlays_trampoline_lowered:
0x8: {  	[smem:$0x3FA1] =	sst s0  }
0x9: {  	[smem:$0x3FA2] =	sst s1  }
0xa: {  	[smem:$0x3FA3] =	sst s2  }
0xb: {  	[smem:$0x3FA4] =	sst s3  }
0xc: {  	[smem:$0x3FA5] =	sst s4  }
0xd: {  	[smem:$0x3FA6] =	sst s5  }
0xe: {  	[smem:$0x3FA7] =	sst s6  }
0xf: {  	[smem:$0x3FA8] =	sst s7  }
0x10: {  	[smem:$0x3FA9] =	sst s8  }
0x11: {  	[smem:$0x3FAA] =	sst s9;
	s0 =	simm.s32 @!p0 $0x0  }
0x12: {  	s1 =	sld [smem:$0x3F90];
	s0 =	simm.s32 @p0 $0x1  }
0x13: {  	[smem:$0x3FAB] =	sst s0;
	s0 =	simm.s32 @!p1 $0x0  }
0x14: {  	s2 =	sld [smem:$0x3F8F];
	s0 =	simm.s32 @p1 $0x1  }
0x15: {  	[smem:$0x3FAC] =	sst s0;
	s0 =	simm.s32 @!p2 $0x0  }
0x16: {  	s3 =	sld [smem:$0x3FDB];
	s0 =	simm.s32 @p2 $0x1  }
0x17: {  	s4 =	simm.s32 $0x1BF5;
	[smem:$0x3FAE] =	sst s0  }
0x18: {  	s0 =	sld [smem:$0x3F91];
	_ =	swait.ge [sflag:s4], $0x0  }
0x19: {  	s7 =	sld [smem:$0x3F92]  }
0x1a: {  	s8 =	sadd.s32 $0xFFFFE003, lr  }
0x1b: {  	s9 =	sadd.s32 $0xFFFFFEF7, lr;
	s5 =	simm.s32 $0xFFFFFFFF;
	p2 =	slt.u32 s8, $0xFFFFF086  }
0x1c: {  	p1 =	slt.u32 s9, $0xF7A;
	s5 =	simm.s32 @!p2 $0x0  }
0x1d: {  	s5 =	simm.s32 @p1 $0x1;
	p0 =	seq.s32 s7, s2  }
0x1e: {  	s7 =	smul.u32 @!p0 $0xF7A, s2;
	p2 =	seq.s32 @!p0 s5, $0x0  }
0x1f: {  	s9 =	smul.u32 $0xF7A, s1;
	s8 =	simm.s32 @!p0 $0x1BF5;
	p2 =	por !p2, p0  }
0x20: {  	[sflag:s8] =	ssyncset.s32 @!p0 $0xFFFFF086;
	s6 =	sadd.s32 @!p0 s3, s7;
	s7 =	simm.s32 @!p0 $0x108  }
0x21: {  	s3 =	sadd.s32 s3, s9;
	s6 =	sadd.s32 @!p0 $0x88, s6;
	s7 =	simm.s32 @p2 $0x1082  }
0x22: {  	[simem:s7], [sflag:s8] =	dma.local @!p0 [hbm:s6], $0xF7A  }
0x23: {  	s9 =	sor.u32 $0xD0000000, s2;
	s6 =	simm.s32 $0x108;
	_ =	swait.ge @!p0 [sflag:s8], $0x0  }
0x24: {  	s3 =	sadd.s32 $0x88, s3;
	s6 =	simm.s32 @!p1 $0x1082;
	[sflag:s4] =	ssyncset.s32 $0xFFFFF086  }
0x25: {  	[simem:s6], [sflag:s4] =	dma.local [hbm:s3], $0xF7A  }
0x26: {  	[smem:$0x3F92] =	sst s1;
	(tag) =	ssettag s2;
	_ =	strace s9  }
0x27: {  	s1 =	sld [smem:$0x3FA2]  }
0x28: {  	s2 =	sld [smem:$0x3FA3]  }
0x29: {  	s4 =	sld [smem:$0x3FA5]  }
0x2a: {  	p0 =	seq.s32 s5, $0x0;
	s5 =	sld [smem:$0x3FA6]  }
0x2b: {  	s6 =	sld [smem:$0x3FA7]  }
0x2c: {  	s7 =	sld [smem:$0x3FA8]  }
0x2d: {  	s3 =	simm.s32 $0x108;
	s8 =	sld [smem:$0x3FA9]  }
0x2e: {  	s3 =	simm.s32 @!p0 $0x1082;
	s9 =	sld [smem:$0x3FAA]  }
0x2f: {  	lr =	sadd.s32 s0, s3;
	s0 =	sld [smem:$0x3FA1]  }
0x30: {  	s3 =	sld [smem:$0x3FA4]  }
0x31: {  	[smem:$0x3FAD] =	sst s10  }
0x32: {  	s10 =	sld [smem:$0x3FAB];
	_ =	sdelay $0x3  }
0x33: {  	p0 =	seq.s32 s10, $0x1;
	s10 =	sld [smem:$0x3FAD];
	_ =	sdelay $0x3  }
0x34: {  	[smem:$0x3FAD] =	sst s10  }
0x35: {  	s10 =	sld [smem:$0x3FAC];
	_ =	sdelay $0x3  }
0x36: {  	p1 =	seq.s32 s10, $0x1;
	s10 =	sld [smem:$0x3FAD];
	_ =	sdelay $0x3  }
0x37: {  	[smem:$0x3FAD] =	sst s10  }
0x38: {  	s10 =	sld [smem:$0x3FAE]  }
0x39: {  	_ = 	snop;
	(pc) =	sbr.ind lr, $3  }
0x3a: {  	_ = 	snop  }
0x3b: {  	_ = 	snop  }
0x3c: {  	p2 =	seq.s32 s10, $0x1;
	s10 =	sld [smem:$0x3FAD]  }
0x3d: {  	_ =	shalt  }
0x3e: {  	_ =	shalt  }
0x3f: {  	_ =	shalt  }
0x40: {  	_ =	shalt  }
0x41: {  	_ =	shalt  }
0x42: {  	_ =	shalt  }
0x43: {  	_ =	shalt  }
0x44: {  	_ =	shalt  }
0x45: {  	_ =	shalt  }
0x46: {  	_ =	shalt  }
0x47: {  	_ =	shalt  }
0x48: {  	_ =	shalt  }
0x49: {  	_ =	shalt  }
0x4a: {  	_ =	shalt  }
0x4b: {  	_ =	shalt  }
0x4c: {  	_ =	shalt  }
0x4d: {  	_ =	shalt  }
0x4e: {  	_ =	shalt  }
0x4f: {  	_ =	shalt  }
0x50: {  	_ =	shalt  }
0x51: {  	_ =	shalt  }
0x52: {  	_ =	shalt  }
0x53: {  	_ =	shalt  }
0x54: {  	_ =	shalt  }
0x55: {  	_ =	shalt  }
0x56: {  	_ =	shalt  }
0x57: {  	_ =	shalt  }
0x58: {  	_ =	shalt  }
0x59: {  	_ =	shalt  }
0x5a: {  	_ =	shalt  }
0x5b: {  	_ =	shalt  }
0x5c: {  	_ =	shalt  }
0x5d: {  	_ =	shalt  }
0x5e: {  	_ =	shalt  }
0x5f: {  	_ =	shalt  }
0x60: {  	_ =	shalt  }
0x61: {  	_ =	shalt  }
0x62: {  	_ =	shalt  }
0x63: {  	_ =	shalt  }
0x64: {  	_ =	shalt  }
0x65: {  	_ =	shalt  }
0x66: {  	_ =	shalt  }
0x67: {  	_ =	shalt  }
0x68: {  	_ =	shalt  }
0x69: {  	_ =	shalt  }
0x6a: {  	_ =	shalt  }
0x6b: {  	_ =	shalt  }
0x6c: {  	_ =	shalt  }
0x6d: {  	_ =	shalt  }
0x6e: {  	_ =	shalt  }
0x6f: {  	_ =	shalt  }
0x70: {  	_ =	shalt  }
0x71: {  	_ =	shalt  }
0x72: {  	_ =	shalt  }
0x73: {  	_ =	shalt  }
0x74: {  	_ =	shalt  }
0x75: {  	_ =	shalt  }
0x76: {  	_ =	shalt  }
0x77: {  	_ =	shalt  }
0x78: {  	_ =	shalt  }
0x79: {  	_ =	shalt  }
0x7a: {  	_ =	shalt  }
0x7b: {  	_ =	shalt  }
0x7c: {  	_ =	shalt  }
0x7d: {  	_ =	shalt  }
0x7e: {  	_ =	shalt  }
0x7f: {  	_ =	shalt  }
0x80: {  	_ =	shalt  }
0x81: {  	_ =	shalt  }
0x82: {  	_ =	shalt  }
0x83: {  	_ =	shalt  }
0x84: {  	_ =	shalt  }
0x85: {  	_ =	shalt  }
0x86: {  	_ =	shalt  }
0x87: {  	_ =	shalt  }
.Lfunc_end0:
.L_simem_size_0:
called_computation.1_lowered:
.L_overlay_start_0:
0x88: {  	s2 =	sld [smem:$0x3FD9]  }
0x89: {  	s3 =	sld [smem:$0x3FFE];
	_ =	sdelay $0x1  }
0x8a: {  	s1 =	srdreg.scid  }
0x8b: {  	s0 =	sand.u32 $0x1, s1  }
0x8c: {  	s14 =	sshll.u32 s0, $0xA;
	s2 =	sadd.s32 s3, s2  }
0x8d: {  	s2 =	sadd.s32 s2, s14  }
0x8e: {  	[smem:$0x3FB9] =	sst s2  }
0x8f: {  	_ = 	snop  }
0x90: {  	s2 =	sld [smem:$0x3FD0];
	_ =	sdelay $0x2  }
0x91: {  	s15 =	simm.s32 $0xA;
	s4 =	simm.s32 $0x10  }
0x92: {  	[smem:s4], [sflag:s15] =	dma.local [hbm:s2], $0x1  }
0x93: {  	_ =	swait.eq [sflag:s15], $0x1  }
0x94: {  	[sflag:s15] =	ssyncset.done $0x0  }
0x95: {  	s16 =	sld [smem:$0x10];
	[sflag:s15] =	ssyncadd.s32 $0xFFFFFFFF  }
0x96: {  	s17 =	sld [smem:$0x11];
	(tm) =	ssettm $0x1  }
0x97: {  	s18 =	sld [smem:$0x3FFB];
	_ =	sdelay $0x3  }
0x98: {  	_ =	strace s18  }
0x99: {  	s4 =	sld [smem:$0x3FFC];
	_ =	sdelay $0x3  }
0x9a: {  	_ =	strace s4  }
0x9b: {  	s4 =	sld [smem:$0x3FFD];
	_ =	sdelay $0x3  }
0x9c: {  	_ =	strace s4  }
0x9d: {  	_ =	strace $0x8FFFFFFF  }
0x9e: {  	s19 =	sld [smem:$0x3FDB];
	_ =	sdelay $0x1  }
0x9f: {  	s5 =	simm.s32 $_scs_section_size  }
0xa0: {  	s6 =	simm.s32 $_size__tile_overlayer_lowered;
	s7 =	simm.s32 $_tile_overlayer_lowered  }
0xa1: {  	s22 =	simm.s32 $0x1BFF;
	s21 =	sshll.u32 s7, $0x1;
	s4 =	sadd.s32 s5, s19  }
0xa2: {  	s8 =	simm.s32 $0x0;
	s20 =	sshll.u32 s6, $0x1;
	s6 =	sadd.s32 s21, s4  }
0xa3: {  	[timem:s8], [sflag:s22] =	dma.local [hbm:s6], s20  }
0xa4: {  	_ =	swait.ge [sflag:s22], s20  }
0xa5: {  	s5 =	ssub.s32 $0x0, s20;
	[sflag:s22] =	ssyncset.done $0x0  }
0xa6: {  	[sflag:s22] =	ssyncadd.s32 s5;
	_ =	sdelay $0x1  }
0xa7: {  	s23 =	simm.s32 $0x1B8B  }
0xa8: {  	_ =	swait.ge [sflag:s23], $0x1  }
0xa9: {  	[sflag:s23] =	ssyncset.done $0x0  }
0xaa: {  	s25 =	simm.s32 $0x1B8E;
	s24 =	sld [smem:$0x3FFE];
	[sflag:s23] =	ssyncadd.s32 $0xFFFFFFFF  }
0xab: {  	s26 =	simm.s32 $execute0_lowered;
	[smem:$0x3FD2] =	sst s25  }
0xac: {  	s6 =	sshll.u32 s26, $0x1;
	_ =	strace $0x80000049;
	[dreg:$0x1] =	wrdreg $0xFFFFFFFF  }
0xad: {  	s28 =	simm.s32 $_size_execute0_lowered;
	s4 =	sadd.s32 s4, s6;
	[dreg:$0x0] =	wrdreg $0x0  }
0xae: {  	s6 =	sshll.u32 s28, $0x1;
	[dreg:$0x2] =	wrdreg s4  }
0xaf: {  	[dreg:$0x3] =	wrdreg s6  }
0xb0: {  	[dreg:$0x4] =	wrdreg $0xC0  }
0xb1: {  	_ =	task [dreg:s8], $0x5FFFF  }
0xb2: {  	[dreg:$0x1] =	wrdreg $0xFFFFFFFF  }
0xb3: {  	[dreg:$0x0] =	wrdreg $0x60  }
0xb4: {  	[dreg:$0x2] =	wrdreg s24  }
0xb5: {  	[dreg:$0x3] =	wrdreg s16  }
0xb6: {  	[dreg:$0x4] =	wrdreg s17  }
0xb7: {  	[dreg:$0x5] =	wrdreg $0x10D880  }
0xb8: {  	[dreg:$0x6] =	wrdreg $0x9  }
0xb9: {  	_ =	task.clear_ibuf [dreg:s8], $0x7FFFF;
	_ =	strace $0x90000049  }
0xba: {  	s29 =	simm.s32 $0x9;
	_ =	strace $0x8000004B  }
0xbb: {  	_ =	swait.ge [sflag:s29], $0x1  }
0xbc: {  	[sflag:s29] =	ssyncadd.s32 $0xFFFFFFFF  }
0xbd: {  	_ =	strace $0x9000004B  }
0xbe: {  	_ =	sfence  }
0xbf: {  	s30 =	sld [smem:$0x0];
	_ =	sdelay $0x2  }
0xc0: {  	s31 =	sshll.u32 s1, $0xD;
	s1 =	sshrl.u32 s1, $0x2  }
0xc1: {  	s3 =	sand.u32 $0x4000, s31;
	s1 =	sadd.s32 s1, s30  }
0xc2: {  	s0 =	sor.u32 s3, s0;
	s1 =	sshll.u32 s1, $0x11  }
0xc3: {  	s0 =	sor.u32 s1, s0  }
0xc4: {  	s0 =	sadd.s32 $0x8F2B, s0  }
0xc5: {  	[sflag:s0] =	ssyncadd.remote.s32 $0x1  }
0xc6: {  	_ =	sfence.sel $0xFFFF  }
0xc7: {  	[dreg:$0x0] =	wrdreg $0xFFFFFFFF;
	(pc) =	sbr.abs _section_cstart, $3  }
0xc8: {  	[dreg:$0x1] =	wrdreg $0xFFFFFFFF  }
0xc9: {  	_ =	task.clear_ibuf [dreg:s8], $0x2FFFF;
	_ =	strace $0x9FFFFFFF  }
0xca: {  	(tm) =	ssettm $0x7FFFFFFF  }
0xcb: {  	_ =	shalt  }
tec
execute0_lowered:
.L_overlay_start_1:
0x0: {  	(tag) =	ssettag $0x1  }
0x1: {  	s10 =	rddreg [dreg:$0x0]  }
0x2: {  	s6 =	rddreg [dreg:$0x1]  }
0x3: {  	s24 =	rddreg [dreg:$0x2]  }
0x4: {  	s2 =	rddreg [dreg:$0x3]  }
0x5: {  	s0 =	rddreg [dreg:$0x4];
	s4 =	srdreg.scid  }
0x6: {  	s1 =	stileid.u32;
	s3 =	simm.s32 $0x0;
	s28 =	sand.u32 $0x1, s4  }
0x7: {  	s26 =	smul.u32 $0x5000, s1;
	[smem:$0x7FF] =	sst s3;
	s4 =	sshll.u32 s28, $0x4  }
0x8: {  	s25 =	sshll.u32 s1, $0x6;
	_ =	strace $0x8000004A;
	s11 =	sor.u32 s1, s4  }
0x9: {  	s5 =	sshrl.u32 s26, $0x3;
	s8 =	sadd.s32 s26, s2;
	s7 =	smul.u32 $0x271, s11  }
0xa: {  	s29 =	sadd.s32 s5, s10;
	s5 =	sor.u32 $0x1C03, s25;
	s8 =	sshrl.u32 s8, $0x3  }
0xb: {  	s4 =	sadd.s32 $0xB1400, s29;
	s6 =	sadd.s32 s6, s7;
	s7 =	simm.s32 $0x5  }
0xc: {  	[spmem:s8], [sflag:s5] =	dma.local [hbm:s4], $0xA00  }
0xd: {  	[tilespmem:s3], [sflag:$0x5] =	stream.linear.gather [hbm4b:s6+s3], $0x1388, $0x38;
	[tilespmem:$0x15D88] =	vst v63  }
0xe: {  	_ =	swait.ge [sflag:s7], $0x1388  }
0xf: {  	[sflag:s7] =	ssyncset.done $0x0  }
0x10: {  	s9 =	simm.s32 $0x3;
	s12 =	smul.u32 $0x4E20, s11;
	[sflag:s7] =	ssyncadd.s32 $0xFFFFEC78  }
0x11: {  	s11 =	smul.u32 $0x27100, s11;
	_ =	swait.ge [sflag:s9], $0xA00  }
0x12: {  	s13 =	sadd.s32 $0x15000, s10;
	[sflag:s9] =	ssyncset.done $0x0  }
0x13: {  	s10 =	sadd.s32 s13, s12;
	s11 =	sshrl.u32 s11, $0x3;
	[sflag:s9] =	ssyncadd.s32 $0xFFFFF600  }
0x14: {  	s21 =	sadd.s32 s13, s11;
	s11 =	simm.s32 $0x1388;
	[bflag:$0x0] =	sbarrier.arrive $0xFFFF  }
0x15: {  	[tilespmem:s11], [sflag:$0x1] =	stream.linear.gather [hbm4b:s10+s3], $0x7D00, $0x38;
	[tilespmem:$0x15D88] =	vst v63  }
0x16: {  	s14 =	simm.s32 $0x1;
	s13 =	simm.s32 $0x9088;
	s12 =	sadd.s32 $0xFA0, s21  }
0x17: {  	[tilespmem:s13], [sflag:$0x2] =	stream.linear.gather [hbm4b:s12+s3], $0x7D00, $0x38;
	[tilespmem:$0x15D88] =	vst v63  }
0x18: {  	_ =	swait.ge [sflag:s14], $0x7D00  }
0x19: {  	[sflag:s14] =	ssyncset.done $0x0  }
0x1a: {  	s15 =	simm.s32 $0x3E8;
	[sflag:s14] =	ssyncadd.s32 $0xFFFF8300  }
0x1b: {  	[spmem:s2] =	stream.indirect.scatter.add.f32 [tilespmem:s11], [sflag:$0x3], $0x20, s3, s15, $0xb8;
	[tilespmem:$0x15D88] =	vst v63  }
0x1c: {  	_ =	swait.ge [sflag:s9], $0x7D00  }
0x1d: {  	[sflag:s9] =	ssyncset.done $0x0  }
0x1e: {  	s17 =	simm.s32 $0x2;
	s16 =	sadd.s32 $0x1F40, s21;
	[sflag:s9] =	ssyncadd.s32 $0xFFFF8300  }
0x1f: {  	[tilespmem:s11], [sflag:$0x1] =	stream.linear.gather [hbm4b:s16+s3], $0x7D00, $0x38;
	[tilespmem:$0x15D88] =	vst v63  }
0x20: {  	_ =	swait.ge [sflag:s17], $0x7D00  }
0x21: {  	[sflag:s17] =	ssyncset.done $0x0  }
0x22: {  	s18 =	simm.s32 $0x4;
	[sflag:s17] =	ssyncadd.s32 $0xFFFF8300  }
0x23: {  	[spmem:s2] =	stream.indirect.scatter.add.f32 [tilespmem:s13], [sflag:$0x4], $0x20, s15, s15, $0xb8;
	[tilespmem:$0x15D88] =	vst v63  }
0x24: {  	_ =	swait.ge [sflag:s18], $0x7D00  }
0x25: {  	[sflag:s18] =	ssyncset.done $0x0  }
0x26: {  	s19 =	sadd.s32 $0x2EE0, s21;
	[sflag:s18] =	ssyncadd.s32 $0xFFFF8300  }
0x27: {  	[tilespmem:s13], [sflag:$0x2] =	stream.linear.gather [hbm4b:s19+s3], $0x7D00, $0x38;
	[tilespmem:$0x15D88] =	vst v63  }
0x28: {  	_ =	swait.ge [sflag:s14], $0x7D00  }
0x29: {  	[sflag:s14] =	ssyncset.done $0x0  }
0x2a: {  	s20 =	simm.s32 $0x7D0;
	[sflag:s14] =	ssyncadd.s32 $0xFFFF8300  }
0x2b: {  	[spmem:s2] =	stream.indirect.scatter.add.f32 [tilespmem:s11], [sflag:$0x3], $0x20, s20, s15, $0xb8;
	[tilespmem:$0x15D88] =	vst v63  }
0x2c: {  	_ =	swait.ge [sflag:s9], $0x7D00  }
0x2d: {  	[sflag:s9] =	ssyncset.done $0x0  }
0x2e: {  	s21 =	sadd.s32 $0x3E80, s21;
	[sflag:s9] =	ssyncadd.s32 $0xFFFF8300  }
0x2f: {  	[tilespmem:s11], [sflag:$0x1] =	stream.linear.gather [hbm4b:s21+s3], $0x7D00, $0x38;
	[tilespmem:$0x15D88] =	vst v63  }
0x30: {  	_ =	swait.ge [sflag:s17], $0x7D00  }
0x31: {  	[sflag:s17] =	ssyncset.done $0x0  }
0x32: {  	s22 =	simm.s32 $0xBB8;
	[sflag:s17] =	ssyncadd.s32 $0xFFFF8300  }
0x33: {  	[spmem:s2] =	stream.indirect.scatter.add.f32 [tilespmem:s13], [sflag:$0x4], $0x20, s22, s15, $0xb8;
	[tilespmem:$0x15D88] =	vst v63  }
0x34: {  	_ =	swait.ge [sflag:s14], $0x7D00  }
0x35: {  	[sflag:s14] =	ssyncset.done $0x0  }
0x36: {  	s23 =	simm.s32 $0xFA0;
	[sflag:s14] =	ssyncadd.s32 $0xFFFF8300  }
0x37: {  	[spmem:s2] =	stream.indirect.scatter.add.f32 [tilespmem:s11], [sflag:$0x3], $0x20, s23, s15, $0xb8;
	[tilespmem:$0x15D88] =	vst v63  }
0x38: {  	s29 =	smul.u32 $0x50000, s28;
	s28 =	ssub.s32 $0x2, s28;
	_ =	swait.ge [sflag:s18], $0x7D00  }
0x39: {  	s30 =	sshrl.u32 s28, $0x1;
	[sflag:s18] =	ssyncset.done $0x0  }
0x3a: {  	s28 =	ssub.s32 s28, s30;
	[sflag:s18] =	ssyncadd.s32 $0xFFFF8300  }
0x3b: {  	s31 =	smax.u32 s28, $0x1;
	_ =	swait.ge [sflag:s9], $0x7D00  }
0x3c: {  	s26 =	sadd.s32 s26, s29;
	p0 =	sne.s32 s31, $0x1;
	[sflag:s9] =	ssyncset.done $0x0  }
.Ltmp0:
0x3d: {  	s26 =	sshrl.u32 s26, $0x3;
	[sflag:s9] =	ssyncadd.s32 $0xFFFF8300;
	(pc) =	sbr.rel @!p0 .LBB2_2-.Ltmp0, $4  }
0x3e: {  	s25 =	sor.u32 $0x1C05, s25;
	s24 =	sadd.s32 s24, s26;
	[bflag:$0x0] =	sbarrier.arrive $0xFFFF  }
0x3f: {  	[hbm:s24], [sflag:s25] =	dma.local [spmem:s8], $0xA00  }
0x40: {  	_ =	swait.ge [sflag:s7], $0xA00  }
0x41: {  	s26 =	sadd.s32 $0xFFFFFFFF, s31;
	[sflag:s7] =	ssyncset.done $0x0  }
.LBB2_1:
0x42: {  	p0 =	sne.s32 s26, $0x1;
	s26 =	sadd.s32 $0xFFFFFFFF, s26;
	[sflag:s7] =	ssyncadd.s32 $0xFFFFF600  }
0x43: {  	[spmem:s8], [sflag:s5] =	dma.local [hbm:s4], $0xA00  }
0x44: {  	[tilespmem:s3], [sflag:$0x5] =	stream.linear.gather [hbm4b:s6+s3], $0x1388, $0x38;
	[tilespmem:$0x15D88] =	vst v63  }
0x45: {  	_ =	swait.ge [sflag:s7], $0x1388  }
0x46: {  	[sflag:s7] =	ssyncset.done $0x0  }
0x47: {  	[sflag:s7] =	ssyncadd.s32 $0xFFFFEC78  }
0x48: {  	_ =	swait.ge [sflag:s9], $0xA00  }
0x49: {  	[sflag:s9] =	ssyncset.done $0x0  }
0x4a: {  	[sflag:s9] =	ssyncadd.s32 $0xFFFFF600  }
0x4b: {  	[bflag:$0x0] =	sbarrier.arrive $0xFFFF  }
0x4c: {  	[tilespmem:s11], [sflag:$0x1] =	stream.linear.gather [hbm4b:s10+s3], $0x7D00, $0x38;
	[tilespmem:$0x15D88] =	vst v63  }
0x4d: {  	_ = 	snop  }
0x4e: {  	[tilespmem:s13], [sflag:$0x2] =	stream.linear.gather [hbm4b:s12+s3], $0x7D00, $0x38;
	[tilespmem:$0x15D88] =	vst v63  }
0x4f: {  	_ =	swait.ge [sflag:s14], $0x7D00  }
0x50: {  	[sflag:s14] =	ssyncset.done $0x0  }
0x51: {  	[sflag:s14] =	ssyncadd.s32 $0xFFFF8300  }
0x52: {  	[spmem:s2] =	stream.indirect.scatter.add.f32 [tilespmem:s11], [sflag:$0x3], $0x20, s3, s15, $0xb8;
	[tilespmem:$0x15D88] =	vst v63  }
0x53: {  	_ =	swait.ge [sflag:s9], $0x7D00  }
0x54: {  	[sflag:s9] =	ssyncset.done $0x0  }
0x55: {  	[sflag:s9] =	ssyncadd.s32 $0xFFFF8300  }
0x56: {  	[tilespmem:s11], [sflag:$0x1] =	stream.linear.gather [hbm4b:s16+s3], $0x7D00, $0x38;
	[tilespmem:$0x15D88] =	vst v63  }
0x57: {  	_ =	swait.ge [sflag:s17], $0x7D00  }
0x58: {  	[sflag:s17] =	ssyncset.done $0x0  }
0x59: {  	[sflag:s17] =	ssyncadd.s32 $0xFFFF8300  }
0x5a: {  	[spmem:s2] =	stream.indirect.scatter.add.f32 [tilespmem:s13], [sflag:$0x4], $0x20, s15, s15, $0xb8;
	[tilespmem:$0x15D88] =	vst v63  }
0x5b: {  	_ =	swait.ge [sflag:s18], $0x7D00  }
0x5c: {  	[sflag:s18] =	ssyncset.done $0x0  }
0x5d: {  	[sflag:s18] =	ssyncadd.s32 $0xFFFF8300  }
0x5e: {  	[tilespmem:s13], [sflag:$0x2] =	stream.linear.gather [hbm4b:s19+s3], $0x7D00, $0x38;
	[tilespmem:$0x15D88] =	vst v63  }
0x5f: {  	_ =	swait.ge [sflag:s14], $0x7D00  }
0x60: {  	[sflag:s14] =	ssyncset.done $0x0  }
0x61: {  	[sflag:s14] =	ssyncadd.s32 $0xFFFF8300  }
0x62: {  	[spmem:s2] =	stream.indirect.scatter.add.f32 [tilespmem:s11], [sflag:$0x3], $0x20, s20, s15, $0xb8;
	[tilespmem:$0x15D88] =	vst v63  }
0x63: {  	_ =	swait.ge [sflag:s9], $0x7D00  }
0x64: {  	[sflag:s9] =	ssyncset.done $0x0  }
0x65: {  	[sflag:s9] =	ssyncadd.s32 $0xFFFF8300  }
0x66: {  	[tilespmem:s11], [sflag:$0x1] =	stream.linear.gather [hbm4b:s21+s3], $0x7D00, $0x38;
	[tilespmem:$0x15D88] =	vst v63  }
0x67: {  	_ =	swait.ge [sflag:s17], $0x7D00  }
0x68: {  	[sflag:s17] =	ssyncset.done $0x0  }
0x69: {  	[sflag:s17] =	ssyncadd.s32 $0xFFFF8300  }
0x6a: {  	[spmem:s2] =	stream.indirect.scatter.add.f32 [tilespmem:s13], [sflag:$0x4], $0x20, s22, s15, $0xb8;
	[tilespmem:$0x15D88] =	vst v63  }
0x6b: {  	_ =	swait.ge [sflag:s14], $0x7D00  }
0x6c: {  	[sflag:s14] =	ssyncset.done $0x0  }
0x6d: {  	[sflag:s14] =	ssyncadd.s32 $0xFFFF8300  }
0x6e: {  	[spmem:s2] =	stream.indirect.scatter.add.f32 [tilespmem:s11], [sflag:$0x3], $0x20, s23, s15, $0xb8;
	[tilespmem:$0x15D88] =	vst v63  }
0x6f: {  	_ =	swait.ge [sflag:s18], $0x7D00  }
0x70: {  	[sflag:s18] =	ssyncset.done $0x0  }
0x71: {  	[sflag:s18] =	ssyncadd.s32 $0xFFFF8300  }
0x72: {  	_ =	swait.ge [sflag:s9], $0x7D00  }
0x73: {  	[sflag:s9] =	ssyncset.done $0x0  }
.Ltmp1:
0x74: {  	[sflag:s9] =	ssyncadd.s32 $0xFFFF8300;
	(pc) =	sbr.rel @p0 .LBB2_1-.Ltmp1, $4  }
0x75: {  	[bflag:$0x0] =	sbarrier.arrive $0xFFFF  }
0x76: {  	[hbm:s24], [sflag:s25] =	dma.local [spmem:s8], $0xA00  }
0x77: {  	_ =	swait.ge [sflag:s7], $0xA00  }
0x78: {  	[sflag:s7] =	ssyncset.done $0x0  }
.LBB2_2:
0x79: {  	[sflag:s7] =	ssyncadd.s32 $0xFFFFF600  }
0x7a: {  	_ =	sfence.sel $0x180000  }
0x7b: {  	[bflag:$0x0] =	sbarrier.arrive $0xFFFF  }
0x7c: {  	p0 =	sne.s32 s1, $0x0;
	_ =	strace $0x9000004A  }
0x7d: {  	s0 =	sadd.s32 @!p0 $0x100000, s0;
	[bflag:$0x2] =	sbarrier.arrive $0xFFFF  }
0x7e: {  	[sflag:s0] =	ssyncadd.tile.s32 @!p0 $0x1;
	_ =	shalt  }
.Lfunc_end2:
_tile_overlayer_lowered:
.L_overlay_start_2:
0x7f: {  	(tag) =	ssettag $0x2  }
0x80: {  	s0 =	rddreg [dreg:$0x0];
	s2 =	stileid.u32  }
0x81: {  	s1 =	rddreg [dreg:$0x1];
	p0 =	sne.s32 s2, $0x0  }
0x82: {  	s3 =	rddreg [dreg:$0x2];
	[bflag:$0x3] =	sbarrier.arrive $0xFFFF;
	s2 =	simm.s32 @!p0 $0x1C05  }
0x83: {  	[timem:s3], [sflag:s2] =	dma.local @!p0 [hbm:s0], s1  }
0x84: {  	s0 =	simm.s32 @!p0 $0x5  }
0x85: {  	_ =	swait.ge @!p0 [sflag:s0], s1  }
0x86: {  	s1 =	ssub.s32 @!p0 $0x0, s1;
	[sflag:s0] =	ssyncset.done @!p0 $0x0  }
0x87: {  	[sflag:s0] =	ssyncadd.s32 @!p0 s1  }
0x88: {  	[bflag:$0x3] =	sbarrier.arrive $0xFFFF  }
0x89: {  	_ =	shalt  }

// kernel: kernel.22.cloned.1.call-start
scs
__scs_entry_jumppad:
0x0: {  	(pc) =	sbr.rel $0x88, $3  }
0x1: {  	(tag) =	ssettag $0x0;
	lr =	simm.s32 $0x1  }
0x2: {  	[smem:$0x3F92] =	sst lr;
	_ =	strace $0xD0000000  }
0x3: {  	_ = 	snop  }
0x4: {  	_ = 	snop  }
0x5: {  	_ = 	snop  }
0x6: {  	_ = 	snop  }
0x7: {  	_ = 	snop  }
__scs_overlays_trampoline_lowered:
0x8: {  	[smem:$0x3FA1] =	sst s0  }
0x9: {  	[smem:$0x3FA2] =	sst s1  }
0xa: {  	[smem:$0x3FA3] =	sst s2  }
0xb: {  	[smem:$0x3FA4] =	sst s3  }
0xc: {  	[smem:$0x3FA5] =	sst s4  }
0xd: {  	[smem:$0x3FA6] =	sst s5  }
0xe: {  	[smem:$0x3FA7] =	sst s6  }
0xf: {  	[smem:$0x3FA8] =	sst s7  }
0x10: {  	[smem:$0x3FA9] =	sst s8  }
0x11: {  	[smem:$0x3FAA] =	sst s9;
	s0 =	simm.s32 @!p0 $0x0  }
0x12: {  	s1 =	sld [smem:$0x3F90];
	s0 =	simm.s32 @p0 $0x1  }
0x13: {  	[smem:$0x3FAB] =	sst s0;
	s0 =	simm.s32 @!p1 $0x0  }
0x14: {  	s2 =	sld [smem:$0x3F8F];
	s0 =	simm.s32 @p1 $0x1  }
0x15: {  	[smem:$0x3FAC] =	sst s0;
	s0 =	simm.s32 @!p2 $0x0  }
0x16: {  	s3 =	sld [smem:$0x3FDB];
	s0 =	simm.s32 @p2 $0x1  }
0x17: {  	s4 =	simm.s32 $0x1BF5;
	[smem:$0x3FAE] =	sst s0  }
0x18: {  	s0 =	sld [smem:$0x3F91];
	_ =	swait.ge [sflag:s4], $0x0  }
0x19: {  	s7 =	sld [smem:$0x3F92]  }
0x1a: {  	s8 =	sadd.s32 $0xFFFFE003, lr  }
0x1b: {  	s9 =	sadd.s32 $0xFFFFFEF7, lr;
	s5 =	simm.s32 $0xFFFFFFFF;
	p2 =	slt.u32 s8, $0xFFFFF086  }
0x1c: {  	p1 =	slt.u32 s9, $0xF7A;
	s5 =	simm.s32 @!p2 $0x0  }
0x1d: {  	s5 =	simm.s32 @p1 $0x1;
	p0 =	seq.s32 s7, s2  }
0x1e: {  	s7 =	smul.u32 @!p0 $0xF7A, s2;
	p2 =	seq.s32 @!p0 s5, $0x0  }
0x1f: {  	s9 =	smul.u32 $0xF7A, s1;
	s8 =	simm.s32 @!p0 $0x1BF5;
	p2 =	por !p2, p0  }
0x20: {  	[sflag:s8] =	ssyncset.s32 @!p0 $0xFFFFF086;
	s6 =	sadd.s32 @!p0 s3, s7;
	s7 =	simm.s32 @!p0 $0x108  }
0x21: {  	s3 =	sadd.s32 s3, s9;
	s6 =	sadd.s32 @!p0 $0x88, s6;
	s7 =	simm.s32 @p2 $0x1082  }
0x22: {  	[simem:s7], [sflag:s8] =	dma.local @!p0 [hbm:s6], $0xF7A  }
0x23: {  	s9 =	sor.u32 $0xD0000000, s2;
	s6 =	simm.s32 $0x108;
	_ =	swait.ge @!p0 [sflag:s8], $0x0  }
0x24: {  	s3 =	sadd.s32 $0x88, s3;
	s6 =	simm.s32 @!p1 $0x1082;
	[sflag:s4] =	ssyncset.s32 $0xFFFFF086  }
0x25: {  	[simem:s6], [sflag:s4] =	dma.local [hbm:s3], $0xF7A  }
0x26: {  	[smem:$0x3F92] =	sst s1;
	(tag) =	ssettag s2;
	_ =	strace s9  }
0x27: {  	s1 =	sld [smem:$0x3FA2]  }
0x28: {  	s2 =	sld [smem:$0x3FA3]  }
0x29: {  	s4 =	sld [smem:$0x3FA5]  }
0x2a: {  	p0 =	seq.s32 s5, $0x0;
	s5 =	sld [smem:$0x3FA6]  }
0x2b: {  	s6 =	sld [smem:$0x3FA7]  }
0x2c: {  	s7 =	sld [smem:$0x3FA8]  }
0x2d: {  	s3 =	simm.s32 $0x108;
	s8 =	sld [smem:$0x3FA9]  }
0x2e: {  	s3 =	simm.s32 @!p0 $0x1082;
	s9 =	sld [smem:$0x3FAA]  }
0x2f: {  	lr =	sadd.s32 s0, s3;
	s0 =	sld [smem:$0x3FA1]  }
0x30: {  	s3 =	sld [smem:$0x3FA4]  }
0x31: {  	[smem:$0x3FAD] =	sst s10  }
0x32: {  	s10 =	sld [smem:$0x3FAB];
	_ =	sdelay $0x3  }
0x33: {  	p0 =	seq.s32 s10, $0x1;
	s10 =	sld [smem:$0x3FAD];
	_ =	sdelay $0x3  }
0x34: {  	[smem:$0x3FAD] =	sst s10  }
0x35: {  	s10 =	sld [smem:$0x3FAC];
	_ =	sdelay $0x3  }
0x36: {  	p1 =	seq.s32 s10, $0x1;
	s10 =	sld [smem:$0x3FAD];
	_ =	sdelay $0x3  }
0x37: {  	[smem:$0x3FAD] =	sst s10  }
0x38: {  	s10 =	sld [smem:$0x3FAE]  }
0x39: {  	_ = 	snop;
	(pc) =	sbr.ind lr, $3  }
0x3a: {  	_ = 	snop  }
0x3b: {  	_ = 	snop  }
0x3c: {  	p2 =	seq.s32 s10, $0x1;
	s10 =	sld [smem:$0x3FAD]  }
0x3d: {  	_ =	shalt  }
0x3e: {  	_ =	shalt  }
0x3f: {  	_ =	shalt  }
0x40: {  	_ =	shalt  }
0x41: {  	_ =	shalt  }
0x42: {  	_ =	shalt  }
0x43: {  	_ =	shalt  }
0x44: {  	_ =	shalt  }
0x45: {  	_ =	shalt  }
0x46: {  	_ =	shalt  }
0x47: {  	_ =	shalt  }
0x48: {  	_ =	shalt  }
0x49: {  	_ =	shalt  }
0x4a: {  	_ =	shalt  }
0x4b: {  	_ =	shalt  }
0x4c: {  	_ =	shalt  }
0x4d: {  	_ =	shalt  }
0x4e: {  	_ =	shalt  }
0x4f: {  	_ =	shalt  }
0x50: {  	_ =	shalt  }
0x51: {  	_ =	shalt  }
0x52: {  	_ =	shalt  }
0x53: {  	_ =	shalt  }
0x54: {  	_ =	shalt  }
0x55: {  	_ =	shalt  }
0x56: {  	_ =	shalt  }
0x57: {  	_ =	shalt  }
0x58: {  	_ =	shalt  }
0x59: {  	_ =	shalt  }
0x5a: {  	_ =	shalt  }
0x5b: {  	_ =	shalt  }
0x5c: {  	_ =	shalt  }
0x5d: {  	_ =	shalt  }
0x5e: {  	_ =	shalt  }
0x5f: {  	_ =	shalt  }
0x60: {  	_ =	shalt  }
0x61: {  	_ =	shalt  }
0x62: {  	_ =	shalt  }
0x63: {  	_ =	shalt  }
0x64: {  	_ =	shalt  }
0x65: {  	_ =	shalt  }
0x66: {  	_ =	shalt  }
0x67: {  	_ =	shalt  }
0x68: {  	_ =	shalt  }
0x69: {  	_ =	shalt  }
0x6a: {  	_ =	shalt  }
0x6b: {  	_ =	shalt  }
0x6c: {  	_ =	shalt  }
0x6d: {  	_ =	shalt  }
0x6e: {  	_ =	shalt  }
0x6f: {  	_ =	shalt  }
0x70: {  	_ =	shalt  }
0x71: {  	_ =	shalt  }
0x72: {  	_ =	shalt  }
0x73: {  	_ =	shalt  }
0x74: {  	_ =	shalt  }
0x75: {  	_ =	shalt  }
0x76: {  	_ =	shalt  }
0x77: {  	_ =	shalt  }
0x78: {  	_ =	shalt  }
0x79: {  	_ =	shalt  }
0x7a: {  	_ =	shalt  }
0x7b: {  	_ =	shalt  }
0x7c: {  	_ =	shalt  }
0x7d: {  	_ =	shalt  }
0x7e: {  	_ =	shalt  }
0x7f: {  	_ =	shalt  }
0x80: {  	_ =	shalt  }
0x81: {  	_ =	shalt  }
0x82: {  	_ =	shalt  }
0x83: {  	_ =	shalt  }
0x84: {  	_ =	shalt  }
0x85: {  	_ =	shalt  }
0x86: {  	_ =	shalt  }
0x87: {  	_ =	shalt  }
.Lfunc_end0:
.L_simem_size_0:
called_computation.2_lowered:
.L_overlay_start_0:
0x88: {  	s2 =	sld [smem:$0x3FD9]  }
0x89: {  	s3 =	sld [smem:$0x3FFE];
	_ =	sdelay $0x1  }
0x8a: {  	s1 =	srdreg.scid  }
0x8b: {  	s0 =	sand.u32 $0x1, s1  }
0x8c: {  	s16 =	sshll.u32 s0, $0xA;
	s2 =	sadd.s32 s3, s2  }
0x8d: {  	s2 =	sadd.s32 s2, s16  }
0x8e: {  	[smem:$0x3FB9] =	sst s2  }
0x8f: {  	_ = 	snop  }
0x90: {  	(tm) =	ssettm $0x1  }
0x91: {  	s17 =	sld [smem:$0x3FFB];
	_ =	sdelay $0x3  }
0x92: {  	_ =	strace s17  }
0x93: {  	s2 =	sld [smem:$0x3FFC];
	_ =	sdelay $0x3  }
0x94: {  	_ =	strace s2  }
0x95: {  	s2 =	sld [smem:$0x3FFD];
	_ =	sdelay $0x3  }
0x96: {  	_ =	strace s2  }
0x97: {  	_ =	strace $0x8FFFFFFF  }
0x98: {  	s18 =	sld [smem:$0x3FDB];
	_ =	sdelay $0x1  }
0x99: {  	s19 =	simm.s32 $_scs_section_size  }
0x9a: {  	s4 =	simm.s32 $_size__tile_overlayer_lowered;
	s5 =	simm.s32 $_tile_overlayer_lowered  }
0x9b: {  	s22 =	simm.s32 $0x1BFF;
	s21 =	sshll.u32 s5, $0x1;
	s2 =	sadd.s32 s19, s18  }
0x9c: {  	s6 =	simm.s32 $0x0;
	s20 =	sshll.u32 s4, $0x1;
	s4 =	sadd.s32 s21, s2  }
0x9d: {  	[timem:s6], [sflag:s22] =	dma.local [hbm:s4], s20  }
0x9e: {  	_ =	swait.ge [sflag:s22], s20  }
0x9f: {  	s3 =	ssub.s32 $0x0, s20;
	[sflag:s22] =	ssyncset.done $0x0  }
0xa0: {  	[sflag:s22] =	ssyncadd.s32 s3;
	_ =	sdelay $0x1  }
0xa1: {  	s23 =	simm.s32 $0x1B8B  }
0xa2: {  	_ =	swait.ge [sflag:s23], $0x1  }
0xa3: {  	[sflag:s23] =	ssyncset.done $0x0  }
0xa4: {  	s25 =	simm.s32 $0x1B8E;
	s24 =	sld [smem:$0x3FFE];
	[sflag:s23] =	ssyncadd.s32 $0xFFFFFFFF  }
0xa5: {  	s26 =	simm.s32 $execute0_lowered;
	[smem:$0x3FD2] =	sst s25  }
0xa6: {  	s4 =	sshll.u32 s26, $0x1;
	_ =	strace $0x8000004C;
	[dreg:$0x1] =	wrdreg $0xFFFFFFFF  }
0xa7: {  	s28 =	simm.s32 $_size_execute0_lowered;
	s2 =	sadd.s32 s2, s4;
	[dreg:$0x0] =	wrdreg $0x0  }
0xa8: {  	s4 =	sshll.u32 s28, $0x1;
	[dreg:$0x2] =	wrdreg s2  }
0xa9: {  	[dreg:$0x3] =	wrdreg s4  }
0xaa: {  	[dreg:$0x4] =	wrdreg $0xC0  }
0xab: {  	_ =	task [dreg:s6], $0x5FFFF  }
0xac: {  	[dreg:$0x1] =	wrdreg $0xFFFFFFFF  }
0xad: {  	[dreg:$0x0] =	wrdreg $0x60  }
0xae: {  	[dreg:$0x2] =	wrdreg s24  }
0xaf: {  	[dreg:$0x3] =	wrdreg $0x9  }
0xb0: {  	_ =	task.clear_ibuf [dreg:s6], $0x4FFFF;
	_ =	strace $0x9000004C  }
0xb1: {  	s29 =	simm.s32 $0x9;
	_ =	strace $0x8000004E  }
0xb2: {  	_ =	swait.ge [sflag:s29], $0x1  }
0xb3: {  	[sflag:s29] =	ssyncadd.s32 $0xFFFFFFFF  }
0xb4: {  	_ =	strace $0x9000004E  }
0xb5: {  	_ =	sfence  }
0xb6: {  	s30 =	sld [smem:$0x0];
	_ =	sdelay $0x2  }
0xb7: {  	s31 =	sshll.u32 s1, $0xD;
	s1 =	sshrl.u32 s1, $0x2  }
0xb8: {  	s3 =	sand.u32 $0x4000, s31;
	s1 =	sadd.s32 s1, s30  }
0xb9: {  	s0 =	sor.u32 s3, s0;
	s1 =	sshll.u32 s1, $0x11  }
0xba: {  	s0 =	sor.u32 s1, s0  }
0xbb: {  	s0 =	sadd.s32 $0x8F2B, s0  }
0xbc: {  	[sflag:s0] =	ssyncadd.remote.s32 $0x1  }
0xbd: {  	_ =	sfence.sel $0xFFFF  }
0xbe: {  	[dreg:$0x0] =	wrdreg $0xFFFFFFFF;
	(pc) =	sbr.abs _section_cstart, $3  }
0xbf: {  	[dreg:$0x1] =	wrdreg $0xFFFFFFFF  }
0xc0: {  	_ =	task.clear_ibuf [dreg:s6], $0x2FFFF;
	_ =	strace $0x9FFFFFFF  }
0xc1: {  	(tm) =	ssettm $0x7FFFFFFF  }
tec
execute0_lowered:
.L_overlay_start_1:
0x0: {  	(tag) =	ssettag $0x1  }
0x1: {  	s0 =	srdreg.scid  }
0x2: {  	s20 =	sand.u32 $0x1, s0  }
0x3: {  	s0 =	stileid.u32;
	s1 =	sshll.u32 s20, $0x4  }
0x4: {  	s12 =	sor.u32 s0, s1  }
0x5: {  	s3 =	smul.u32 $0x271, s12  }
0x6: {  	s10 =	rddreg [dreg:$0x0];
	s2 =	simm.s32 $0x0  }
0x7: {  	s4 =	simm.s32 $0x5;
	[smem:$0x7FF] =	sst s2;
	s3 =	sadd.s32 s3, s10  }
0x8: {  	s1 =	rddreg [dreg:$0x1];
	_ =	strace $0x8000004D;
	s3 =	sadd.s32 $0x6000, s3  }
0x9: {  	[tilespmem:s2], [sflag:$0x5] =	stream.linear.gather [hbm4b:s3+s2], $0x1388, $0x38;
	[tilespmem:$0x10D88] =	vst v63  }
0xa: {  	_ =	swait.ge [sflag:s4], $0x1388  }
0xb: {  	s6 =	simm.s32 $0x3E8;
	[sflag:s4] =	ssyncset.done $0x0  }
0xc: {  	s7 =	simm.s32 $0x1388;
	s5 =	sadd.s32 $0xB000, s10;
	[sflag:s4] =	ssyncadd.s32 $0xFFFFEC78  }
0xd: {  	[tilespmem:s7], [sflag:$0x1] =	stream.indirect.gather [hbm4b:s5+s6], $0x20, s2, s6, $0xb8;
	[tilespmem:$0x10D88] =	vst v63  }
0xe: {  	s8 =	simm.s32 $0x9088;
	s9 =	simm.s32 $0x1  }
0xf: {  	[tilespmem:s8], [sflag:$0x2] =	stream.indirect.gather [hbm4b:s5+s6], $0x20, s6, s6, $0xb8;
	[tilespmem:$0x10D88] =	vst v63  }
0x10: {  	s11 =	smul.u32 $0x4E20, s12;
	_ =	swait.ge [sflag:s9], $0x7D00  }
0x11: {  	s14 =	sadd.s32 $0x15000, s10;
	[sflag:s9] =	ssyncset.done $0x0  }
0x12: {  	s11 =	sadd.s32 s14, s11;
	s10 =	simm.s32 $0x3;
	[sflag:s9] =	ssyncadd.s32 $0xFFFF8300  }
0x13: {  	[hbm4b:s11+s2] =	stream.linear.scatter [tilespmem:s7], [sflag:$0x3], $0x7D00, $0x38;
	[tilespmem:$0x10D88] =	vst v63  }
0x14: {  	_ =	swait.ge [sflag:s10], $0x7D00  }
0x15: {  	s13 =	simm.s32 $0x2;
	[sflag:s10] =	ssyncset.done $0x0  }
0x16: {  	s15 =	smul.u32 $0x27100, s12;
	s12 =	simm.s32 $0x7D0;
	[sflag:s10] =	ssyncadd.s32 $0xFFFF8300  }
0x17: {  	[tilespmem:s7], [sflag:$0x1] =	stream.indirect.gather [hbm4b:s5+s6], $0x20, s12, s6, $0xb8;
	[tilespmem:$0x10D88] =	vst v63  }
0x18: {  	s15 =	sshrl.u32 s15, $0x3;
	_ =	swait.ge [sflag:s13], $0x7D00  }
0x19: {  	s21 =	sadd.s32 s14, s15;
	[sflag:s13] =	ssyncset.done $0x0  }
0x1a: {  	s15 =	simm.s32 $0x4;
	s14 =	sadd.s32 $0xFA0, s21;
	[sflag:s13] =	ssyncadd.s32 $0xFFFF8300  }
0x1b: {  	[hbm4b:s14+s2] =	stream.linear.scatter [tilespmem:s8], [sflag:$0x4], $0x7D00, $0x38;
	[tilespmem:$0x10D88] =	vst v63  }
0x1c: {  	_ =	swait.ge [sflag:s15], $0x7D00  }
0x1d: {  	[sflag:s15] =	ssyncset.done $0x0  }
0x1e: {  	s16 =	simm.s32 $0xBB8;
	[sflag:s15] =	ssyncadd.s32 $0xFFFF8300  }
0x1f: {  	[tilespmem:s8], [sflag:$0x2] =	stream.indirect.gather [hbm4b:s5+s6], $0x20, s16, s6, $0xb8;
	[tilespmem:$0x10D88] =	vst v63  }
0x20: {  	_ =	swait.ge [sflag:s9], $0x7D00  }
0x21: {  	[sflag:s9] =	ssyncset.done $0x0  }
0x22: {  	s17 =	sadd.s32 $0x1F40, s21;
	[sflag:s9] =	ssyncadd.s32 $0xFFFF8300  }
0x23: {  	[hbm4b:s17+s2] =	stream.linear.scatter [tilespmem:s7], [sflag:$0x3], $0x7D00, $0x38;
	[tilespmem:$0x10D88] =	vst v63  }
0x24: {  	_ =	swait.ge [sflag:s10], $0x7D00  }
0x25: {  	[sflag:s10] =	ssyncset.done $0x0  }
0x26: {  	s18 =	simm.s32 $0xFA0;
	[sflag:s10] =	ssyncadd.s32 $0xFFFF8300  }
0x27: {  	[tilespmem:s7], [sflag:$0x1] =	stream.indirect.gather [hbm4b:s5+s6], $0x20, s18, s6, $0xb8;
	[tilespmem:$0x10D88] =	vst v63  }
0x28: {  	_ =	swait.ge [sflag:s13], $0x7D00  }
0x29: {  	s22 =	ssub.s32 $0x2, s20;
	[sflag:s13] =	ssyncset.done $0x0  }
0x2a: {  	s31 =	sshrl.u32 s22, $0x1;
	s19 =	sadd.s32 $0x2EE0, s21;
	[sflag:s13] =	ssyncadd.s32 $0xFFFF8300  }
0x2b: {  	[hbm4b:s19+s2] =	stream.linear.scatter [tilespmem:s8], [sflag:$0x4], $0x7D00, $0x38;
	[tilespmem:$0x10D88] =	vst v63  }
0x2c: {  	s20 =	sadd.s32 $0x3E80, s21;
	s21 =	ssub.s32 s22, s31;
	_ =	swait.ge [sflag:s9], $0x7D00  }
0x2d: {  	s21 =	smax.u32 s21, $0x1;
	[sflag:s9] =	ssyncset.done $0x0  }
0x2e: {  	p0 =	sne.s32 s21, $0x1;
	[sflag:s9] =	ssyncadd.s32 $0xFFFF8300  }
0x2f: {  	[hbm4b:s20+s2] =	stream.linear.scatter [tilespmem:s7], [sflag:$0x3], $0x7D00, $0x38;
	[tilespmem:$0x10D88] =	vst v63  }
.Ltmp0:
0x30: {  	_ =	swait.ge [sflag:s15], $0x7D00;
	(pc) =	sbr.rel @!p0 .LBB2_2-.Ltmp0, $4  }
0x31: {  	[sflag:s15] =	ssyncset.done $0x0  }
0x32: {  	[sflag:s15] =	ssyncadd.s32 $0xFFFF8300  }
0x33: {  	_ =	swait.ge [sflag:s10], $0x7D00  }
0x34: {  	s21 =	sadd.s32 $0xFFFFFFFF, s21;
	[sflag:s10] =	ssyncset.done $0x0  }
.LBB2_1:
0x35: {  	p0 =	sne.s32 s21, $0x1;
	s21 =	sadd.s32 $0xFFFFFFFF, s21;
	[sflag:s10] =	ssyncadd.s32 $0xFFFF8300  }
0x36: {  	[tilespmem:s2], [sflag:$0x5] =	stream.linear.gather [hbm4b:s3+s2], $0x1388, $0x38;
	[tilespmem:$0x10D88] =	vst v63  }
0x37: {  	_ =	swait.ge [sflag:s4], $0x1388  }
0x38: {  	[sflag:s4] =	ssyncset.done $0x0  }
0x39: {  	[sflag:s4] =	ssyncadd.s32 $0xFFFFEC78  }
0x3a: {  	[tilespmem:s7], [sflag:$0x1] =	stream.indirect.gather [hbm4b:s5+s6], $0x20, s2, s6, $0xb8;
	[tilespmem:$0x10D88] =	vst v63  }
0x3b: {  	_ = 	snop  }
0x3c: {  	[tilespmem:s8], [sflag:$0x2] =	stream.indirect.gather [hbm4b:s5+s6], $0x20, s6, s6, $0xb8;
	[tilespmem:$0x10D88] =	vst v63  }
0x3d: {  	_ =	swait.ge [sflag:s9], $0x7D00  }
0x3e: {  	[sflag:s9] =	ssyncset.done $0x0  }
0x3f: {  	[sflag:s9] =	ssyncadd.s32 $0xFFFF8300  }
0x40: {  	[hbm4b:s11+s2] =	stream.linear.scatter [tilespmem:s7], [sflag:$0x3], $0x7D00, $0x38;
	[tilespmem:$0x10D88] =	vst v63  }
0x41: {  	_ =	swait.ge [sflag:s10], $0x7D00  }
0x42: {  	[sflag:s10] =	ssyncset.done $0x0  }
0x43: {  	[sflag:s10] =	ssyncadd.s32 $0xFFFF8300  }
0x44: {  	[tilespmem:s7], [sflag:$0x1] =	stream.indirect.gather [hbm4b:s5+s6], $0x20, s12, s6, $0xb8;
	[tilespmem:$0x10D88] =	vst v63  }
0x45: {  	_ =	swait.ge [sflag:s13], $0x7D00  }
0x46: {  	[sflag:s13] =	ssyncset.done $0x0  }
0x47: {  	[sflag:s13] =	ssyncadd.s32 $0xFFFF8300  }
0x48: {  	[hbm4b:s14+s2] =	stream.linear.scatter [tilespmem:s8], [sflag:$0x4], $0x7D00, $0x38;
	[tilespmem:$0x10D88] =	vst v63  }
0x49: {  	_ =	swait.ge [sflag:s15], $0x7D00  }
0x4a: {  	[sflag:s15] =	ssyncset.done $0x0  }
0x4b: {  	[sflag:s15] =	ssyncadd.s32 $0xFFFF8300  }
0x4c: {  	[tilespmem:s8], [sflag:$0x2] =	stream.indirect.gather [hbm4b:s5+s6], $0x20, s16, s6, $0xb8;
	[tilespmem:$0x10D88] =	vst v63  }
0x4d: {  	_ =	swait.ge [sflag:s9], $0x7D00  }
0x4e: {  	[sflag:s9] =	ssyncset.done $0x0  }
0x4f: {  	[sflag:s9] =	ssyncadd.s32 $0xFFFF8300  }
0x50: {  	[hbm4b:s17+s2] =	stream.linear.scatter [tilespmem:s7], [sflag:$0x3], $0x7D00, $0x38;
	[tilespmem:$0x10D88] =	vst v63  }
0x51: {  	_ =	swait.ge [sflag:s10], $0x7D00  }
0x52: {  	[sflag:s10] =	ssyncset.done $0x0  }
0x53: {  	[sflag:s10] =	ssyncadd.s32 $0xFFFF8300  }
0x54: {  	[tilespmem:s7], [sflag:$0x1] =	stream.indirect.gather [hbm4b:s5+s6], $0x20, s18, s6, $0xb8;
	[tilespmem:$0x10D88] =	vst v63  }
0x55: {  	_ =	swait.ge [sflag:s13], $0x7D00  }
0x56: {  	[sflag:s13] =	ssyncset.done $0x0  }
0x57: {  	[sflag:s13] =	ssyncadd.s32 $0xFFFF8300  }
0x58: {  	[hbm4b:s19+s2] =	stream.linear.scatter [tilespmem:s8], [sflag:$0x4], $0x7D00, $0x38;
	[tilespmem:$0x10D88] =	vst v63  }
0x59: {  	_ =	swait.ge [sflag:s9], $0x7D00  }
0x5a: {  	[sflag:s9] =	ssyncset.done $0x0  }
0x5b: {  	[sflag:s9] =	ssyncadd.s32 $0xFFFF8300  }
0x5c: {  	[hbm4b:s20+s2] =	stream.linear.scatter [tilespmem:s7], [sflag:$0x3], $0x7D00, $0x38;
	[tilespmem:$0x10D88] =	vst v63  }
.Ltmp1:
0x5d: {  	_ =	swait.ge [sflag:s15], $0x7D00;
	(pc) =	sbr.rel @p0 .LBB2_1-.Ltmp1, $4  }
0x5e: {  	[sflag:s15] =	ssyncset.done $0x0  }
0x5f: {  	[sflag:s15] =	ssyncadd.s32 $0xFFFF8300  }
0x60: {  	_ =	swait.ge [sflag:s10], $0x7D00  }
0x61: {  	[sflag:s10] =	ssyncset.done $0x0  }
.LBB2_2:
0x62: {  	[sflag:s10] =	ssyncadd.s32 $0xFFFF8300  }
0x63: {  	_ =	sfence.sel $0x180000  }
0x64: {  	[bflag:$0x0] =	sbarrier.arrive $0xFFFF  }
0x65: {  	p0 =	sne.s32 s0, $0x0;
	_ =	strace $0x9000004D  }
0x66: {  	s0 =	sadd.s32 @!p0 $0x100000, s1;
	[bflag:$0x2] =	sbarrier.arrive $0xFFFF  }
0x67: {  	[sflag:s0] =	ssyncadd.tile.s32 @!p0 $0x1;
	_ =	shalt  }
.Lfunc_end2:
_tile_overlayer_lowered:
.L_overlay_start_2:
0x68: {  	(tag) =	ssettag $0x2  }
0x69: {  	s0 =	rddreg [dreg:$0x0];
	s2 =	stileid.u32  }
0x6a: {  	s1 =	rddreg [dreg:$0x1];
	p0 =	sne.s32 s2, $0x0  }
0x6b: {  	s3 =	rddreg [dreg:$0x2];
	[bflag:$0x3] =	sbarrier.arrive $0xFFFF;
	s2 =	simm.s32 @!p0 $0x1C05  }
0x6c: {  	[timem:s3], [sflag:s2] =	dma.local @!p0 [hbm:s0], s1  }
0x6d: {  	s0 =	simm.s32 @!p0 $0x5  }
0x6e: {  	_ =	swait.ge @!p0 [sflag:s0], s1  }
0x6f: {  	s1 =	ssub.s32 @!p0 $0x0, s1;
	[sflag:s0] =	ssyncset.done @!p0 $0x0  }
0x70: {  	[sflag:s0] =	ssyncadd.s32 @!p0 s1  }
0x71: {  	[bflag:$0x3] =	sbarrier.arrive $0xFFFF  }
0x72: {  	_ =	shalt  }

// kernel: kernel.25.cloned.1.call-start
scs
__scs_entry_jumppad:
0x0: {  	(pc) =	sbr.rel $0x88, $3  }
0x1: {  	(tag) =	ssettag $0x0;
	lr =	simm.s32 $0x1  }
0x2: {  	[smem:$0x3F92] =	sst lr;
	_ =	strace $0xD0000000  }
0x3: {  	_ = 	snop  }
0x4: {  	_ = 	snop  }
0x5: {  	_ = 	snop  }
0x6: {  	_ = 	snop  }
0x7: {  	_ = 	snop  }
__scs_overlays_trampoline_lowered:
0x8: {  	[smem:$0x3FA1] =	sst s0  }
0x9: {  	[smem:$0x3FA2] =	sst s1  }
0xa: {  	[smem:$0x3FA3] =	sst s2  }
0xb: {  	[smem:$0x3FA4] =	sst s3  }
0xc: {  	[smem:$0x3FA5] =	sst s4  }
0xd: {  	[smem:$0x3FA6] =	sst s5  }
0xe: {  	[smem:$0x3FA7] =	sst s6  }
0xf: {  	[smem:$0x3FA8] =	sst s7  }
0x10: {  	[smem:$0x3FA9] =	sst s8  }
0x11: {  	[smem:$0x3FAA] =	sst s9;
	s0 =	simm.s32 @!p0 $0x0  }
0x12: {  	s1 =	sld [smem:$0x3F90];
	s0 =	simm.s32 @p0 $0x1  }
0x13: {  	[smem:$0x3FAB] =	sst s0;
	s0 =	simm.s32 @!p1 $0x0  }
0x14: {  	s2 =	sld [smem:$0x3F8F];
	s0 =	simm.s32 @p1 $0x1  }
0x15: {  	[smem:$0x3FAC] =	sst s0;
	s0 =	simm.s32 @!p2 $0x0  }
0x16: {  	s3 =	sld [smem:$0x3FDB];
	s0 =	simm.s32 @p2 $0x1  }
0x17: {  	s4 =	simm.s32 $0x1BF5;
	[smem:$0x3FAE] =	sst s0  }
0x18: {  	s0 =	sld [smem:$0x3F91];
	_ =	swait.ge [sflag:s4], $0x0  }
0x19: {  	s7 =	sld [smem:$0x3F92]  }
0x1a: {  	s8 =	sadd.s32 $0xFFFFE003, lr  }
0x1b: {  	s9 =	sadd.s32 $0xFFFFFEF7, lr;
	s5 =	simm.s32 $0xFFFFFFFF;
	p2 =	slt.u32 s8, $0xFFFFF086  }
0x1c: {  	p1 =	slt.u32 s9, $0xF7A;
	s5 =	simm.s32 @!p2 $0x0  }
0x1d: {  	s5 =	simm.s32 @p1 $0x1;
	p0 =	seq.s32 s7, s2  }
0x1e: {  	s7 =	smul.u32 @!p0 $0xF7A, s2;
	p2 =	seq.s32 @!p0 s5, $0x0  }
0x1f: {  	s9 =	smul.u32 $0xF7A, s1;
	s8 =	simm.s32 @!p0 $0x1BF5;
	p2 =	por !p2, p0  }
0x20: {  	[sflag:s8] =	ssyncset.s32 @!p0 $0xFFFFF086;
	s6 =	sadd.s32 @!p0 s3, s7;
	s7 =	simm.s32 @!p0 $0x108  }
0x21: {  	s3 =	sadd.s32 s3, s9;
	s6 =	sadd.s32 @!p0 $0x88, s6;
	s7 =	simm.s32 @p2 $0x1082  }
0x22: {  	[simem:s7], [sflag:s8] =	dma.local @!p0 [hbm:s6], $0xF7A  }
0x23: {  	s9 =	sor.u32 $0xD0000000, s2;
	s6 =	simm.s32 $0x108;
	_ =	swait.ge @!p0 [sflag:s8], $0x0  }
0x24: {  	s3 =	sadd.s32 $0x88, s3;
	s6 =	simm.s32 @!p1 $0x1082;
	[sflag:s4] =	ssyncset.s32 $0xFFFFF086  }
0x25: {  	[simem:s6], [sflag:s4] =	dma.local [hbm:s3], $0xF7A  }
0x26: {  	[smem:$0x3F92] =	sst s1;
	(tag) =	ssettag s2;
	_ =	strace s9  }
0x27: {  	s1 =	sld [smem:$0x3FA2]  }
0x28: {  	s2 =	sld [smem:$0x3FA3]  }
0x29: {  	s4 =	sld [smem:$0x3FA5]  }
0x2a: {  	p0 =	seq.s32 s5, $0x0;
	s5 =	sld [smem:$0x3FA6]  }
0x2b: {  	s6 =	sld [smem:$0x3FA7]  }
0x2c: {  	s7 =	sld [smem:$0x3FA8]  }
0x2d: {  	s3 =	simm.s32 $0x108;
	s8 =	sld [smem:$0x3FA9]  }
0x2e: {  	s3 =	simm.s32 @!p0 $0x1082;
	s9 =	sld [smem:$0x3FAA]  }
0x2f: {  	lr =	sadd.s32 s0, s3;
	s0 =	sld [smem:$0x3FA1]  }
0x30: {  	s3 =	sld [smem:$0x3FA4]  }
0x31: {  	[smem:$0x3FAD] =	sst s10  }
0x32: {  	s10 =	sld [smem:$0x3FAB];
	_ =	sdelay $0x3  }
0x33: {  	p0 =	seq.s32 s10, $0x1;
	s10 =	sld [smem:$0x3FAD];
	_ =	sdelay $0x3  }
0x34: {  	[smem:$0x3FAD] =	sst s10  }
0x35: {  	s10 =	sld [smem:$0x3FAC];
	_ =	sdelay $0x3  }
0x36: {  	p1 =	seq.s32 s10, $0x1;
	s10 =	sld [smem:$0x3FAD];
	_ =	sdelay $0x3  }
0x37: {  	[smem:$0x3FAD] =	sst s10  }
0x38: {  	s10 =	sld [smem:$0x3FAE]  }
0x39: {  	_ = 	snop;
	(pc) =	sbr.ind lr, $3  }
0x3a: {  	_ = 	snop  }
0x3b: {  	_ = 	snop  }
0x3c: {  	p2 =	seq.s32 s10, $0x1;
	s10 =	sld [smem:$0x3FAD]  }
0x3d: {  	_ =	shalt  }
0x3e: {  	_ =	shalt  }
0x3f: {  	_ =	shalt  }
0x40: {  	_ =	shalt  }
0x41: {  	_ =	shalt  }
0x42: {  	_ =	shalt  }
0x43: {  	_ =	shalt  }
0x44: {  	_ =	shalt  }
0x45: {  	_ =	shalt  }
0x46: {  	_ =	shalt  }
0x47: {  	_ =	shalt  }
0x48: {  	_ =	shalt  }
0x49: {  	_ =	shalt  }
0x4a: {  	_ =	shalt  }
0x4b: {  	_ =	shalt  }
0x4c: {  	_ =	shalt  }
0x4d: {  	_ =	shalt  }
0x4e: {  	_ =	shalt  }
0x4f: {  	_ =	shalt  }
0x50: {  	_ =	shalt  }
0x51: {  	_ =	shalt  }
0x52: {  	_ =	shalt  }
0x53: {  	_ =	shalt  }
0x54: {  	_ =	shalt  }
0x55: {  	_ =	shalt  }
0x56: {  	_ =	shalt  }
0x57: {  	_ =	shalt  }
0x58: {  	_ =	shalt  }
0x59: {  	_ =	shalt  }
0x5a: {  	_ =	shalt  }
0x5b: {  	_ =	shalt  }
0x5c: {  	_ =	shalt  }
0x5d: {  	_ =	shalt  }
0x5e: {  	_ =	shalt  }
0x5f: {  	_ =	shalt  }
0x60: {  	_ =	shalt  }
0x61: {  	_ =	shalt  }
0x62: {  	_ =	shalt  }
0x63: {  	_ =	shalt  }
0x64: {  	_ =	shalt  }
0x65: {  	_ =	shalt  }
0x66: {  	_ =	shalt  }
0x67: {  	_ =	shalt  }
0x68: {  	_ =	shalt  }
0x69: {  	_ =	shalt  }
0x6a: {  	_ =	shalt  }
0x6b: {  	_ =	shalt  }
0x6c: {  	_ =	shalt  }
0x6d: {  	_ =	shalt  }
0x6e: {  	_ =	shalt  }
0x6f: {  	_ =	shalt  }
0x70: {  	_ =	shalt  }
0x71: {  	_ =	shalt  }
0x72: {  	_ =	shalt  }
0x73: {  	_ =	shalt  }
0x74: {  	_ =	shalt  }
0x75: {  	_ =	shalt  }
0x76: {  	_ =	shalt  }
0x77: {  	_ =	shalt  }
0x78: {  	_ =	shalt  }
0x79: {  	_ =	shalt  }
0x7a: {  	_ =	shalt  }
0x7b: {  	_ =	shalt  }
0x7c: {  	_ =	shalt  }
0x7d: {  	_ =	shalt  }
0x7e: {  	_ =	shalt  }
0x7f: {  	_ =	shalt  }
0x80: {  	_ =	shalt  }
0x81: {  	_ =	shalt  }
0x82: {  	_ =	shalt  }
0x83: {  	_ =	shalt  }
0x84: {  	_ =	shalt  }
0x85: {  	_ =	shalt  }
0x86: {  	_ =	shalt  }
0x87: {  	_ =	shalt  }
.Lfunc_end0:
.L_simem_size_0:
called_computation.3_lowered:
.L_overlay_start_0:
0x88: {  	s2 =	sld [smem:$0x3FD9]  }
0x89: {  	s3 =	sld [smem:$0x3FFE];
	_ =	sdelay $0x1  }
0x8a: {  	s1 =	srdreg.scid  }
0x8b: {  	s0 =	sand.u32 $0x1, s1  }
0x8c: {  	s14 =	sshll.u32 s0, $0xA;
	s2 =	sadd.s32 s3, s2  }
0x8d: {  	s2 =	sadd.s32 s2, s14  }
0x8e: {  	[smem:$0x3FB9] =	sst s2  }
0x8f: {  	_ = 	snop  }
0x90: {  	s2 =	sld [smem:$0x3FD0];
	_ =	sdelay $0x2  }
0x91: {  	s15 =	simm.s32 $0xA;
	s4 =	simm.s32 $0x10  }
0x92: {  	[smem:s4], [sflag:s15] =	dma.local [hbm:s2], $0x1  }
0x93: {  	_ =	swait.eq [sflag:s15], $0x1  }
0x94: {  	[sflag:s15] =	ssyncset.done $0x0  }
0x95: {  	s16 =	sld [smem:$0x10];
	[sflag:s15] =	ssyncadd.s32 $0xFFFFFFFF  }
0x96: {  	s17 =	sld [smem:$0x11];
	(tm) =	ssettm $0x1  }
0x97: {  	s18 =	sld [smem:$0x3FFB];
	_ =	sdelay $0x3  }
0x98: {  	_ =	strace s18  }
0x99: {  	s4 =	sld [smem:$0x3FFC];
	_ =	sdelay $0x3  }
0x9a: {  	_ =	strace s4  }
0x9b: {  	s4 =	sld [smem:$0x3FFD];
	_ =	sdelay $0x3  }
0x9c: {  	_ =	strace s4  }
0x9d: {  	_ =	strace $0x8FFFFFFF  }
0x9e: {  	s19 =	sld [smem:$0x3FDB];
	_ =	sdelay $0x1  }
0x9f: {  	s5 =	simm.s32 $_scs_section_size  }
0xa0: {  	s6 =	simm.s32 $_size__tile_overlayer_lowered;
	s7 =	simm.s32 $_tile_overlayer_lowered  }
0xa1: {  	s22 =	simm.s32 $0x1BFF;
	s21 =	sshll.u32 s7, $0x1;
	s4 =	sadd.s32 s5, s19  }
0xa2: {  	s8 =	simm.s32 $0x0;
	s20 =	sshll.u32 s6, $0x1;
	s6 =	sadd.s32 s21, s4  }
0xa3: {  	[timem:s8], [sflag:s22] =	dma.local [hbm:s6], s20  }
0xa4: {  	_ =	swait.ge [sflag:s22], s20  }
0xa5: {  	s5 =	ssub.s32 $0x0, s20;
	[sflag:s22] =	ssyncset.done $0x0  }
0xa6: {  	[sflag:s22] =	ssyncadd.s32 s5;
	_ =	sdelay $0x1  }
0xa7: {  	s23 =	simm.s32 $0x1B8B  }
0xa8: {  	_ =	swait.ge [sflag:s23], $0x1  }
0xa9: {  	[sflag:s23] =	ssyncset.done $0x0  }
0xaa: {  	s25 =	simm.s32 $0x1B8E;
	s24 =	sld [smem:$0x3FFE];
	[sflag:s23] =	ssyncadd.s32 $0xFFFFFFFF  }
0xab: {  	s26 =	simm.s32 $execute0_lowered;
	[smem:$0x3FD2] =	sst s25  }
0xac: {  	s6 =	sshll.u32 s26, $0x1;
	_ =	strace $0x8000004F;
	[dreg:$0x1] =	wrdreg $0xFFFFFFFF  }
0xad: {  	s28 =	simm.s32 $_size_execute0_lowered;
	s4 =	sadd.s32 s4, s6;
	[dreg:$0x0] =	wrdreg $0x0  }
0xae: {  	s6 =	sshll.u32 s28, $0x1;
	[dreg:$0x2] =	wrdreg s4  }
0xaf: {  	[dreg:$0x3] =	wrdreg s6  }
0xb0: {  	[dreg:$0x4] =	wrdreg $0xC0  }
0xb1: {  	_ =	task [dreg:s8], $0x5FFFF  }
0xb2: {  	[dreg:$0x1] =	wrdreg $0xFFFFFFFF  }
0xb3: {  	[dreg:$0x0] =	wrdreg $0x60  }
0xb4: {  	[dreg:$0x2] =	wrdreg s24  }
0xb5: {  	[dreg:$0x3] =	wrdreg s16  }
0xb6: {  	[dreg:$0x4] =	wrdreg s17  }
0xb7: {  	[dreg:$0x5] =	wrdreg $0x10D880  }
0xb8: {  	[dreg:$0x6] =	wrdreg $0x9  }
0xb9: {  	_ =	task.clear_ibuf [dreg:s8], $0x7FFFF;
	_ =	strace $0x9000004F  }
0xba: {  	s29 =	simm.s32 $0x9;
	_ =	strace $0x80000051  }
0xbb: {  	_ =	swait.ge [sflag:s29], $0x1  }
0xbc: {  	[sflag:s29] =	ssyncadd.s32 $0xFFFFFFFF  }
0xbd: {  	_ =	strace $0x90000051  }
0xbe: {  	_ =	sfence  }
0xbf: {  	s30 =	sld [smem:$0x0];
	_ =	sdelay $0x2  }
0xc0: {  	s31 =	sshll.u32 s1, $0xD;
	s1 =	sshrl.u32 s1, $0x2  }
0xc1: {  	s3 =	sand.u32 $0x4000, s31;
	s1 =	sadd.s32 s1, s30  }
0xc2: {  	s0 =	sor.u32 s3, s0;
	s1 =	sshll.u32 s1, $0x11  }
0xc3: {  	s0 =	sor.u32 s1, s0  }
0xc4: {  	s0 =	sadd.s32 $0x8F2B, s0  }
0xc5: {  	[sflag:s0] =	ssyncadd.remote.s32 $0x1  }
0xc6: {  	_ =	sfence.sel $0xFFFF  }
0xc7: {  	[dreg:$0x0] =	wrdreg $0xFFFFFFFF;
	(pc) =	sbr.abs _section_cstart, $3  }
0xc8: {  	[dreg:$0x1] =	wrdreg $0xFFFFFFFF  }
0xc9: {  	_ =	task.clear_ibuf [dreg:s8], $0x2FFFF;
	_ =	strace $0x9FFFFFFF  }
0xca: {  	(tm) =	ssettm $0x7FFFFFFF  }
0xcb: {  	_ =	shalt  }
tec
execute0_lowered:
.L_overlay_start_1:
0x0: {  	(tag) =	ssettag $0x1  }
0x1: {  	s10 =	rddreg [dreg:$0x0]  }
0x2: {  	s6 =	rddreg [dreg:$0x1]  }
0x3: {  	s24 =	rddreg [dreg:$0x2]  }
0x4: {  	s2 =	rddreg [dreg:$0x3]  }
0x5: {  	s0 =	rddreg [dreg:$0x4];
	s4 =	srdreg.scid  }
0x6: {  	s1 =	stileid.u32;
	s3 =	simm.s32 $0x0;
	s28 =	sand.u32 $0x1, s4  }
0x7: {  	s26 =	smul.u32 $0x5000, s1;
	[smem:$0x7FF] =	sst s3;
	s4 =	sshll.u32 s28, $0x4  }
0x8: {  	s25 =	sshll.u32 s1, $0x6;
	_ =	strace $0x80000050;
	s11 =	sor.u32 s1, s4  }
0x9: {  	s5 =	sshrl.u32 s26, $0x3;
	s8 =	sadd.s32 s26, s2;
	s7 =	smul.u32 $0x271, s11  }
0xa: {  	s29 =	sadd.s32 s5, s10;
	s5 =	sor.u32 $0x1C03, s25;
	s8 =	sshrl.u32 s8, $0x3  }
0xb: {  	s4 =	sadd.s32 $0xB1400, s29;
	s6 =	sadd.s32 s6, s7;
	s7 =	simm.s32 $0x5  }
0xc: {  	[spmem:s8], [sflag:s5] =	dma.local [hbm:s4], $0xA00  }
0xd: {  	[tilespmem:s3], [sflag:$0x5] =	stream.linear.gather [hbm4b:s6+s3], $0x1388, $0x38;
	[tilespmem:$0x15D88] =	vst v63  }
0xe: {  	_ =	swait.ge [sflag:s7], $0x1388  }
0xf: {  	[sflag:s7] =	ssyncset.done $0x0  }
0x10: {  	s9 =	simm.s32 $0x3;
	s12 =	smul.u32 $0x4E20, s11;
	[sflag:s7] =	ssyncadd.s32 $0xFFFFEC78  }
0x11: {  	s11 =	smul.u32 $0x27100, s11;
	_ =	swait.ge [sflag:s9], $0xA00  }
0x12: {  	s13 =	sadd.s32 $0x15000, s10;
	[sflag:s9] =	ssyncset.done $0x0  }
0x13: {  	s10 =	sadd.s32 s13, s12;
	s11 =	sshrl.u32 s11, $0x3;
	[sflag:s9] =	ssyncadd.s32 $0xFFFFF600  }
0x14: {  	s21 =	sadd.s32 s13, s11;
	s11 =	simm.s32 $0x1388;
	[bflag:$0x0] =	sbarrier.arrive $0xFFFF  }
0x15: {  	[tilespmem:s11], [sflag:$0x1] =	stream.linear.gather [hbm4b:s10+s3], $0x7D00, $0x38;
	[tilespmem:$0x15D88] =	vst v63  }
0x16: {  	s14 =	simm.s32 $0x1;
	s13 =	simm.s32 $0x9088;
	s12 =	sadd.s32 $0xFA0, s21  }
0x17: {  	[tilespmem:s13], [sflag:$0x2] =	stream.linear.gather [hbm4b:s12+s3], $0x7D00, $0x38;
	[tilespmem:$0x15D88] =	vst v63  }
0x18: {  	_ =	swait.ge [sflag:s14], $0x7D00  }
0x19: {  	[sflag:s14] =	ssyncset.done $0x0  }
0x1a: {  	s15 =	simm.s32 $0x3E8;
	[sflag:s14] =	ssyncadd.s32 $0xFFFF8300  }
0x1b: {  	[spmem:s2] =	stream.indirect.scatter.add.f32 [tilespmem:s11], [sflag:$0x3], $0x20, s3, s15, $0xb8;
	[tilespmem:$0x15D88] =	vst v63  }
0x1c: {  	_ =	swait.ge [sflag:s9], $0x7D00  }
0x1d: {  	[sflag:s9] =	ssyncset.done $0x0  }
0x1e: {  	s17 =	simm.s32 $0x2;
	s16 =	sadd.s32 $0x1F40, s21;
	[sflag:s9] =	ssyncadd.s32 $0xFFFF8300  }
0x1f: {  	[tilespmem:s11], [sflag:$0x1] =	stream.linear.gather [hbm4b:s16+s3], $0x7D00, $0x38;
	[tilespmem:$0x15D88] =	vst v63  }
0x20: {  	_ =	swait.ge [sflag:s17], $0x7D00  }
0x21: {  	[sflag:s17] =	ssyncset.done $0x0  }
0x22: {  	s18 =	simm.s32 $0x4;
	[sflag:s17] =	ssyncadd.s32 $0xFFFF8300  }
0x23: {  	[spmem:s2] =	stream.indirect.scatter.add.f32 [tilespmem:s13], [sflag:$0x4], $0x20, s15, s15, $0xb8;
	[tilespmem:$0x15D88] =	vst v63  }
0x24: {  	_ =	swait.ge [sflag:s18], $0x7D00  }
0x25: {  	[sflag:s18] =	ssyncset.done $0x0  }
0x26: {  	s19 =	sadd.s32 $0x2EE0, s21;
	[sflag:s18] =	ssyncadd.s32 $0xFFFF8300  }
0x27: {  	[tilespmem:s13], [sflag:$0x2] =	stream.linear.gather [hbm4b:s19+s3], $0x7D00, $0x38;
	[tilespmem:$0x15D88] =	vst v63  }
0x28: {  	_ =	swait.ge [sflag:s14], $0x7D00  }
0x29: {  	[sflag:s14] =	ssyncset.done $0x0  }
0x2a: {  	s20 =	simm.s32 $0x7D0;
	[sflag:s14] =	ssyncadd.s32 $0xFFFF8300  }
0x2b: {  	[spmem:s2] =	stream.indirect.scatter.add.f32 [tilespmem:s11], [sflag:$0x3], $0x20, s20, s15, $0xb8;
	[tilespmem:$0x15D88] =	vst v63  }
0x2c: {  	_ =	swait.ge [sflag:s9], $0x7D00  }
0x2d: {  	[sflag:s9] =	ssyncset.done $0x0  }
0x2e: {  	s21 =	sadd.s32 $0x3E80, s21;
	[sflag:s9] =	ssyncadd.s32 $0xFFFF8300  }
0x2f: {  	[tilespmem:s11], [sflag:$0x1] =	stream.linear.gather [hbm4b:s21+s3], $0x7D00, $0x38;
	[tilespmem:$0x15D88] =	vst v63  }
0x30: {  	_ =	swait.ge [sflag:s17], $0x7D00  }
0x31: {  	[sflag:s17] =	ssyncset.done $0x0  }
0x32: {  	s22 =	simm.s32 $0xBB8;
	[sflag:s17] =	ssyncadd.s32 $0xFFFF8300  }
0x33: {  	[spmem:s2] =	stream.indirect.scatter.add.f32 [tilespmem:s13], [sflag:$0x4], $0x20, s22, s15, $0xb8;
	[tilespmem:$0x15D88] =	vst v63  }
0x34: {  	_ =	swait.ge [sflag:s14], $0x7D00  }
0x35: {  	[sflag:s14] =	ssyncset.done $0x0  }
0x36: {  	s23 =	simm.s32 $0xFA0;
	[sflag:s14] =	ssyncadd.s32 $0xFFFF8300  }
0x37: {  	[spmem:s2] =	stream.indirect.scatter.add.f32 [tilespmem:s11], [sflag:$0x3], $0x20, s23, s15, $0xb8;
	[tilespmem:$0x15D88] =	vst v63  }
0x38: {  	s29 =	smul.u32 $0x50000, s28;
	s28 =	ssub.s32 $0x2, s28;
	_ =	swait.ge [sflag:s18], $0x7D00  }
0x39: {  	s30 =	sshrl.u32 s28, $0x1;
	[sflag:s18] =	ssyncset.done $0x0  }
0x3a: {  	s28 =	ssub.s32 s28, s30;
	[sflag:s18] =	ssyncadd.s32 $0xFFFF8300  }
0x3b: {  	s31 =	smax.u32 s28, $0x1;
	_ =	swait.ge [sflag:s9], $0x7D00  }
0x3c: {  	s26 =	sadd.s32 s26, s29;
	p0 =	sne.s32 s31, $0x1;
	[sflag:s9] =	ssyncset.done $0x0  }
.Ltmp0:
0x3d: {  	s26 =	sshrl.u32 s26, $0x3;
	[sflag:s9] =	ssyncadd.s32 $0xFFFF8300;
	(pc) =	sbr.rel @!p0 .LBB2_2-.Ltmp0, $4  }
0x3e: {  	s25 =	sor.u32 $0x1C05, s25;
	s24 =	sadd.s32 s24, s26;
	[bflag:$0x0] =	sbarrier.arrive $0xFFFF  }
0x3f: {  	[hbm:s24], [sflag:s25] =	dma.local [spmem:s8], $0xA00  }
0x40: {  	_ =	swait.ge [sflag:s7], $0xA00  }
0x41: {  	s26 =	sadd.s32 $0xFFFFFFFF, s31;
	[sflag:s7] =	ssyncset.done $0x0  }
.LBB2_1:
0x42: {  	p0 =	sne.s32 s26, $0x1;
	s26 =	sadd.s32 $0xFFFFFFFF, s26;
	[sflag:s7] =	ssyncadd.s32 $0xFFFFF600  }
0x43: {  	[spmem:s8], [sflag:s5] =	dma.local [hbm:s4], $0xA00  }
0x44: {  	[tilespmem:s3], [sflag:$0x5] =	stream.linear.gather [hbm4b:s6+s3], $0x1388, $0x38;
	[tilespmem:$0x15D88] =	vst v63  }
0x45: {  	_ =	swait.ge [sflag:s7], $0x1388  }
0x46: {  	[sflag:s7] =	ssyncset.done $0x0  }
0x47: {  	[sflag:s7] =	ssyncadd.s32 $0xFFFFEC78  }
0x48: {  	_ =	swait.ge [sflag:s9], $0xA00  }
0x49: {  	[sflag:s9] =	ssyncset.done $0x0  }
0x4a: {  	[sflag:s9] =	ssyncadd.s32 $0xFFFFF600  }
0x4b: {  	[bflag:$0x0] =	sbarrier.arrive $0xFFFF  }
0x4c: {  	[tilespmem:s11], [sflag:$0x1] =	stream.linear.gather [hbm4b:s10+s3], $0x7D00, $0x38;
	[tilespmem:$0x15D88] =	vst v63  }
0x4d: {  	_ = 	snop  }
0x4e: {  	[tilespmem:s13], [sflag:$0x2] =	stream.linear.gather [hbm4b:s12+s3], $0x7D00, $0x38;
	[tilespmem:$0x15D88] =	vst v63  }
0x4f: {  	_ =	swait.ge [sflag:s14], $0x7D00  }
0x50: {  	[sflag:s14] =	ssyncset.done $0x0  }
0x51: {  	[sflag:s14] =	ssyncadd.s32 $0xFFFF8300  }
0x52: {  	[spmem:s2] =	stream.indirect.scatter.add.f32 [tilespmem:s11], [sflag:$0x3], $0x20, s3, s15, $0xb8;
	[tilespmem:$0x15D88] =	vst v63  }
0x53: {  	_ =	swait.ge [sflag:s9], $0x7D00  }
0x54: {  	[sflag:s9] =	ssyncset.done $0x0  }
0x55: {  	[sflag:s9] =	ssyncadd.s32 $0xFFFF8300  }
0x56: {  	[tilespmem:s11], [sflag:$0x1] =	stream.linear.gather [hbm4b:s16+s3], $0x7D00, $0x38;
	[tilespmem:$0x15D88] =	vst v63  }
0x57: {  	_ =	swait.ge [sflag:s17], $0x7D00  }
0x58: {  	[sflag:s17] =	ssyncset.done $0x0  }
0x59: {  	[sflag:s17] =	ssyncadd.s32 $0xFFFF8300  }
0x5a: {  	[spmem:s2] =	stream.indirect.scatter.add.f32 [tilespmem:s13], [sflag:$0x4], $0x20, s15, s15, $0xb8;
	[tilespmem:$0x15D88] =	vst v63  }
0x5b: {  	_ =	swait.ge [sflag:s18], $0x7D00  }
0x5c: {  	[sflag:s18] =	ssyncset.done $0x0  }
0x5d: {  	[sflag:s18] =	ssyncadd.s32 $0xFFFF8300  }
0x5e: {  	[tilespmem:s13], [sflag:$0x2] =	stream.linear.gather [hbm4b:s19+s3], $0x7D00, $0x38;
	[tilespmem:$0x15D88] =	vst v63  }
0x5f: {  	_ =	swait.ge [sflag:s14], $0x7D00  }
0x60: {  	[sflag:s14] =	ssyncset.done $0x0  }
0x61: {  	[sflag:s14] =	ssyncadd.s32 $0xFFFF8300  }
0x62: {  	[spmem:s2] =	stream.indirect.scatter.add.f32 [tilespmem:s11], [sflag:$0x3], $0x20, s20, s15, $0xb8;
	[tilespmem:$0x15D88] =	vst v63  }
0x63: {  	_ =	swait.ge [sflag:s9], $0x7D00  }
0x64: {  	[sflag:s9] =	ssyncset.done $0x0  }
0x65: {  	[sflag:s9] =	ssyncadd.s32 $0xFFFF8300  }
0x66: {  	[tilespmem:s11], [sflag:$0x1] =	stream.linear.gather [hbm4b:s21+s3], $0x7D00, $0x38;
	[tilespmem:$0x15D88] =	vst v63  }
0x67: {  	_ =	swait.ge [sflag:s17], $0x7D00  }
0x68: {  	[sflag:s17] =	ssyncset.done $0x0  }
0x69: {  	[sflag:s17] =	ssyncadd.s32 $0xFFFF8300  }
0x6a: {  	[spmem:s2] =	stream.indirect.scatter.add.f32 [tilespmem:s13], [sflag:$0x4], $0x20, s22, s15, $0xb8;
	[tilespmem:$0x15D88] =	vst v63  }
0x6b: {  	_ =	swait.ge [sflag:s14], $0x7D00  }
0x6c: {  	[sflag:s14] =	ssyncset.done $0x0  }
0x6d: {  	[sflag:s14] =	ssyncadd.s32 $0xFFFF8300  }
0x6e: {  	[spmem:s2] =	stream.indirect.scatter.add.f32 [tilespmem:s11], [sflag:$0x3], $0x20, s23, s15, $0xb8;
	[tilespmem:$0x15D88] =	vst v63  }
0x6f: {  	_ =	swait.ge [sflag:s18], $0x7D00  }
0x70: {  	[sflag:s18] =	ssyncset.done $0x0  }
0x71: {  	[sflag:s18] =	ssyncadd.s32 $0xFFFF8300  }
0x72: {  	_ =	swait.ge [sflag:s9], $0x7D00  }
0x73: {  	[sflag:s9] =	ssyncset.done $0x0  }
.Ltmp1:
0x74: {  	[sflag:s9] =	ssyncadd.s32 $0xFFFF8300;
	(pc) =	sbr.rel @p0 .LBB2_1-.Ltmp1, $4  }
0x75: {  	[bflag:$0x0] =	sbarrier.arrive $0xFFFF  }
0x76: {  	[hbm:s24], [sflag:s25] =	dma.local [spmem:s8], $0xA00  }
0x77: {  	_ =	swait.ge [sflag:s7], $0xA00  }
0x78: {  	[sflag:s7] =	ssyncset.done $0x0  }
.LBB2_2:
0x79: {  	[sflag:s7] =	ssyncadd.s32 $0xFFFFF600  }
0x7a: {  	_ =	sfence.sel $0x180000  }
0x7b: {  	[bflag:$0x0] =	sbarrier.arrive $0xFFFF  }
0x7c: {  	p0 =	sne.s32 s1, $0x0;
	_ =	strace $0x90000050  }
0x7d: {  	s0 =	sadd.s32 @!p0 $0x100000, s0;
	[bflag:$0x2] =	sbarrier.arrive $0xFFFF  }
0x7e: {  	[sflag:s0] =	ssyncadd.tile.s32 @!p0 $0x1;
	_ =	shalt  }
.Lfunc_end2:
_tile_overlayer_lowered:
.L_overlay_start_2:
0x7f: {  	(tag) =	ssettag $0x2  }
0x80: {  	s0 =	rddreg [dreg:$0x0];
	s2 =	stileid.u32  }
0x81: {  	s1 =	rddreg [dreg:$0x1];
	p0 =	sne.s32 s2, $0x0  }
0x82: {  	s3 =	rddreg [dreg:$0x2];
	[bflag:$0x3] =	sbarrier.arrive $0xFFFF;
	s2 =	simm.s32 @!p0 $0x1C05  }
0x83: {  	[timem:s3], [sflag:s2] =	dma.local @!p0 [hbm:s0], s1  }
0x84: {  	s0 =	simm.s32 @!p0 $0x5  }
0x85: {  	_ =	swait.ge @!p0 [sflag:s0], s1  }
0x86: {  	s1 =	ssub.s32 @!p0 $0x0, s1;
	[sflag:s0] =	ssyncset.done @!p0 $0x0  }
0x87: {  	[sflag:s0] =	ssyncadd.s32 @!p0 s1  }
0x88: {  	[bflag:$0x3] =	sbarrier.arrive $0xFFFF  }
0x89: {  	_ =	shalt  }

// kernel: kernel.28.cloned.1.call-start
scs
__scs_entry_jumppad:
0x0: {  	(pc) =	sbr.rel $0x88, $3  }
0x1: {  	(tag) =	ssettag $0x0;
	lr =	simm.s32 $0x1  }
0x2: {  	[smem:$0x3F92] =	sst lr;
	_ =	strace $0xD0000000  }
0x3: {  	_ = 	snop  }
0x4: {  	_ = 	snop  }
0x5: {  	_ = 	snop  }
0x6: {  	_ = 	snop  }
0x7: {  	_ = 	snop  }
__scs_overlays_trampoline_lowered:
0x8: {  	[smem:$0x3FA1] =	sst s0  }
0x9: {  	[smem:$0x3FA2] =	sst s1  }
0xa: {  	[smem:$0x3FA3] =	sst s2  }
0xb: {  	[smem:$0x3FA4] =	sst s3  }
0xc: {  	[smem:$0x3FA5] =	sst s4  }
0xd: {  	[smem:$0x3FA6] =	sst s5  }
0xe: {  	[smem:$0x3FA7] =	sst s6  }
0xf: {  	[smem:$0x3FA8] =	sst s7  }
0x10: {  	[smem:$0x3FA9] =	sst s8  }
0x11: {  	[smem:$0x3FAA] =	sst s9;
	s0 =	simm.s32 @!p0 $0x0  }
0x12: {  	s1 =	sld [smem:$0x3F90];
	s0 =	simm.s32 @p0 $0x1  }
0x13: {  	[smem:$0x3FAB] =	sst s0;
	s0 =	simm.s32 @!p1 $0x0  }
0x14: {  	s2 =	sld [smem:$0x3F8F];
	s0 =	simm.s32 @p1 $0x1  }
0x15: {  	[smem:$0x3FAC] =	sst s0;
	s0 =	simm.s32 @!p2 $0x0  }
0x16: {  	s3 =	sld [smem:$0x3FDB];
	s0 =	simm.s32 @p2 $0x1  }
0x17: {  	s4 =	simm.s32 $0x1BF5;
	[smem:$0x3FAE] =	sst s0  }
0x18: {  	s0 =	sld [smem:$0x3F91];
	_ =	swait.ge [sflag:s4], $0x0  }
0x19: {  	s7 =	sld [smem:$0x3F92]  }
0x1a: {  	s8 =	sadd.s32 $0xFFFFE003, lr  }
0x1b: {  	s9 =	sadd.s32 $0xFFFFFEF7, lr;
	s5 =	simm.s32 $0xFFFFFFFF;
	p2 =	slt.u32 s8, $0xFFFFF086  }
0x1c: {  	p1 =	slt.u32 s9, $0xF7A;
	s5 =	simm.s32 @!p2 $0x0  }
0x1d: {  	s5 =	simm.s32 @p1 $0x1;
	p0 =	seq.s32 s7, s2  }
0x1e: {  	s7 =	smul.u32 @!p0 $0xF7A, s2;
	p2 =	seq.s32 @!p0 s5, $0x0  }
0x1f: {  	s9 =	smul.u32 $0xF7A, s1;
	s8 =	simm.s32 @!p0 $0x1BF5;
	p2 =	por !p2, p0  }
0x20: {  	[sflag:s8] =	ssyncset.s32 @!p0 $0xFFFFF086;
	s6 =	sadd.s32 @!p0 s3, s7;
	s7 =	simm.s32 @!p0 $0x108  }
0x21: {  	s3 =	sadd.s32 s3, s9;
	s6 =	sadd.s32 @!p0 $0x88, s6;
	s7 =	simm.s32 @p2 $0x1082  }
0x22: {  	[simem:s7], [sflag:s8] =	dma.local @!p0 [hbm:s6], $0xF7A  }
0x23: {  	s9 =	sor.u32 $0xD0000000, s2;
	s6 =	simm.s32 $0x108;
	_ =	swait.ge @!p0 [sflag:s8], $0x0  }
0x24: {  	s3 =	sadd.s32 $0x88, s3;
	s6 =	simm.s32 @!p1 $0x1082;
	[sflag:s4] =	ssyncset.s32 $0xFFFFF086  }
0x25: {  	[simem:s6], [sflag:s4] =	dma.local [hbm:s3], $0xF7A  }
0x26: {  	[smem:$0x3F92] =	sst s1;
	(tag) =	ssettag s2;
	_ =	strace s9  }
0x27: {  	s1 =	sld [smem:$0x3FA2]  }
0x28: {  	s2 =	sld [smem:$0x3FA3]  }
0x29: {  	s4 =	sld [smem:$0x3FA5]  }
0x2a: {  	p0 =	seq.s32 s5, $0x0;
	s5 =	sld [smem:$0x3FA6]  }
0x2b: {  	s6 =	sld [smem:$0x3FA7]  }
0x2c: {  	s7 =	sld [smem:$0x3FA8]  }
0x2d: {  	s3 =	simm.s32 $0x108;
	s8 =	sld [smem:$0x3FA9]  }
0x2e: {  	s3 =	simm.s32 @!p0 $0x1082;
	s9 =	sld [smem:$0x3FAA]  }
0x2f: {  	lr =	sadd.s32 s0, s3;
	s0 =	sld [smem:$0x3FA1]  }
0x30: {  	s3 =	sld [smem:$0x3FA4]  }
0x31: {  	[smem:$0x3FAD] =	sst s10  }
0x32: {  	s10 =	sld [smem:$0x3FAB];
	_ =	sdelay $0x3  }
0x33: {  	p0 =	seq.s32 s10, $0x1;
	s10 =	sld [smem:$0x3FAD];
	_ =	sdelay $0x3  }
0x34: {  	[smem:$0x3FAD] =	sst s10  }
0x35: {  	s10 =	sld [smem:$0x3FAC];
	_ =	sdelay $0x3  }
0x36: {  	p1 =	seq.s32 s10, $0x1;
	s10 =	sld [smem:$0x3FAD];
	_ =	sdelay $0x3  }
0x37: {  	[smem:$0x3FAD] =	sst s10  }
0x38: {  	s10 =	sld [smem:$0x3FAE]  }
0x39: {  	_ = 	snop;
	(pc) =	sbr.ind lr, $3  }
0x3a: {  	_ = 	snop  }
0x3b: {  	_ = 	snop  }
0x3c: {  	p2 =	seq.s32 s10, $0x1;
	s10 =	sld [smem:$0x3FAD]  }
0x3d: {  	_ =	shalt  }
0x3e: {  	_ =	shalt  }
0x3f: {  	_ =	shalt  }
0x40: {  	_ =	shalt  }
0x41: {  	_ =	shalt  }
0x42: {  	_ =	shalt  }
0x43: {  	_ =	shalt  }
0x44: {  	_ =	shalt  }
0x45: {  	_ =	shalt  }
0x46: {  	_ =	shalt  }
0x47: {  	_ =	shalt  }
0x48: {  	_ =	shalt  }
0x49: {  	_ =	shalt  }
0x4a: {  	_ =	shalt  }
0x4b: {  	_ =	shalt  }
0x4c: {  	_ =	shalt  }
0x4d: {  	_ =	shalt  }
0x4e: {  	_ =	shalt  }
0x4f: {  	_ =	shalt  }
0x50: {  	_ =	shalt  }
0x51: {  	_ =	shalt  }
0x52: {  	_ =	shalt  }
0x53: {  	_ =	shalt  }
0x54: {  	_ =	shalt  }
0x55: {  	_ =	shalt  }
0x56: {  	_ =	shalt  }
0x57: {  	_ =	shalt  }
0x58: {  	_ =	shalt  }
0x59: {  	_ =	shalt  }
0x5a: {  	_ =	shalt  }
0x5b: {  	_ =	shalt  }
0x5c: {  	_ =	shalt  }
0x5d: {  	_ =	shalt  }
0x5e: {  	_ =	shalt  }
0x5f: {  	_ =	shalt  }
0x60: {  	_ =	shalt  }
0x61: {  	_ =	shalt  }
0x62: {  	_ =	shalt  }
0x63: {  	_ =	shalt  }
0x64: {  	_ =	shalt  }
0x65: {  	_ =	shalt  }
0x66: {  	_ =	shalt  }
0x67: {  	_ =	shalt  }
0x68: {  	_ =	shalt  }
0x69: {  	_ =	shalt  }
0x6a: {  	_ =	shalt  }
0x6b: {  	_ =	shalt  }
0x6c: {  	_ =	shalt  }
0x6d: {  	_ =	shalt  }
0x6e: {  	_ =	shalt  }
0x6f: {  	_ =	shalt  }
0x70: {  	_ =	shalt  }
0x71: {  	_ =	shalt  }
0x72: {  	_ =	shalt  }
0x73: {  	_ =	shalt  }
0x74: {  	_ =	shalt  }
0x75: {  	_ =	shalt  }
0x76: {  	_ =	shalt  }
0x77: {  	_ =	shalt  }
0x78: {  	_ =	shalt  }
0x79: {  	_ =	shalt  }
0x7a: {  	_ =	shalt  }
0x7b: {  	_ =	shalt  }
0x7c: {  	_ =	shalt  }
0x7d: {  	_ =	shalt  }
0x7e: {  	_ =	shalt  }
0x7f: {  	_ =	shalt  }
0x80: {  	_ =	shalt  }
0x81: {  	_ =	shalt  }
0x82: {  	_ =	shalt  }
0x83: {  	_ =	shalt  }
0x84: {  	_ =	shalt  }
0x85: {  	_ =	shalt  }
0x86: {  	_ =	shalt  }
0x87: {  	_ =	shalt  }
.Lfunc_end0:
.L_simem_size_0:
called_computation.4_lowered:
.L_overlay_start_0:
0x88: {  	s2 =	sld [smem:$0x3FD9]  }
0x89: {  	s3 =	sld [smem:$0x3FFE];
	_ =	sdelay $0x1  }
0x8a: {  	s1 =	srdreg.scid  }
0x8b: {  	s0 =	sand.u32 $0x1, s1  }
0x8c: {  	s16 =	sshll.u32 s0, $0xA;
	s2 =	sadd.s32 s3, s2  }
0x8d: {  	s2 =	sadd.s32 s2, s16  }
0x8e: {  	[smem:$0x3FB9] =	sst s2  }
0x8f: {  	_ = 	snop  }
0x90: {  	(tm) =	ssettm $0x1  }
0x91: {  	s17 =	sld [smem:$0x3FFB];
	_ =	sdelay $0x3  }
0x92: {  	_ =	strace s17  }
0x93: {  	s2 =	sld [smem:$0x3FFC];
	_ =	sdelay $0x3  }
0x94: {  	_ =	strace s2  }
0x95: {  	s2 =	sld [smem:$0x3FFD];
	_ =	sdelay $0x3  }
0x96: {  	_ =	strace s2  }
0x97: {  	_ =	strace $0x8FFFFFFF  }
0x98: {  	s18 =	sld [smem:$0x3FDB];
	_ =	sdelay $0x1  }
0x99: {  	s19 =	simm.s32 $_scs_section_size  }
0x9a: {  	s4 =	simm.s32 $_size__tile_overlayer_lowered;
	s5 =	simm.s32 $_tile_overlayer_lowered  }
0x9b: {  	s22 =	simm.s32 $0x1BFF;
	s21 =	sshll.u32 s5, $0x1;
	s2 =	sadd.s32 s19, s18  }
0x9c: {  	s6 =	simm.s32 $0x0;
	s20 =	sshll.u32 s4, $0x1;
	s4 =	sadd.s32 s21, s2  }
0x9d: {  	[timem:s6], [sflag:s22] =	dma.local [hbm:s4], s20  }
0x9e: {  	_ =	swait.ge [sflag:s22], s20  }
0x9f: {  	s3 =	ssub.s32 $0x0, s20;
	[sflag:s22] =	ssyncset.done $0x0  }
0xa0: {  	[sflag:s22] =	ssyncadd.s32 s3;
	_ =	sdelay $0x1  }
0xa1: {  	s23 =	simm.s32 $0x1B8B  }
0xa2: {  	_ =	swait.ge [sflag:s23], $0x1  }
0xa3: {  	[sflag:s23] =	ssyncset.done $0x0  }
0xa4: {  	s25 =	simm.s32 $0x1B8E;
	s24 =	sld [smem:$0x3FFE];
	[sflag:s23] =	ssyncadd.s32 $0xFFFFFFFF  }
0xa5: {  	s26 =	simm.s32 $execute0_lowered;
	[smem:$0x3FD2] =	sst s25  }
0xa6: {  	s4 =	sshll.u32 s26, $0x1;
	_ =	strace $0x80000052;
	[dreg:$0x1] =	wrdreg $0xFFFFFFFF  }
0xa7: {  	s28 =	simm.s32 $_size_execute0_lowered;
	s2 =	sadd.s32 s2, s4;
	[dreg:$0x0] =	wrdreg $0x0  }
0xa8: {  	s4 =	sshll.u32 s28, $0x1;
	[dreg:$0x2] =	wrdreg s2  }
0xa9: {  	[dreg:$0x3] =	wrdreg s4  }
0xaa: {  	[dreg:$0x4] =	wrdreg $0xC0  }
0xab: {  	_ =	task [dreg:s6], $0x5FFFF  }
0xac: {  	[dreg:$0x1] =	wrdreg $0xFFFFFFFF  }
0xad: {  	[dreg:$0x0] =	wrdreg $0x60  }
0xae: {  	[dreg:$0x2] =	wrdreg s24  }
0xaf: {  	[dreg:$0x3] =	wrdreg $0x9  }
0xb0: {  	_ =	task.clear_ibuf [dreg:s6], $0x4FFFF;
	_ =	strace $0x90000052  }
0xb1: {  	s29 =	simm.s32 $0x9;
	_ =	strace $0x80000054  }
0xb2: {  	_ =	swait.ge [sflag:s29], $0x1  }
0xb3: {  	[sflag:s29] =	ssyncadd.s32 $0xFFFFFFFF  }
0xb4: {  	_ =	strace $0x90000054  }
0xb5: {  	_ =	sfence  }
0xb6: {  	s30 =	sld [smem:$0x0];
	_ =	sdelay $0x2  }
0xb7: {  	s31 =	sshll.u32 s1, $0xD;
	s1 =	sshrl.u32 s1, $0x2  }
0xb8: {  	s3 =	sand.u32 $0x4000, s31;
	s1 =	sadd.s32 s1, s30  }
0xb9: {  	s0 =	sor.u32 s3, s0;
	s1 =	sshll.u32 s1, $0x11  }
0xba: {  	s0 =	sor.u32 s1, s0  }
0xbb: {  	s0 =	sadd.s32 $0x8F2B, s0  }
0xbc: {  	[sflag:s0] =	ssyncadd.remote.s32 $0x1  }
0xbd: {  	_ =	sfence.sel $0xFFFF  }
0xbe: {  	[dreg:$0x0] =	wrdreg $0xFFFFFFFF;
	(pc) =	sbr.abs _section_cstart, $3  }
0xbf: {  	[dreg:$0x1] =	wrdreg $0xFFFFFFFF  }
0xc0: {  	_ =	task.clear_ibuf [dreg:s6], $0x2FFFF;
	_ =	strace $0x9FFFFFFF  }
0xc1: {  	(tm) =	ssettm $0x7FFFFFFF  }
tec
execute0_lowered:
.L_overlay_start_1:
0x0: {  	(tag) =	ssettag $0x1  }
0x1: {  	s0 =	srdreg.scid  }
0x2: {  	s20 =	sand.u32 $0x1, s0  }
0x3: {  	s0 =	stileid.u32;
	s1 =	sshll.u32 s20, $0x4  }
0x4: {  	s12 =	sor.u32 s0, s1  }
0x5: {  	s3 =	smul.u32 $0x271, s12  }
0x6: {  	s10 =	rddreg [dreg:$0x0];
	s2 =	simm.s32 $0x0  }
0x7: {  	s4 =	simm.s32 $0x5;
	[smem:$0x7FF] =	sst s2;
	s3 =	sadd.s32 s3, s10  }
0x8: {  	s1 =	rddreg [dreg:$0x1];
	_ =	strace $0x80000053;
	s3 =	sadd.s32 $0x6000, s3  }
0x9: {  	[tilespmem:s2], [sflag:$0x5] =	stream.linear.gather [hbm4b:s3+s2], $0x1388, $0x38;
	[tilespmem:$0x10D88] =	vst v63  }
0xa: {  	_ =	swait.ge [sflag:s4], $0x1388  }
0xb: {  	s6 =	simm.s32 $0x3E8;
	[sflag:s4] =	ssyncset.done $0x0  }
0xc: {  	s7 =	simm.s32 $0x1388;
	s5 =	sadd.s32 $0xB000, s10;
	[sflag:s4] =	ssyncadd.s32 $0xFFFFEC78  }
0xd: {  	[tilespmem:s7], [sflag:$0x1] =	stream.indirect.gather [hbm4b:s5+s6], $0x20, s2, s6, $0xb8;
	[tilespmem:$0x10D88] =	vst v63  }
0xe: {  	s8 =	simm.s32 $0x9088;
	s9 =	simm.s32 $0x1  }
0xf: {  	[tilespmem:s8], [sflag:$0x2] =	stream.indirect.gather [hbm4b:s5+s6], $0x20, s6, s6, $0xb8;
	[tilespmem:$0x10D88] =	vst v63  }
0x10: {  	s11 =	smul.u32 $0x4E20, s12;
	_ =	swait.ge [sflag:s9], $0x7D00  }
0x11: {  	s14 =	sadd.s32 $0x15000, s10;
	[sflag:s9] =	ssyncset.done $0x0  }
0x12: {  	s11 =	sadd.s32 s14, s11;
	s10 =	simm.s32 $0x3;
	[sflag:s9] =	ssyncadd.s32 $0xFFFF8300  }
0x13: {  	[hbm4b:s11+s2] =	stream.linear.scatter [tilespmem:s7], [sflag:$0x3], $0x7D00, $0x38;
	[tilespmem:$0x10D88] =	vst v63  }
0x14: {  	_ =	swait.ge [sflag:s10], $0x7D00  }
0x15: {  	s13 =	simm.s32 $0x2;
	[sflag:s10] =	ssyncset.done $0x0  }
0x16: {  	s15 =	smul.u32 $0x27100, s12;
	s12 =	simm.s32 $0x7D0;
	[sflag:s10] =	ssyncadd.s32 $0xFFFF8300  }
0x17: {  	[tilespmem:s7], [sflag:$0x1] =	stream.indirect.gather [hbm4b:s5+s6], $0x20, s12, s6, $0xb8;
	[tilespmem:$0x10D88] =	vst v63  }
0x18: {  	s15 =	sshrl.u32 s15, $0x3;
	_ =	swait.ge [sflag:s13], $0x7D00  }
0x19: {  	s21 =	sadd.s32 s14, s15;
	[sflag:s13] =	ssyncset.done $0x0  }
0x1a: {  	s15 =	simm.s32 $0x4;
	s14 =	sadd.s32 $0xFA0, s21;
	[sflag:s13] =	ssyncadd.s32 $0xFFFF8300  }
0x1b: {  	[hbm4b:s14+s2] =	stream.linear.scatter [tilespmem:s8], [sflag:$0x4], $0x7D00, $0x38;
	[tilespmem:$0x10D88] =	vst v63  }
0x1c: {  	_ =	swait.ge [sflag:s15], $0x7D00  }
0x1d: {  	[sflag:s15] =	ssyncset.done $0x0  }
0x1e: {  	s16 =	simm.s32 $0xBB8;
	[sflag:s15] =	ssyncadd.s32 $0xFFFF8300  }
0x1f: {  	[tilespmem:s8], [sflag:$0x2] =	stream.indirect.gather [hbm4b:s5+s6], $0x20, s16, s6, $0xb8;
	[tilespmem:$0x10D88] =	vst v63  }
0x20: {  	_ =	swait.ge [sflag:s9], $0x7D00  }
0x21: {  	[sflag:s9] =	ssyncset.done $0x0  }
0x22: {  	s17 =	sadd.s32 $0x1F40, s21;
	[sflag:s9] =	ssyncadd.s32 $0xFFFF8300  }
0x23: {  	[hbm4b:s17+s2] =	stream.linear.scatter [tilespmem:s7], [sflag:$0x3], $0x7D00, $0x38;
	[tilespmem:$0x10D88] =	vst v63  }
0x24: {  	_ =	swait.ge [sflag:s10], $0x7D00  }
0x25: {  	[sflag:s10] =	ssyncset.done $0x0  }
0x26: {  	s18 =	simm.s32 $0xFA0;
	[sflag:s10] =	ssyncadd.s32 $0xFFFF8300  }
0x27: {  	[tilespmem:s7], [sflag:$0x1] =	stream.indirect.gather [hbm4b:s5+s6], $0x20, s18, s6, $0xb8;
	[tilespmem:$0x10D88] =	vst v63  }
0x28: {  	_ =	swait.ge [sflag:s13], $0x7D00  }
0x29: {  	s22 =	ssub.s32 $0x2, s20;
	[sflag:s13] =	ssyncset.done $0x0  }
0x2a: {  	s31 =	sshrl.u32 s22, $0x1;
	s19 =	sadd.s32 $0x2EE0, s21;
	[sflag:s13] =	ssyncadd.s32 $0xFFFF8300  }
0x2b: {  	[hbm4b:s19+s2] =	stream.linear.scatter [tilespmem:s8], [sflag:$0x4], $0x7D00, $0x38;
	[tilespmem:$0x10D88] =	vst v63  }
0x2c: {  	s20 =	sadd.s32 $0x3E80, s21;
	s21 =	ssub.s32 s22, s31;
	_ =	swait.ge [sflag:s9], $0x7D00  }
0x2d: {  	s21 =	smax.u32 s21, $0x1;
	[sflag:s9] =	ssyncset.done $0x0  }
0x2e: {  	p0 =	sne.s32 s21, $0x1;
	[sflag:s9] =	ssyncadd.s32 $0xFFFF8300  }
0x2f: {  	[hbm4b:s20+s2] =	stream.linear.scatter [tilespmem:s7], [sflag:$0x3], $0x7D00, $0x38;
	[tilespmem:$0x10D88] =	vst v63  }
.Ltmp0:
0x30: {  	_ =	swait.ge [sflag:s15], $0x7D00;
	(pc) =	sbr.rel @!p0 .LBB2_2-.Ltmp0, $4  }
0x31: {  	[sflag:s15] =	ssyncset.done $0x0  }
0x32: {  	[sflag:s15] =	ssyncadd.s32 $0xFFFF8300  }
0x33: {  	_ =	swait.ge [sflag:s10], $0x7D00  }
0x34: {  	s21 =	sadd.s32 $0xFFFFFFFF, s21;
	[sflag:s10] =	ssyncset.done $0x0  }
.LBB2_1:
0x35: {  	p0 =	sne.s32 s21, $0x1;
	s21 =	sadd.s32 $0xFFFFFFFF, s21;
	[sflag:s10] =	ssyncadd.s32 $0xFFFF8300  }
0x36: {  	[tilespmem:s2], [sflag:$0x5] =	stream.linear.gather [hbm4b:s3+s2], $0x1388, $0x38;
	[tilespmem:$0x10D88] =	vst v63  }
0x37: {  	_ =	swait.ge [sflag:s4], $0x1388  }
0x38: {  	[sflag:s4] =	ssyncset.done $0x0  }
0x39: {  	[sflag:s4] =	ssyncadd.s32 $0xFFFFEC78  }
0x3a: {  	[tilespmem:s7], [sflag:$0x1] =	stream.indirect.gather [hbm4b:s5+s6], $0x20, s2, s6, $0xb8;
	[tilespmem:$0x10D88] =	vst v63  }
0x3b: {  	_ = 	snop  }
0x3c: {  	[tilespmem:s8], [sflag:$0x2] =	stream.indirect.gather [hbm4b:s5+s6], $0x20, s6, s6, $0xb8;
	[tilespmem:$0x10D88] =	vst v63  }
0x3d: {  	_ =	swait.ge [sflag:s9], $0x7D00  }
0x3e: {  	[sflag:s9] =	ssyncset.done $0x0  }
0x3f: {  	[sflag:s9] =	ssyncadd.s32 $0xFFFF8300  }
0x40: {  	[hbm4b:s11+s2] =	stream.linear.scatter [tilespmem:s7], [sflag:$0x3], $0x7D00, $0x38;
	[tilespmem:$0x10D88] =	vst v63  }
0x41: {  	_ =	swait.ge [sflag:s10], $0x7D00  }
0x42: {  	[sflag:s10] =	ssyncset.done $0x0  }
0x43: {  	[sflag:s10] =	ssyncadd.s32 $0xFFFF8300  }
0x44: {  	[tilespmem:s7], [sflag:$0x1] =	stream.indirect.gather [hbm4b:s5+s6], $0x20, s12, s6, $0xb8;
	[tilespmem:$0x10D88] =	vst v63  }
0x45: {  	_ =	swait.ge [sflag:s13], $0x7D00  }
0x46: {  	[sflag:s13] =	ssyncset.done $0x0  }
0x47: {  	[sflag:s13] =	ssyncadd.s32 $0xFFFF8300  }
0x48: {  	[hbm4b:s14+s2] =	stream.linear.scatter [tilespmem:s8], [sflag:$0x4], $0x7D00, $0x38;
	[tilespmem:$0x10D88] =	vst v63  }
0x49: {  	_ =	swait.ge [sflag:s15], $0x7D00  }
0x4a: {  	[sflag:s15] =	ssyncset.done $0x0  }
0x4b: {  	[sflag:s15] =	ssyncadd.s32 $0xFFFF8300  }
0x4c: {  	[tilespmem:s8], [sflag:$0x2] =	stream.indirect.gather [hbm4b:s5+s6], $0x20, s16, s6, $0xb8;
	[tilespmem:$0x10D88] =	vst v63  }
0x4d: {  	_ =	swait.ge [sflag:s9], $0x7D00  }
0x4e: {  	[sflag:s9] =	ssyncset.done $0x0  }
0x4f: {  	[sflag:s9] =	ssyncadd.s32 $0xFFFF8300  }
0x50: {  	[hbm4b:s17+s2] =	stream.linear.scatter [tilespmem:s7], [sflag:$0x3], $0x7D00, $0x38;
	[tilespmem:$0x10D88] =	vst v63  }
0x51: {  	_ =	swait.ge [sflag:s10], $0x7D00  }
0x52: {  	[sflag:s10] =	ssyncset.done $0x0  }
0x53: {  	[sflag:s10] =	ssyncadd.s32 $0xFFFF8300  }
0x54: {  	[tilespmem:s7], [sflag:$0x1] =	stream.indirect.gather [hbm4b:s5+s6], $0x20, s18, s6, $0xb8;
	[tilespmem:$0x10D88] =	vst v63  }
0x55: {  	_ =	swait.ge [sflag:s13], $0x7D00  }
0x56: {  	[sflag:s13] =	ssyncset.done $0x0  }
0x57: {  	[sflag:s13] =	ssyncadd.s32 $0xFFFF8300  }
0x58: {  	[hbm4b:s19+s2] =	stream.linear.scatter [tilespmem:s8], [sflag:$0x4], $0x7D00, $0x38;
	[tilespmem:$0x10D88] =	vst v63  }
0x59: {  	_ =	swait.ge [sflag:s9], $0x7D00  }
0x5a: {  	[sflag:s9] =	ssyncset.done $0x0  }
0x5b: {  	[sflag:s9] =	ssyncadd.s32 $0xFFFF8300  }
0x5c: {  	[hbm4b:s20+s2] =	stream.linear.scatter [tilespmem:s7], [sflag:$0x3], $0x7D00, $0x38;
	[tilespmem:$0x10D88] =	vst v63  }
.Ltmp1:
0x5d: {  	_ =	swait.ge [sflag:s15], $0x7D00;
	(pc) =	sbr.rel @p0 .LBB2_1-.Ltmp1, $4  }
0x5e: {  	[sflag:s15] =	ssyncset.done $0x0  }
0x5f: {  	[sflag:s15] =	ssyncadd.s32 $0xFFFF8300  }
0x60: {  	_ =	swait.ge [sflag:s10], $0x7D00  }
0x61: {  	[sflag:s10] =	ssyncset.done $0x0  }
.LBB2_2:
0x62: {  	[sflag:s10] =	ssyncadd.s32 $0xFFFF8300  }
0x63: {  	_ =	sfence.sel $0x180000  }
0x64: {  	[bflag:$0x0] =	sbarrier.arrive $0xFFFF  }
0x65: {  	p0 =	sne.s32 s0, $0x0;
	_ =	strace $0x90000053  }
0x66: {  	s0 =	sadd.s32 @!p0 $0x100000, s1;
	[bflag:$0x2] =	sbarrier.arrive $0xFFFF  }
0x67: {  	[sflag:s0] =	ssyncadd.tile.s32 @!p0 $0x1;
	_ =	shalt  }
.Lfunc_end2:
_tile_overlayer_lowered:
.L_overlay_start_2:
0x68: {  	(tag) =	ssettag $0x2  }
0x69: {  	s0 =	rddreg [dreg:$0x0];
	s2 =	stileid.u32  }
0x6a: {  	s1 =	rddreg [dreg:$0x1];
	p0 =	sne.s32 s2, $0x0  }
0x6b: {  	s3 =	rddreg [dreg:$0x2];
	[bflag:$0x3] =	sbarrier.arrive $0xFFFF;
	s2 =	simm.s32 @!p0 $0x1C05  }
0x6c: {  	[timem:s3], [sflag:s2] =	dma.local @!p0 [hbm:s0], s1  }
0x6d: {  	s0 =	simm.s32 @!p0 $0x5  }
0x6e: {  	_ =	swait.ge @!p0 [sflag:s0], s1  }
0x6f: {  	s1 =	ssub.s32 @!p0 $0x0, s1;
	[sflag:s0] =	ssyncset.done @!p0 $0x0  }
0x70: {  	[sflag:s0] =	ssyncadd.s32 @!p0 s1  }
0x71: {  	[bflag:$0x3] =	sbarrier.arrive $0xFFFF  }
0x72: {  	_ =	shalt  }

// kernel: kernel.31.cloned.1.call-start
scs
__scs_entry_jumppad:
0x0: {  	(pc) =	sbr.rel $0x88, $3  }
0x1: {  	(tag) =	ssettag $0x0;
	lr =	simm.s32 $0x1  }
0x2: {  	[smem:$0x3F92] =	sst lr;
	_ =	strace $0xD0000000  }
0x3: {  	_ = 	snop  }
0x4: {  	_ = 	snop  }
0x5: {  	_ = 	snop  }
0x6: {  	_ = 	snop  }
0x7: {  	_ = 	snop  }
__scs_overlays_trampoline_lowered:
0x8: {  	[smem:$0x3FA1] =	sst s0  }
0x9: {  	[smem:$0x3FA2] =	sst s1  }
0xa: {  	[smem:$0x3FA3] =	sst s2  }
0xb: {  	[smem:$0x3FA4] =	sst s3  }
0xc: {  	[smem:$0x3FA5] =	sst s4  }
0xd: {  	[smem:$0x3FA6] =	sst s5  }
0xe: {  	[smem:$0x3FA7] =	sst s6  }
0xf: {  	[smem:$0x3FA8] =	sst s7  }
0x10: {  	[smem:$0x3FA9] =	sst s8  }
0x11: {  	[smem:$0x3FAA] =	sst s9;
	s0 =	simm.s32 @!p0 $0x0  }
0x12: {  	s1 =	sld [smem:$0x3F90];
	s0 =	simm.s32 @p0 $0x1  }
0x13: {  	[smem:$0x3FAB] =	sst s0;
	s0 =	simm.s32 @!p1 $0x0  }
0x14: {  	s2 =	sld [smem:$0x3F8F];
	s0 =	simm.s32 @p1 $0x1  }
0x15: {  	[smem:$0x3FAC] =	sst s0;
	s0 =	simm.s32 @!p2 $0x0  }
0x16: {  	s3 =	sld [smem:$0x3FDB];
	s0 =	simm.s32 @p2 $0x1  }
0x17: {  	s4 =	simm.s32 $0x1BF5;
	[smem:$0x3FAE] =	sst s0  }
0x18: {  	s0 =	sld [smem:$0x3F91];
	_ =	swait.ge [sflag:s4], $0x0  }
0x19: {  	s7 =	sld [smem:$0x3F92]  }
0x1a: {  	s8 =	sadd.s32 $0xFFFFE003, lr  }
0x1b: {  	s9 =	sadd.s32 $0xFFFFFEF7, lr;
	s5 =	simm.s32 $0xFFFFFFFF;
	p2 =	slt.u32 s8, $0xFFFFF086  }
0x1c: {  	p1 =	slt.u32 s9, $0xF7A;
	s5 =	simm.s32 @!p2 $0x0  }
0x1d: {  	s5 =	simm.s32 @p1 $0x1;
	p0 =	seq.s32 s7, s2  }
0x1e: {  	s7 =	smul.u32 @!p0 $0xF7A, s2;
	p2 =	seq.s32 @!p0 s5, $0x0  }
0x1f: {  	s9 =	smul.u32 $0xF7A, s1;
	s8 =	simm.s32 @!p0 $0x1BF5;
	p2 =	por !p2, p0  }
0x20: {  	[sflag:s8] =	ssyncset.s32 @!p0 $0xFFFFF086;
	s6 =	sadd.s32 @!p0 s3, s7;
	s7 =	simm.s32 @!p0 $0x108  }
0x21: {  	s3 =	sadd.s32 s3, s9;
	s6 =	sadd.s32 @!p0 $0x88, s6;
	s7 =	simm.s32 @p2 $0x1082  }
0x22: {  	[simem:s7], [sflag:s8] =	dma.local @!p0 [hbm:s6], $0xF7A  }
0x23: {  	s9 =	sor.u32 $0xD0000000, s2;
	s6 =	simm.s32 $0x108;
	_ =	swait.ge @!p0 [sflag:s8], $0x0  }
0x24: {  	s3 =	sadd.s32 $0x88, s3;
	s6 =	simm.s32 @!p1 $0x1082;
	[sflag:s4] =	ssyncset.s32 $0xFFFFF086  }
0x25: {  	[simem:s6], [sflag:s4] =	dma.local [hbm:s3], $0xF7A  }
0x26: {  	[smem:$0x3F92] =	sst s1;
	(tag) =	ssettag s2;
	_ =	strace s9  }
0x27: {  	s1 =	sld [smem:$0x3FA2]  }
0x28: {  	s2 =	sld [smem:$0x3FA3]  }
0x29: {  	s4 =	sld [smem:$0x3FA5]  }
0x2a: {  	p0 =	seq.s32 s5, $0x0;
	s5 =	sld [smem:$0x3FA6]  }
0x2b: {  	s6 =	sld [smem:$0x3FA7]  }
0x2c: {  	s7 =	sld [smem:$0x3FA8]  }
0x2d: {  	s3 =	simm.s32 $0x108;
	s8 =	sld [smem:$0x3FA9]  }
0x2e: {  	s3 =	simm.s32 @!p0 $0x1082;
	s9 =	sld [smem:$0x3FAA]  }
0x2f: {  	lr =	sadd.s32 s0, s3;
	s0 =	sld [smem:$0x3FA1]  }
0x30: {  	s3 =	sld [smem:$0x3FA4]  }
0x31: {  	[smem:$0x3FAD] =	sst s10  }
0x32: {  	s10 =	sld [smem:$0x3FAB];
	_ =	sdelay $0x3  }
0x33: {  	p0 =	seq.s32 s10, $0x1;
	s10 =	sld [smem:$0x3FAD];
	_ =	sdelay $0x3  }
0x34: {  	[smem:$0x3FAD] =	sst s10  }
0x35: {  	s10 =	sld [smem:$0x3FAC];
	_ =	sdelay $0x3  }
0x36: {  	p1 =	seq.s32 s10, $0x1;
	s10 =	sld [smem:$0x3FAD];
	_ =	sdelay $0x3  }
0x37: {  	[smem:$0x3FAD] =	sst s10  }
0x38: {  	s10 =	sld [smem:$0x3FAE]  }
0x39: {  	_ = 	snop;
	(pc) =	sbr.ind lr, $3  }
0x3a: {  	_ = 	snop  }
0x3b: {  	_ = 	snop  }
0x3c: {  	p2 =	seq.s32 s10, $0x1;
	s10 =	sld [smem:$0x3FAD]  }
0x3d: {  	_ =	shalt  }
0x3e: {  	_ =	shalt  }
0x3f: {  	_ =	shalt  }
0x40: {  	_ =	shalt  }
0x41: {  	_ =	shalt  }
0x42: {  	_ =	shalt  }
0x43: {  	_ =	shalt  }
0x44: {  	_ =	shalt  }
0x45: {  	_ =	shalt  }
0x46: {  	_ =	shalt  }
0x47: {  	_ =	shalt  }
0x48: {  	_ =	shalt  }
0x49: {  	_ =	shalt  }
0x4a: {  	_ =	shalt  }
0x4b: {  	_ =	shalt  }
0x4c: {  	_ =	shalt  }
0x4d: {  	_ =	shalt  }
0x4e: {  	_ =	shalt  }
0x4f: {  	_ =	shalt  }
0x50: {  	_ =	shalt  }
0x51: {  	_ =	shalt  }
0x52: {  	_ =	shalt  }
0x53: {  	_ =	shalt  }
0x54: {  	_ =	shalt  }
0x55: {  	_ =	shalt  }
0x56: {  	_ =	shalt  }
0x57: {  	_ =	shalt  }
0x58: {  	_ =	shalt  }
0x59: {  	_ =	shalt  }
0x5a: {  	_ =	shalt  }
0x5b: {  	_ =	shalt  }
0x5c: {  	_ =	shalt  }
0x5d: {  	_ =	shalt  }
0x5e: {  	_ =	shalt  }
0x5f: {  	_ =	shalt  }
0x60: {  	_ =	shalt  }
0x61: {  	_ =	shalt  }
0x62: {  	_ =	shalt  }
0x63: {  	_ =	shalt  }
0x64: {  	_ =	shalt  }
0x65: {  	_ =	shalt  }
0x66: {  	_ =	shalt  }
0x67: {  	_ =	shalt  }
0x68: {  	_ =	shalt  }
0x69: {  	_ =	shalt  }
0x6a: {  	_ =	shalt  }
0x6b: {  	_ =	shalt  }
0x6c: {  	_ =	shalt  }
0x6d: {  	_ =	shalt  }
0x6e: {  	_ =	shalt  }
0x6f: {  	_ =	shalt  }
0x70: {  	_ =	shalt  }
0x71: {  	_ =	shalt  }
0x72: {  	_ =	shalt  }
0x73: {  	_ =	shalt  }
0x74: {  	_ =	shalt  }
0x75: {  	_ =	shalt  }
0x76: {  	_ =	shalt  }
0x77: {  	_ =	shalt  }
0x78: {  	_ =	shalt  }
0x79: {  	_ =	shalt  }
0x7a: {  	_ =	shalt  }
0x7b: {  	_ =	shalt  }
0x7c: {  	_ =	shalt  }
0x7d: {  	_ =	shalt  }
0x7e: {  	_ =	shalt  }
0x7f: {  	_ =	shalt  }
0x80: {  	_ =	shalt  }
0x81: {  	_ =	shalt  }
0x82: {  	_ =	shalt  }
0x83: {  	_ =	shalt  }
0x84: {  	_ =	shalt  }
0x85: {  	_ =	shalt  }
0x86: {  	_ =	shalt  }
0x87: {  	_ =	shalt  }
.Lfunc_end0:
.L_simem_size_0:
called_computation.5_lowered:
.L_overlay_start_0:
0x88: {  	s2 =	sld [smem:$0x3FD9]  }
0x89: {  	s3 =	sld [smem:$0x3FFE];
	_ =	sdelay $0x1  }
0x8a: {  	s1 =	srdreg.scid  }
0x8b: {  	s0 =	sand.u32 $0x1, s1  }
0x8c: {  	s14 =	sshll.u32 s0, $0xA;
	s2 =	sadd.s32 s3, s2  }
0x8d: {  	s2 =	sadd.s32 s2, s14  }
0x8e: {  	[smem:$0x3FB9] =	sst s2  }
0x8f: {  	_ = 	snop  }
0x90: {  	s2 =	sld [smem:$0x3FD0];
	_ =	sdelay $0x2  }
0x91: {  	s15 =	simm.s32 $0xA;
	s4 =	simm.s32 $0x10  }
0x92: {  	[smem:s4], [sflag:s15] =	dma.local [hbm:s2], $0x1  }
0x93: {  	_ =	swait.eq [sflag:s15], $0x1  }
0x94: {  	[sflag:s15] =	ssyncset.done $0x0  }
0x95: {  	s16 =	sld [smem:$0x10];
	[sflag:s15] =	ssyncadd.s32 $0xFFFFFFFF  }
0x96: {  	s17 =	sld [smem:$0x11];
	(tm) =	ssettm $0x1  }
0x97: {  	s18 =	sld [smem:$0x3FFB];
	_ =	sdelay $0x3  }
0x98: {  	_ =	strace s18  }
0x99: {  	s4 =	sld [smem:$0x3FFC];
	_ =	sdelay $0x3  }
0x9a: {  	_ =	strace s4  }
0x9b: {  	s4 =	sld [smem:$0x3FFD];
	_ =	sdelay $0x3  }
0x9c: {  	_ =	strace s4  }
0x9d: {  	_ =	strace $0x8FFFFFFF  }
0x9e: {  	s19 =	sld [smem:$0x3FDB];
	_ =	sdelay $0x1  }
0x9f: {  	s5 =	simm.s32 $_scs_section_size  }
0xa0: {  	s6 =	simm.s32 $_size__tile_overlayer_lowered;
	s7 =	simm.s32 $_tile_overlayer_lowered  }
0xa1: {  	s22 =	simm.s32 $0x1BFF;
	s21 =	sshll.u32 s7, $0x1;
	s4 =	sadd.s32 s5, s19  }
0xa2: {  	s8 =	simm.s32 $0x0;
	s20 =	sshll.u32 s6, $0x1;
	s6 =	sadd.s32 s21, s4  }
0xa3: {  	[timem:s8], [sflag:s22] =	dma.local [hbm:s6], s20  }
0xa4: {  	_ =	swait.ge [sflag:s22], s20  }
0xa5: {  	s5 =	ssub.s32 $0x0, s20;
	[sflag:s22] =	ssyncset.done $0x0  }
0xa6: {  	[sflag:s22] =	ssyncadd.s32 s5;
	_ =	sdelay $0x1  }
0xa7: {  	s23 =	simm.s32 $0x1B8B  }
0xa8: {  	_ =	swait.ge [sflag:s23], $0x1  }
0xa9: {  	[sflag:s23] =	ssyncset.done $0x0  }
0xaa: {  	s25 =	simm.s32 $0x1B8E;
	s24 =	sld [smem:$0x3FFE];
	[sflag:s23] =	ssyncadd.s32 $0xFFFFFFFF  }
0xab: {  	s26 =	simm.s32 $execute0_lowered;
	[smem:$0x3FD2] =	sst s25  }
0xac: {  	s6 =	sshll.u32 s26, $0x1;
	_ =	strace $0x80000055;
	[dreg:$0x1] =	wrdreg $0xFFFFFFFF  }
0xad: {  	s28 =	simm.s32 $_size_execute0_lowered;
	s4 =	sadd.s32 s4, s6;
	[dreg:$0x0] =	wrdreg $0x0  }
0xae: {  	s6 =	sshll.u32 s28, $0x1;
	[dreg:$0x2] =	wrdreg s4  }
0xaf: {  	[dreg:$0x3] =	wrdreg s6  }
0xb0: {  	[dreg:$0x4] =	wrdreg $0xC0  }
0xb1: {  	_ =	task [dreg:s8], $0x5FFFF  }
0xb2: {  	[dreg:$0x1] =	wrdreg $0xFFFFFFFF  }
0xb3: {  	[dreg:$0x0] =	wrdreg $0x60  }
0xb4: {  	[dreg:$0x2] =	wrdreg s24  }
0xb5: {  	[dreg:$0x3] =	wrdreg s16  }
0xb6: {  	[dreg:$0x4] =	wrdreg s17  }
0xb7: {  	[dreg:$0x5] =	wrdreg $0x10D880  }
0xb8: {  	[dreg:$0x6] =	wrdreg $0x9  }
0xb9: {  	_ =	task.clear_ibuf [dreg:s8], $0x7FFFF;
	_ =	strace $0x90000055  }
0xba: {  	s29 =	simm.s32 $0x9;
	_ =	strace $0x80000057  }
0xbb: {  	_ =	swait.ge [sflag:s29], $0x1  }
0xbc: {  	[sflag:s29] =	ssyncadd.s32 $0xFFFFFFFF  }
0xbd: {  	_ =	strace $0x90000057  }
0xbe: {  	_ =	sfence  }
0xbf: {  	s30 =	sld [smem:$0x0];
	_ =	sdelay $0x2  }
0xc0: {  	s31 =	sshll.u32 s1, $0xD;
	s1 =	sshrl.u32 s1, $0x2  }
0xc1: {  	s3 =	sand.u32 $0x4000, s31;
	s1 =	sadd.s32 s1, s30  }
0xc2: {  	s0 =	sor.u32 s3, s0;
	s1 =	sshll.u32 s1, $0x11  }
0xc3: {  	s0 =	sor.u32 s1, s0  }
0xc4: {  	s0 =	sadd.s32 $0x8F2B, s0  }
0xc5: {  	[sflag:s0] =	ssyncadd.remote.s32 $0x1  }
0xc6: {  	_ =	sfence.sel $0xFFFF  }
0xc7: {  	[dreg:$0x0] =	wrdreg $0xFFFFFFFF;
	(pc) =	sbr.abs _section_cstart, $3  }
0xc8: {  	[dreg:$0x1] =	wrdreg $0xFFFFFFFF  }
0xc9: {  	_ =	task.clear_ibuf [dreg:s8], $0x2FFFF;
	_ =	strace $0x9FFFFFFF  }
0xca: {  	(tm) =	ssettm $0x7FFFFFFF  }
0xcb: {  	_ =	shalt  }
tec
execute0_lowered:
.L_overlay_start_1:
0x0: {  	(tag) =	ssettag $0x1  }
0x1: {  	s10 =	rddreg [dreg:$0x0]  }
0x2: {  	s6 =	rddreg [dreg:$0x1]  }
0x3: {  	s24 =	rddreg [dreg:$0x2]  }
0x4: {  	s2 =	rddreg [dreg:$0x3]  }
0x5: {  	s0 =	rddreg [dreg:$0x4];
	s4 =	srdreg.scid  }
0x6: {  	s1 =	stileid.u32;
	s3 =	simm.s32 $0x0;
	s28 =	sand.u32 $0x1, s4  }
0x7: {  	s26 =	smul.u32 $0x5000, s1;
	[smem:$0x7FF] =	sst s3;
	s4 =	sshll.u32 s28, $0x4  }
0x8: {  	s25 =	sshll.u32 s1, $0x6;
	_ =	strace $0x80000056;
	s11 =	sor.u32 s1, s4  }
0x9: {  	s5 =	sshrl.u32 s26, $0x3;
	s8 =	sadd.s32 s26, s2;
	s7 =	smul.u32 $0x271, s11  }
0xa: {  	s29 =	sadd.s32 s5, s10;
	s5 =	sor.u32 $0x1C03, s25;
	s8 =	sshrl.u32 s8, $0x3  }
0xb: {  	s4 =	sadd.s32 $0xB1400, s29;
	s6 =	sadd.s32 s6, s7;
	s7 =	simm.s32 $0x5  }
0xc: {  	[spmem:s8], [sflag:s5] =	dma.local [hbm:s4], $0xA00  }
0xd: {  	[tilespmem:s3], [sflag:$0x5] =	stream.linear.gather [hbm4b:s6+s3], $0x1388, $0x38;
	[tilespmem:$0x15D88] =	vst v63  }
0xe: {  	_ =	swait.ge [sflag:s7], $0x1388  }
0xf: {  	[sflag:s7] =	ssyncset.done $0x0  }
0x10: {  	s9 =	simm.s32 $0x3;
	s12 =	smul.u32 $0x4E20, s11;
	[sflag:s7] =	ssyncadd.s32 $0xFFFFEC78  }
0x11: {  	s11 =	smul.u32 $0x27100, s11;
	_ =	swait.ge [sflag:s9], $0xA00  }
0x12: {  	s13 =	sadd.s32 $0x15000, s10;
	[sflag:s9] =	ssyncset.done $0x0  }
0x13: {  	s10 =	sadd.s32 s13, s12;
	s11 =	sshrl.u32 s11, $0x3;
	[sflag:s9] =	ssyncadd.s32 $0xFFFFF600  }
0x14: {  	s21 =	sadd.s32 s13, s11;
	s11 =	simm.s32 $0x1388;
	[bflag:$0x0] =	sbarrier.arrive $0xFFFF  }
0x15: {  	[tilespmem:s11], [sflag:$0x1] =	stream.linear.gather [hbm4b:s10+s3], $0x7D00, $0x38;
	[tilespmem:$0x15D88] =	vst v63  }
0x16: {  	s14 =	simm.s32 $0x1;
	s13 =	simm.s32 $0x9088;
	s12 =	sadd.s32 $0xFA0, s21  }
0x17: {  	[tilespmem:s13], [sflag:$0x2] =	stream.linear.gather [hbm4b:s12+s3], $0x7D00, $0x38;
	[tilespmem:$0x15D88] =	vst v63  }
0x18: {  	_ =	swait.ge [sflag:s14], $0x7D00  }
0x19: {  	[sflag:s14] =	ssyncset.done $0x0  }
0x1a: {  	s15 =	simm.s32 $0x3E8;
	[sflag:s14] =	ssyncadd.s32 $0xFFFF8300  }
0x1b: {  	[spmem:s2] =	stream.indirect.scatter.add.f32 [tilespmem:s11], [sflag:$0x3], $0x20, s3, s15, $0xb8;
	[tilespmem:$0x15D88] =	vst v63  }
0x1c: {  	_ =	swait.ge [sflag:s9], $0x7D00  }
0x1d: {  	[sflag:s9] =	ssyncset.done $0x0  }
0x1e: {  	s17 =	simm.s32 $0x2;
	s16 =	sadd.s32 $0x1F40, s21;
	[sflag:s9] =	ssyncadd.s32 $0xFFFF8300  }
0x1f: {  	[tilespmem:s11], [sflag:$0x1] =	stream.linear.gather [hbm4b:s16+s3], $0x7D00, $0x38;
	[tilespmem:$0x15D88] =	vst v63  }
0x20: {  	_ =	swait.ge [sflag:s17], $0x7D00  }
0x21: {  	[sflag:s17] =	ssyncset.done $0x0  }
0x22: {  	s18 =	simm.s32 $0x4;
	[sflag:s17] =	ssyncadd.s32 $0xFFFF8300  }
0x23: {  	[spmem:s2] =	stream.indirect.scatter.add.f32 [tilespmem:s13], [sflag:$0x4], $0x20, s15, s15, $0xb8;
	[tilespmem:$0x15D88] =	vst v63  }
0x24: {  	_ =	swait.ge [sflag:s18], $0x7D00  }
0x25: {  	[sflag:s18] =	ssyncset.done $0x0  }
0x26: {  	s19 =	sadd.s32 $0x2EE0, s21;
	[sflag:s18] =	ssyncadd.s32 $0xFFFF8300  }
0x27: {  	[tilespmem:s13], [sflag:$0x2] =	stream.linear.gather [hbm4b:s19+s3], $0x7D00, $0x38;
	[tilespmem:$0x15D88] =	vst v63  }
0x28: {  	_ =	swait.ge [sflag:s14], $0x7D00  }
0x29: {  	[sflag:s14] =	ssyncset.done $0x0  }
0x2a: {  	s20 =	simm.s32 $0x7D0;
	[sflag:s14] =	ssyncadd.s32 $0xFFFF8300  }
0x2b: {  	[spmem:s2] =	stream.indirect.scatter.add.f32 [tilespmem:s11], [sflag:$0x3], $0x20, s20, s15, $0xb8;
	[tilespmem:$0x15D88] =	vst v63  }
0x2c: {  	_ =	swait.ge [sflag:s9], $0x7D00  }
0x2d: {  	[sflag:s9] =	ssyncset.done $0x0  }
0x2e: {  	s21 =	sadd.s32 $0x3E80, s21;
	[sflag:s9] =	ssyncadd.s32 $0xFFFF8300  }
0x2f: {  	[tilespmem:s11], [sflag:$0x1] =	stream.linear.gather [hbm4b:s21+s3], $0x7D00, $0x38;
	[tilespmem:$0x15D88] =	vst v63  }
0x30: {  	_ =	swait.ge [sflag:s17], $0x7D00  }
0x31: {  	[sflag:s17] =	ssyncset.done $0x0  }
0x32: {  	s22 =	simm.s32 $0xBB8;
	[sflag:s17] =	ssyncadd.s32 $0xFFFF8300  }
0x33: {  	[spmem:s2] =	stream.indirect.scatter.add.f32 [tilespmem:s13], [sflag:$0x4], $0x20, s22, s15, $0xb8;
	[tilespmem:$0x15D88] =	vst v63  }
0x34: {  	_ =	swait.ge [sflag:s14], $0x7D00  }
0x35: {  	[sflag:s14] =	ssyncset.done $0x0  }
0x36: {  	s23 =	simm.s32 $0xFA0;
	[sflag:s14] =	ssyncadd.s32 $0xFFFF8300  }
0x37: {  	[spmem:s2] =	stream.indirect.scatter.add.f32 [tilespmem:s11], [sflag:$0x3], $0x20, s23, s15, $0xb8;
	[tilespmem:$0x15D88] =	vst v63  }
0x38: {  	s29 =	smul.u32 $0x50000, s28;
	s28 =	ssub.s32 $0x2, s28;
	_ =	swait.ge [sflag:s18], $0x7D00  }
0x39: {  	s30 =	sshrl.u32 s28, $0x1;
	[sflag:s18] =	ssyncset.done $0x0  }
0x3a: {  	s28 =	ssub.s32 s28, s30;
	[sflag:s18] =	ssyncadd.s32 $0xFFFF8300  }
0x3b: {  	s31 =	smax.u32 s28, $0x1;
	_ =	swait.ge [sflag:s9], $0x7D00  }
0x3c: {  	s26 =	sadd.s32 s26, s29;
	p0 =	sne.s32 s31, $0x1;
	[sflag:s9] =	ssyncset.done $0x0  }
.Ltmp0:
0x3d: {  	s26 =	sshrl.u32 s26, $0x3;
	[sflag:s9] =	ssyncadd.s32 $0xFFFF8300;
	(pc) =	sbr.rel @!p0 .LBB2_2-.Ltmp0, $4  }
0x3e: {  	s25 =	sor.u32 $0x1C05, s25;
	s24 =	sadd.s32 s24, s26;
	[bflag:$0x0] =	sbarrier.arrive $0xFFFF  }
0x3f: {  	[hbm:s24], [sflag:s25] =	dma.local [spmem:s8], $0xA00  }
0x40: {  	_ =	swait.ge [sflag:s7], $0xA00  }
0x41: {  	s26 =	sadd.s32 $0xFFFFFFFF, s31;
	[sflag:s7] =	ssyncset.done $0x0  }
.LBB2_1:
0x42: {  	p0 =	sne.s32 s26, $0x1;
	s26 =	sadd.s32 $0xFFFFFFFF, s26;
	[sflag:s7] =	ssyncadd.s32 $0xFFFFF600  }
0x43: {  	[spmem:s8], [sflag:s5] =	dma.local [hbm:s4], $0xA00  }
0x44: {  	[tilespmem:s3], [sflag:$0x5] =	stream.linear.gather [hbm4b:s6+s3], $0x1388, $0x38;
	[tilespmem:$0x15D88] =	vst v63  }
0x45: {  	_ =	swait.ge [sflag:s7], $0x1388  }
0x46: {  	[sflag:s7] =	ssyncset.done $0x0  }
0x47: {  	[sflag:s7] =	ssyncadd.s32 $0xFFFFEC78  }
0x48: {  	_ =	swait.ge [sflag:s9], $0xA00  }
0x49: {  	[sflag:s9] =	ssyncset.done $0x0  }
0x4a: {  	[sflag:s9] =	ssyncadd.s32 $0xFFFFF600  }
0x4b: {  	[bflag:$0x0] =	sbarrier.arrive $0xFFFF  }
0x4c: {  	[tilespmem:s11], [sflag:$0x1] =	stream.linear.gather [hbm4b:s10+s3], $0x7D00, $0x38;
	[tilespmem:$0x15D88] =	vst v63  }
0x4d: {  	_ = 	snop  }
0x4e: {  	[tilespmem:s13], [sflag:$0x2] =	stream.linear.gather [hbm4b:s12+s3], $0x7D00, $0x38;
	[tilespmem:$0x15D88] =	vst v63  }
0x4f: {  	_ =	swait.ge [sflag:s14], $0x7D00  }
0x50: {  	[sflag:s14] =	ssyncset.done $0x0  }
0x51: {  	[sflag:s14] =	ssyncadd.s32 $0xFFFF8300  }
0x52: {  	[spmem:s2] =	stream.indirect.scatter.add.f32 [tilespmem:s11], [sflag:$0x3], $0x20, s3, s15, $0xb8;
	[tilespmem:$0x15D88] =	vst v63  }
0x53: {  	_ =	swait.ge [sflag:s9], $0x7D00  }
0x54: {  	[sflag:s9] =	ssyncset.done $0x0  }
0x55: {  	[sflag:s9] =	ssyncadd.s32 $0xFFFF8300  }
0x56: {  	[tilespmem:s11], [sflag:$0x1] =	stream.linear.gather [hbm4b:s16+s3], $0x7D00, $0x38;
	[tilespmem:$0x15D88] =	vst v63  }
0x57: {  	_ =	swait.ge [sflag:s17], $0x7D00  }
0x58: {  	[sflag:s17] =	ssyncset.done $0x0  }
0x59: {  	[sflag:s17] =	ssyncadd.s32 $0xFFFF8300  }
0x5a: {  	[spmem:s2] =	stream.indirect.scatter.add.f32 [tilespmem:s13], [sflag:$0x4], $0x20, s15, s15, $0xb8;
	[tilespmem:$0x15D88] =	vst v63  }
0x5b: {  	_ =	swait.ge [sflag:s18], $0x7D00  }
0x5c: {  	[sflag:s18] =	ssyncset.done $0x0  }
0x5d: {  	[sflag:s18] =	ssyncadd.s32 $0xFFFF8300  }
0x5e: {  	[tilespmem:s13], [sflag:$0x2] =	stream.linear.gather [hbm4b:s19+s3], $0x7D00, $0x38;
	[tilespmem:$0x15D88] =	vst v63  }
0x5f: {  	_ =	swait.ge [sflag:s14], $0x7D00  }
0x60: {  	[sflag:s14] =	ssyncset.done $0x0  }
0x61: {  	[sflag:s14] =	ssyncadd.s32 $0xFFFF8300  }
0x62: {  	[spmem:s2] =	stream.indirect.scatter.add.f32 [tilespmem:s11], [sflag:$0x3], $0x20, s20, s15, $0xb8;
	[tilespmem:$0x15D88] =	vst v63  }
0x63: {  	_ =	swait.ge [sflag:s9], $0x7D00  }
0x64: {  	[sflag:s9] =	ssyncset.done $0x0  }
0x65: {  	[sflag:s9] =	ssyncadd.s32 $0xFFFF8300  }
0x66: {  	[tilespmem:s11], [sflag:$0x1] =	stream.linear.gather [hbm4b:s21+s3], $0x7D00, $0x38;
	[tilespmem:$0x15D88] =	vst v63  }
0x67: {  	_ =	swait.ge [sflag:s17], $0x7D00  }
0x68: {  	[sflag:s17] =	ssyncset.done $0x0  }
0x69: {  	[sflag:s17] =	ssyncadd.s32 $0xFFFF8300  }
0x6a: {  	[spmem:s2] =	stream.indirect.scatter.add.f32 [tilespmem:s13], [sflag:$0x4], $0x20, s22, s15, $0xb8;
	[tilespmem:$0x15D88] =	vst v63  }
0x6b: {  	_ =	swait.ge [sflag:s14], $0x7D00  }
0x6c: {  	[sflag:s14] =	ssyncset.done $0x0  }
0x6d: {  	[sflag:s14] =	ssyncadd.s32 $0xFFFF8300  }
0x6e: {  	[spmem:s2] =	stream.indirect.scatter.add.f32 [tilespmem:s11], [sflag:$0x3], $0x20, s23, s15, $0xb8;
	[tilespmem:$0x15D88] =	vst v63  }
0x6f: {  	_ =	swait.ge [sflag:s18], $0x7D00  }
0x70: {  	[sflag:s18] =	ssyncset.done $0x0  }
0x71: {  	[sflag:s18] =	ssyncadd.s32 $0xFFFF8300  }
0x72: {  	_ =	swait.ge [sflag:s9], $0x7D00  }
0x73: {  	[sflag:s9] =	ssyncset.done $0x0  }
.Ltmp1:
0x74: {  	[sflag:s9] =	ssyncadd.s32 $0xFFFF8300;
	(pc) =	sbr.rel @p0 .LBB2_1-.Ltmp1, $4  }
0x75: {  	[bflag:$0x0] =	sbarrier.arrive $0xFFFF  }
0x76: {  	[hbm:s24], [sflag:s25] =	dma.local [spmem:s8], $0xA00  }
0x77: {  	_ =	swait.ge [sflag:s7], $0xA00  }
0x78: {  	[sflag:s7] =	ssyncset.done $0x0  }
.LBB2_2:
0x79: {  	[sflag:s7] =	ssyncadd.s32 $0xFFFFF600  }
0x7a: {  	_ =	sfence.sel $0x180000  }
0x7b: {  	[bflag:$0x0] =	sbarrier.arrive $0xFFFF  }
0x7c: {  	p0 =	sne.s32 s1, $0x0;
	_ =	strace $0x90000056  }
0x7d: {  	s0 =	sadd.s32 @!p0 $0x100000, s0;
	[bflag:$0x2] =	sbarrier.arrive $0xFFFF  }
0x7e: {  	[sflag:s0] =	ssyncadd.tile.s32 @!p0 $0x1;
	_ =	shalt  }
.Lfunc_end2:
_tile_overlayer_lowered:
.L_overlay_start_2:
0x7f: {  	(tag) =	ssettag $0x2  }
0x80: {  	s0 =	rddreg [dreg:$0x0];
	s2 =	stileid.u32  }
0x81: {  	s1 =	rddreg [dreg:$0x1];
	p0 =	sne.s32 s2, $0x0  }
0x82: {  	s3 =	rddreg [dreg:$0x2];
	[bflag:$0x3] =	sbarrier.arrive $0xFFFF;
	s2 =	simm.s32 @!p0 $0x1C05  }
0x83: {  	[timem:s3], [sflag:s2] =	dma.local @!p0 [hbm:s0], s1  }
0x84: {  	s0 =	simm.s32 @!p0 $0x5  }
0x85: {  	_ =	swait.ge @!p0 [sflag:s0], s1  }
0x86: {  	s1 =	ssub.s32 @!p0 $0x0, s1;
	[sflag:s0] =	ssyncset.done @!p0 $0x0  }
0x87: {  	[sflag:s0] =	ssyncadd.s32 @!p0 s1  }
0x88: {  	[bflag:$0x3] =	sbarrier.arrive $0xFFFF  }
0x89: {  	_ =	shalt  }

</sc_bundles>
